<compile_context>
chip_gen: v7x
topology: tpu7x:2x2x1
jax: 0.10.2.dev20260603
libtpu: 0.0.44.dev20260713+nightly
codegen_flags: <defaults>
</compile_context>

<pallas_src>
import functools

import jax
import jax.numpy as jnp
from jax import lax
from jax.experimental import pallas as pl
from jax.experimental.pallas import tpu as pltpu
from jax.experimental.pallas import tpu_sc as plsc


_V = 21
_LANES = 16


def _pad16(n):
    return (n + _LANES - 1) // _LANES * _LANES


def _sc_histogram(x):
    B, L = x.shape
    info = plsc.get_sparse_core_info()
    NC, NS = info.num_cores, info.num_subcores
    NW = NC * NS
    rows = B // NW
    nfull = L // _LANES
    LP = 256
    CP = _V * LP
    mesh = plsc.VectorSubcoreMesh(core_axis_name="c", subcore_axis_name="s")

    @functools.partial(
        pl.kernel,
        out_type=jax.ShapeDtypeStruct((NW, CP), jnp.float32),
        mesh=mesh,
        scratch_types=[
            pltpu.VMEM((rows * L,), jnp.int32),
            pltpu.VMEM((CP,), jnp.float32),
            pltpu.SemaphoreType.DMA,
        ],
        compiler_params=pltpu.CompilerParams(needs_layout_passes=False),
    )
    def hist(x_hbm, out_hbm, xbuf, cnt, sem):
        wid = lax.axis_index("s") * NC + lax.axis_index("c")
        cp_in = pltpu.async_copy(
            x_hbm.at[pl.ds(wid * rows * L, rows * L)], xbuf, sem)

        zeros = jnp.zeros((_LANES,), jnp.float32)
        for j in range(CP // _LANES):
            cnt[pl.ds(j * _LANES, _LANES)] = zeros

        ones = jnp.ones((_LANES,), jnp.float32)
        lane = lax.iota(jnp.int32, _LANES)
        tail_mask = lane >= (_LANES - L % _LANES)
        cp_in.wait()

        def row_group_body(g, carry):
            for u in range(4):
                base = (g * 4 + u) * L
                for j in range(nfull):
                    xv = xbuf[pl.ds(base + j * _LANES, _LANES)]
                    plsc.addupdate_scatter(
                        cnt, [xv * LP + (j * _LANES + lane)], ones)
                xv = xbuf[pl.ds(base + (L - _LANES), _LANES)]
                plsc.addupdate_scatter(
                    cnt, [xv * LP + ((L - _LANES) + lane)], ones,
                    mask=tail_mask)
            return carry

        lax.fori_loop(0, rows // 4, row_group_body, 0)

        pltpu.sync_copy(cnt, out_hbm.at[wid])

    return hist(x.reshape(-1))


def _dense_body(p_ref, t_ref, w1_ref, b1_ref, w2_ref, b2_ref, out_ref, a_ref):
    L = out_ref.shape[0]
    cT = jnp.sum(p_ref[...], axis=0)[:, :L]
    v_ids = lax.broadcasted_iota(jnp.int32, cT.shape, 0)
    cT = jnp.where(v_ids == 0, 0.0, cT)
    a = lax.dot_general(cT, t_ref[...], (((0,), (0,)), ((), ())),
                        preferred_element_type=jnp.float32)
    a_ref[...] = a
    h = jnp.tanh(
        lax.dot(a, w1_ref[...], preferred_element_type=jnp.float32)
        + b1_ref[...])
    out_ref[...] = (
        lax.dot(h, w2_ref[...], preferred_element_type=jnp.float32)
        + b2_ref[...])


def kernel(x, table, W1, b1, W2, b2):
    B, L = x.shape
    V, D = table.shape
    H = W1.shape[1]

    partials = _sc_histogram(x).reshape(-1, V, 256)

    out, a = pl.pallas_call(
        _dense_body,
        out_shape=[
            jax.ShapeDtypeStruct((L, D), jnp.float32),
            jax.ShapeDtypeStruct((L, D), jnp.float32),
        ],
    )(partials, table, W1, b1.reshape(1, H), W2, b2.reshape(1, D))
    return (out, a)

# --- scband reference (transcript-rebuilt; emitter-appended) ---
"""Pipeline reference for scband-my-model-2241972929040 (READ-ONLY COPY).

The authoritative reference and input builder live on the scoring server;
editing this copy changes nothing except your own understanding.
"""

import jax, jax.numpy as jnp
import numpy as np


def setup_inputs(seed: int = 0) -> dict:
    key = jax.random.key(seed)
    ks = jax.random.split(key, 6)
    x = jax.random.randint(ks[0], (4096, 200), 0, 21)
    table = jax.random.normal(ks[1], (21, 128), dtype=jnp.float32)
    table = table.at[0].set(0.0)  # padding_idx=0
    W1 = jax.random.normal(ks[2], (128, 10), dtype=jnp.float32) * 0.05
    b1 = jnp.zeros((10,), dtype=jnp.float32)
    W2 = jax.random.normal(ks[3], (10, 128), dtype=jnp.float32) * 0.05
    b2 = jnp.zeros((128,), dtype=jnp.float32)
    return {"x": x, "table": table, "W1": W1, "b1": b1, "W2": W2, "b2": b2}


def reference(x, table, W1, b1, W2, b2):
    # embedding lookup with padding_idx=0 semantics (row 0 contributes zeros)
    mask = (x != 0).astype(table.dtype)[..., None]
    embed = jnp.take(table, x, axis=0) * mask  # [B, L, 128]
    a = jnp.sum(embed, axis=0)                 # [L, 128]
    h = jnp.tanh(a @ W1 + b1)                  # [L, 10]
    out = h @ W2 + b2                          # [L, 128]
    return (out, a)

if __name__ == "__main__":
    import jax
    _d = setup_inputs()
    print(jax.jit(kernel)(*tuple(_d.values())))

</pallas_src>

<mosaic_0001>
#map = affine_map<(d0, d1) -> (0)>
#map1 = affine_map<(d0, d1) -> (0, 0)>
module attributes {stable_mosaic.version = 14 : i64} {
  func.func @hist(%arg0: i32, %arg1: i32, %arg2: memref<819200xi32, #tpu.memory_space<hbm>>, %arg3: memref<32x5376xf32, #tpu.memory_space<hbm>>, %arg4: memref<25600xi32, #tpu.memory_space<vmem>>, %arg5: memref<5376xf32, #tpu.memory_space<vmem>>, %arg6: memref<!tpu.dma_semaphore, #tpu.memory_space<semaphore_mem>>) attributes {dimension_semantics = [#tpu.dimension_semantics<core_parallel>, #tpu.dimension_semantics<subcore_parallel>], iteration_bounds = array<i64: 2, 16>, scalar_prefetch = 0 : i64, scratch_operands = 3 : i64, tpu.core_type = #tpu.core_type<sc_vector_subcore>, window_params = [{transform_indices = #map}, {transform_indices = #map1}]} {
    %mul3A = arith.constant 2 : i32
    %mul3A_0 = arith.muli %arg1, %mul3A : i32
    %add3A = arith.addi %mul3A_0, %arg0 : i32
    %mul3A_1 = arith.constant 128 : i32
    %mul3A_2 = arith.muli %add3A, %mul3A_1 : i32
    %mul3A_3 = arith.constant 200 : i32
    %mul3A_4 = arith.muli %mul3A_2, %mul3A_3 : i32
    %dma_start3A = tpu.memref_slice %arg2[%mul3A_4] : memref<819200xi32, #tpu.memory_space<hbm>> -> memref<25600xi32, #tpu.memory_space<hbm>>
    %dma_start3A_5 = tpu.memref_slice %arg2[%mul3A_4] : memref<819200xi32, #tpu.memory_space<hbm>> -> memref<25600xi32, #tpu.memory_space<hbm>>
    tpu.enqueue_dma source(%dma_start3A_5 : memref<25600xi32, #tpu.memory_space<hbm>>) target(%arg4 : memref<25600xi32, #tpu.memory_space<vmem>>) target_semaphore(%arg6 : memref<!tpu.dma_semaphore, #tpu.memory_space<semaphore_mem>>)
    %broadcast_in_dim3A = arith.constant 0.000000e+00 : f32
    %broadcast_in_dim3A_6 = vector.broadcast %broadcast_in_dim3A : f32 to vector<16xf32>
    %swap3A = arith.constant 0 : index
    %swap3A_7 = tpu.vector_load %arg5[%swap3A] {strides = array<i32>} : memref<5376xf32, #tpu.memory_space<vmem>>, vector<16xf32>,
    tpu.vector_store %arg5[%swap3A], %broadcast_in_dim3A_6 {strides = array<i32>} : memref<5376xf32, #tpu.memory_space<vmem>>, vector<16xf32>,
    %swap3A_8 = arith.constant 16 : index
    %swap3A_9 = tpu.vector_load %arg5[%swap3A_8] {strides = array<i32>} : memref<5376xf32, #tpu.memory_space<vmem>>, vector<16xf32>,
    tpu.vector_store %arg5[%swap3A_8], %broadcast_in_dim3A_6 {strides = array<i32>} : memref<5376xf32, #tpu.memory_space<vmem>>, vector<16xf32>,
    %swap3A_10 = arith.constant 32 : index
    %swap3A_11 = tpu.vector_load %arg5[%swap3A_10] {strides = array<i32>} : memref<5376xf32, #tpu.memory_space<vmem>>, vector<16xf32>,
    tpu.vector_store %arg5[%swap3A_10], %broadcast_in_dim3A_6 {strides = array<i32>} : memref<5376xf32, #tpu.memory_space<vmem>>, vector<16xf32>,
    %swap3A_12 = arith.constant 48 : index
    %swap3A_13 = tpu.vector_load %arg5[%swap3A_12] {strides = array<i32>} : memref<5376xf32, #tpu.memory_space<vmem>>, vector<16xf32>,
    tpu.vector_store %arg5[%swap3A_12], %broadcast_in_dim3A_6 {strides = array<i32>} : memref<5376xf32, #tpu.memory_space<vmem>>, vector<16xf32>,
    %swap3A_14 = arith.constant 64 : index
    %swap3A_15 = tpu.vector_load %arg5[%swap3A_14] {strides = array<i32>} : memref<5376xf32, #tpu.memory_space<vmem>>, vector<16xf32>,
    tpu.vector_store %arg5[%swap3A_14], %broadcast_in_dim3A_6 {strides = array<i32>} : memref<5376xf32, #tpu.memory_space<vmem>>, vector<16xf32>,
    %swap3A_16 = arith.constant 80 : index
    %swap3A_17 = tpu.vector_load %arg5[%swap3A_16] {strides = array<i32>} : memref<5376xf32, #tpu.memory_space<vmem>>, vector<16xf32>,
    tpu.vector_store %arg5[%swap3A_16], %broadcast_in_dim3A_6 {strides = array<i32>} : memref<5376xf32, #tpu.memory_space<vmem>>, vector<16xf32>,
    %swap3A_18 = arith.constant 96 : index
    %swap3A_19 = tpu.vector_load %arg5[%swap3A_18] {strides = array<i32>} : memref<5376xf32, #tpu.memory_space<vmem>>, vector<16xf32>,
    tpu.vector_store %arg5[%swap3A_18], %broadcast_in_dim3A_6 {strides = array<i32>} : memref<5376xf32, #tpu.memory_space<vmem>>, vector<16xf32>,
    %swap3A_20 = arith.constant 112 : index
    %swap3A_21 = tpu.vector_load %arg5[%swap3A_20] {strides = array<i32>} : memref<5376xf32, #tpu.memory_space<vmem>>, vector<16xf32>,
    tpu.vector_store %arg5[%swap3A_20], %broadcast_in_dim3A_6 {strides = array<i32>} : memref<5376xf32, #tpu.memory_space<vmem>>, vector<16xf32>,
    %swap3A_22 = arith.constant 128 : index
    %swap3A_23 = tpu.vector_load %arg5[%swap3A_22] {strides = array<i32>} : memref<5376xf32, #tpu.memory_space<vmem>>, vector<16xf32>,
    tpu.vector_store %arg5[%swap3A_22], %broadcast_in_dim3A_6 {strides = array<i32>} : memref<5376xf32, #tpu.memory_space<vmem>>, vector<16xf32>,
    %swap3A_24 = arith.constant 144 : index
    %swap3A_25 = tpu.vector_load %arg5[%swap3A_24] {strides = array<i32>} : memref<5376xf32, #tpu.memory_space<vmem>>, vector<16xf32>,
    tpu.vector_store %arg5[%swap3A_24], %broadcast_in_dim3A_6 {strides = array<i32>} : memref<5376xf32, #tpu.memory_space<vmem>>, vector<16xf32>,
    %swap3A_26 = arith.constant 160 : index
    %swap3A_27 = tpu.vector_load %arg5[%swap3A_26] {strides = array<i32>} : memref<5376xf32, #tpu.memory_space<vmem>>, vector<16xf32>,
    tpu.vector_store %arg5[%swap3A_26], %broadcast_in_dim3A_6 {strides = array<i32>} : memref<5376xf32, #tpu.memory_space<vmem>>, vector<16xf32>,
    %swap3A_28 = arith.constant 176 : index
    %swap3A_29 = tpu.vector_load %arg5[%swap3A_28] {strides = array<i32>} : memref<5376xf32, #tpu.memory_space<vmem>>, vector<16xf32>,
    tpu.vector_store %arg5[%swap3A_28], %broadcast_in_dim3A_6 {strides = array<i32>} : memref<5376xf32, #tpu.memory_space<vmem>>, vector<16xf32>,
    %swap3A_30 = arith.constant 192 : index
    %swap3A_31 = tpu.vector_load %arg5[%swap3A_30] {strides = array<i32>} : memref<5376xf32, #tpu.memory_space<vmem>>, vector<16xf32>,
    tpu.vector_store %arg5[%swap3A_30], %broadcast_in_dim3A_6 {strides = array<i32>} : memref<5376xf32, #tpu.memory_space<vmem>>, vector<16xf32>,
    %swap3A_32 = arith.constant 208 : index
    %swap3A_33 = tpu.vector_load %arg5[%swap3A_32] {strides = array<i32>} : memref<5376xf32, #tpu.memory_space<vmem>>, vector<16xf32>,
    tpu.vector_store %arg5[%swap3A_32], %broadcast_in_dim3A_6 {strides = array<i32>} : memref<5376xf32, #tpu.memory_space<vmem>>, vector<16xf32>,
    %swap3A_34 = arith.constant 224 : index
    %swap3A_35 = tpu.vector_load %arg5[%swap3A_34] {strides = array<i32>} : memref<5376xf32, #tpu.memory_space<vmem>>, vector<16xf32>,
    tpu.vector_store %arg5[%swap3A_34], %broadcast_in_dim3A_6 {strides = array<i32>} : memref<5376xf32, #tpu.memory_space<vmem>>, vector<16xf32>,
    %swap3A_36 = arith.constant 240 : index
    %swap3A_37 = tpu.vector_load %arg5[%swap3A_36] {strides = array<i32>} : memref<5376xf32, #tpu.memory_space<vmem>>, vector<16xf32>,
    tpu.vector_store %arg5[%swap3A_36], %broadcast_in_dim3A_6 {strides = array<i32>} : memref<5376xf32, #tpu.memory_space<vmem>>, vector<16xf32>,
    %swap3A_38 = arith.constant 256 : index
    %swap3A_39 = tpu.vector_load %arg5[%swap3A_38] {strides = array<i32>} : memref<5376xf32, #tpu.memory_space<vmem>>, vector<16xf32>,
    tpu.vector_store %arg5[%swap3A_38], %broadcast_in_dim3A_6 {strides = array<i32>} : memref<5376xf32, #tpu.memory_space<vmem>>, vector<16xf32>,
    %swap3A_40 = arith.constant 272 : index
    %swap3A_41 = tpu.vector_load %arg5[%swap3A_40] {strides = array<i32>} : memref<5376xf32, #tpu.memory_space<vmem>>, vector<16xf32>,
    tpu.vector_store %arg5[%swap3A_40], %broadcast_in_dim3A_6 {strides = array<i32>} : memref<5376xf32, #tpu.memory_space<vmem>>, vector<16xf32>,
    %swap3A_42 = arith.constant 288 : index
    %swap3A_43 = tpu.vector_load %arg5[%swap3A_42] {strides = array<i32>} : memref<5376xf32, #tpu.memory_space<vmem>>, vector<16xf32>,
    tpu.vector_store %arg5[%swap3A_42], %broadcast_in_dim3A_6 {strides = array<i32>} : memref<5376xf32, #tpu.memory_space<vmem>>, vector<16xf32>,
    %swap3A_44 = arith.constant 304 : index
    %swap3A_45 = tpu.vector_load %arg5[%swap3A_44] {strides = array<i32>} : memref<5376xf32, #tpu.memory_space<vmem>>, vector<16xf32>,
    tpu.vector_store %arg5[%swap3A_44], %broadcast_in_dim3A_6 {strides = array<i32>} : memref<5376xf32, #tpu.memory_space<vmem>>, vector<16xf32>,
    %swap3A_46 = arith.constant 320 : index
    %swap3A_47 = tpu.vector_load %arg5[%swap3A_46] {strides = array<i32>} : memref<5376xf32, #tpu.memory_space<vmem>>, vector<16xf32>,
    tpu.vector_store %arg5[%swap3A_46], %broadcast_in_dim3A_6 {strides = array<i32>} : memref<5376xf32, #tpu.memory_space<vmem>>, vector<16xf32>,
    %swap3A_48 = arith.constant 336 : index
    %swap3A_49 = tpu.vector_load %arg5[%swap3A_48] {strides = array<i32>} : memref<5376xf32, #tpu.memory_space<vmem>>, vector<16xf32>,
    tpu.vector_store %arg5[%swap3A_48], %broadcast_in_dim3A_6 {strides = array<i32>} : memref<5376xf32, #tpu.memory_space<vmem>>, vector<16xf32>,
    %swap3A_50 = arith.constant 352 : index
    %swap3A_51 = tpu.vector_load %arg5[%swap3A_50] {strides = array<i32>} : memref<5376xf32, #tpu.memory_space<vmem>>, vector<16xf32>,
    tpu.vector_store %arg5[%swap3A_50], %broadcast_in_dim3A_6 {strides = array<i32>} : memref<5376xf32, #tpu.memory_space<vmem>>, vector<16xf32>,
    %swap3A_52 = arith.constant 368 : index
    %swap3A_53 = tpu.vector_load %arg5[%swap3A_52] {strides = array<i32>} : memref<5376xf32, #tpu.memory_space<vmem>>, vector<16xf32>,
    tpu.vector_store %arg5[%swap3A_52], %broadcast_in_dim3A_6 {strides = array<i32>} : memref<5376xf32, #tpu.memory_space<vmem>>, vector<16xf32>,
    %swap3A_54 = arith.constant 384 : index
    %swap3A_55 = tpu.vector_load %arg5[%swap3A_54] {strides = array<i32>} : memref<5376xf32, #tpu.memory_space<vmem>>, vector<16xf32>,
    tpu.vector_store %arg5[%swap3A_54], %broadcast_in_dim3A_6 {strides = array<i32>} : memref<5376xf32, #tpu.memory_space<vmem>>, vector<16xf32>,
    %swap3A_56 = arith.constant 400 : index
    %swap3A_57 = tpu.vector_load %arg5[%swap3A_56] {strides = array<i32>} : memref<5376xf32, #tpu.memory_space<vmem>>, vector<16xf32>,
    tpu.vector_store %arg5[%swap3A_56], %broadcast_in_dim3A_6 {strides = array<i32>} : memref<5376xf32, #tpu.memory_space<vmem>>, vector<16xf32>,
    %swap3A_58 = arith.constant 416 : index
    %swap3A_59 = tpu.vector_load %arg5[%swap3A_58] {strides = array<i32>} : memref<5376xf32, #tpu.memory_space<vmem>>, vector<16xf32>,
    tpu.vector_store %arg5[%swap3A_58], %broadcast_in_dim3A_6 {strides = array<i32>} : memref<5376xf32, #tpu.memory_space<vmem>>, vector<16xf32>,
    %swap3A_60 = arith.constant 432 : index
    %swap3A_61 = tpu.vector_load %arg5[%swap3A_60] {strides = array<i32>} : memref<5376xf32, #tpu.memory_space<vmem>>, vector<16xf32>,
    tpu.vector_store %arg5[%swap3A_60], %broadcast_in_dim3A_6 {strides = array<i32>} : memref<5376xf32, #tpu.memory_space<vmem>>, vector<16xf32>,
    %swap3A_62 = arith.constant 448 : index
    %swap3A_63 = tpu.vector_load %arg5[%swap3A_62] {strides = array<i32>} : memref<5376xf32, #tpu.memory_space<vmem>>, vector<16xf32>,
    tpu.vector_store %arg5[%swap3A_62], %broadcast_in_dim3A_6 {strides = array<i32>} : memref<5376xf32, #tpu.memory_space<vmem>>, vector<16xf32>,
    %swap3A_64 = arith.constant 464 : index
    %swap3A_65 = tpu.vector_load %arg5[%swap3A_64] {strides = array<i32>} : memref<5376xf32, #tpu.memory_space<vmem>>, vector<16xf32>,
    tpu.vector_store %arg5[%swap3A_64], %broadcast_in_dim3A_6 {strides = array<i32>} : memref<5376xf32, #tpu.memory_space<vmem>>, vector<16xf32>,
    %swap3A_66 = arith.constant 480 : index
    %swap3A_67 = tpu.vector_load %arg5[%swap3A_66] {strides = array<i32>} : memref<5376xf32, #tpu.memory_space<vmem>>, vector<16xf32>,
    tpu.vector_store %arg5[%swap3A_66], %broadcast_in_dim3A_6 {strides = array<i32>} : memref<5376xf32, #tpu.memory_space<vmem>>, vector<16xf32>,
    %swap3A_68 = arith.constant 496 : index
    %swap3A_69 = tpu.vector_load %arg5[%swap3A_68] {strides = array<i32>} : memref<5376xf32, #tpu.memory_space<vmem>>, vector<16xf32>,
    tpu.vector_store %arg5[%swap3A_68], %broadcast_in_dim3A_6 {strides = array<i32>} : memref<5376xf32, #tpu.memory_space<vmem>>, vector<16xf32>,
    %swap3A_70 = arith.constant 512 : index
    %swap3A_71 = tpu.vector_load %arg5[%swap3A_70] {strides = array<i32>} : memref<5376xf32, #tpu.memory_space<vmem>>, vector<16xf32>,
    tpu.vector_store %arg5[%swap3A_70], %broadcast_in_dim3A_6 {strides = array<i32>} : memref<5376xf32, #tpu.memory_space<vmem>>, vector<16xf32>,
    %swap3A_72 = arith.constant 528 : index
    %swap3A_73 = tpu.vector_load %arg5[%swap3A_72] {strides = array<i32>} : memref<5376xf32, #tpu.memory_space<vmem>>, vector<16xf32>,
    tpu.vector_store %arg5[%swap3A_72], %broadcast_in_dim3A_6 {strides = array<i32>} : memref<5376xf32, #tpu.memory_space<vmem>>, vector<16xf32>,
    %swap3A_74 = arith.constant 544 : index
    %swap3A_75 = tpu.vector_load %arg5[%swap3A_74] {strides = array<i32>} : memref<5376xf32, #tpu.memory_space<vmem>>, vector<16xf32>,
    tpu.vector_store %arg5[%swap3A_74], %broadcast_in_dim3A_6 {strides = array<i32>} : memref<5376xf32, #tpu.memory_space<vmem>>, vector<16xf32>,
    %swap3A_76 = arith.constant 560 : index
    %swap3A_77 = tpu.vector_load %arg5[%swap3A_76] {strides = array<i32>} : memref<5376xf32, #tpu.memory_space<vmem>>, vector<16xf32>,
    tpu.vector_store %arg5[%swap3A_76], %broadcast_in_dim3A_6 {strides = array<i32>} : memref<5376xf32, #tpu.memory_space<vmem>>, vector<16xf32>,
    %swap3A_78 = arith.constant 576 : index
    %swap3A_79 = tpu.vector_load %arg5[%swap3A_78] {strides = array<i32>} : memref<5376xf32, #tpu.memory_space<vmem>>, vector<16xf32>,
    tpu.vector_store %arg5[%swap3A_78], %broadcast_in_dim3A_6 {strides = array<i32>} : memref<5376xf32, #tpu.memory_space<vmem>>, vector<16xf32>,
    %swap3A_80 = arith.constant 592 : index
    %swap3A_81 = tpu.vector_load %arg5[%swap3A_80] {strides = array<i32>} : memref<5376xf32, #tpu.memory_space<vmem>>, vector<16xf32>,
    tpu.vector_store %arg5[%swap3A_80], %broadcast_in_dim3A_6 {strides = array<i32>} : memref<5376xf32, #tpu.memory_space<vmem>>, vector<16xf32>,
    %swap3A_82 = arith.constant 608 : index
    %swap3A_83 = tpu.vector_load %arg5[%swap3A_82] {strides = array<i32>} : memref<5376xf32, #tpu.memory_space<vmem>>, vector<16xf32>,
    tpu.vector_store %arg5[%swap3A_82], %broadcast_in_dim3A_6 {strides = array<i32>} : memref<5376xf32, #tpu.memory_space<vmem>>, vector<16xf32>,
    %swap3A_84 = arith.constant 624 : index
    %swap3A_85 = tpu.vector_load %arg5[%swap3A_84] {strides = array<i32>} : memref<5376xf32, #tpu.memory_space<vmem>>, vector<16xf32>,
    tpu.vector_store %arg5[%swap3A_84], %broadcast_in_dim3A_6 {strides = array<i32>} : memref<5376xf32, #tpu.memory_space<vmem>>, vector<16xf32>,
    %swap3A_86 = arith.constant 640 : index
    %swap3A_87 = tpu.vector_load %arg5[%swap3A_86] {strides = array<i32>} : memref<5376xf32, #tpu.memory_space<vmem>>, vector<16xf32>,
    tpu.vector_store %arg5[%swap3A_86], %broadcast_in_dim3A_6 {strides = array<i32>} : memref<5376xf32, #tpu.memory_space<vmem>>, vector<16xf32>,
    %swap3A_88 = arith.constant 656 : index
    %swap3A_89 = tpu.vector_load %arg5[%swap3A_88] {strides = array<i32>} : memref<5376xf32, #tpu.memory_space<vmem>>, vector<16xf32>,
    tpu.vector_store %arg5[%swap3A_88], %broadcast_in_dim3A_6 {strides = array<i32>} : memref<5376xf32, #tpu.memory_space<vmem>>, vector<16xf32>,
    %swap3A_90 = arith.constant 672 : index
    %swap3A_91 = tpu.vector_load %arg5[%swap3A_90] {strides = array<i32>} : memref<5376xf32, #tpu.memory_space<vmem>>, vector<16xf32>,
    tpu.vector_store %arg5[%swap3A_90], %broadcast_in_dim3A_6 {strides = array<i32>} : memref<5376xf32, #tpu.memory_space<vmem>>, vector<16xf32>,
    %swap3A_92 = arith.constant 688 : index
    %swap3A_93 = tpu.vector_load %arg5[%swap3A_92] {strides = array<i32>} : memref<5376xf32, #tpu.memory_space<vmem>>, vector<16xf32>,
    tpu.vector_store %arg5[%swap3A_92], %broadcast_in_dim3A_6 {strides = array<i32>} : memref<5376xf32, #tpu.memory_space<vmem>>, vector<16xf32>,
    %swap3A_94 = arith.constant 704 : index
    %swap3A_95 = tpu.vector_load %arg5[%swap3A_94] {strides = array<i32>} : memref<5376xf32, #tpu.memory_space<vmem>>, vector<16xf32>,
    tpu.vector_store %arg5[%swap3A_94], %broadcast_in_dim3A_6 {strides = array<i32>} : memref<5376xf32, #tpu.memory_space<vmem>>, vector<16xf32>,
    %swap3A_96 = arith.constant 720 : index
    %swap3A_97 = tpu.vector_load %arg5[%swap3A_96] {strides = array<i32>} : memref<5376xf32, #tpu.memory_space<vmem>>, vector<16xf32>,
    tpu.vector_store %arg5[%swap3A_96], %broadcast_in_dim3A_6 {strides = array<i32>} : memref<5376xf32, #tpu.memory_space<vmem>>, vector<16xf32>,
    %swap3A_98 = arith.constant 736 : index
    %swap3A_99 = tpu.vector_load %arg5[%swap3A_98] {strides = array<i32>} : memref<5376xf32, #tpu.memory_space<vmem>>, vector<16xf32>,
    tpu.vector_store %arg5[%swap3A_98], %broadcast_in_dim3A_6 {strides = array<i32>} : memref<5376xf32, #tpu.memory_space<vmem>>, vector<16xf32>,
    %swap3A_100 = arith.constant 752 : index
    %swap3A_101 = tpu.vector_load %arg5[%swap3A_100] {strides = array<i32>} : memref<5376xf32, #tpu.memory_space<vmem>>, vector<16xf32>,
    tpu.vector_store %arg5[%swap3A_100], %broadcast_in_dim3A_6 {strides = array<i32>} : memref<5376xf32, #tpu.memory_space<vmem>>, vector<16xf32>,
    %swap3A_102 = arith.constant 768 : index
    %swap3A_103 = tpu.vector_load %arg5[%swap3A_102] {strides = array<i32>} : memref<5376xf32, #tpu.memory_space<vmem>>, vector<16xf32>,
    tpu.vector_store %arg5[%swap3A_102], %broadcast_in_dim3A_6 {strides = array<i32>} : memref<5376xf32, #tpu.memory_space<vmem>>, vector<16xf32>,
    %swap3A_104 = arith.constant 784 : index
    %swap3A_105 = tpu.vector_load %arg5[%swap3A_104] {strides = array<i32>} : memref<5376xf32, #tpu.memory_space<vmem>>, vector<16xf32>,
    tpu.vector_store %arg5[%swap3A_104], %broadcast_in_dim3A_6 {strides = array<i32>} : memref<5376xf32, #tpu.memory_space<vmem>>, vector<16xf32>,
    %swap3A_106 = arith.constant 800 : index
    %swap3A_107 = tpu.vector_load %arg5[%swap3A_106] {strides = array<i32>} : memref<5376xf32, #tpu.memory_space<vmem>>, vector<16xf32>,
    tpu.vector_store %arg5[%swap3A_106], %broadcast_in_dim3A_6 {strides = array<i32>} : memref<5376xf32, #tpu.memory_space<vmem>>, vector<16xf32>,
    %swap3A_108 = arith.constant 816 : index
    %swap3A_109 = tpu.vector_load %arg5[%swap3A_108] {strides = array<i32>} : memref<5376xf32, #tpu.memory_space<vmem>>, vector<16xf32>,
    tpu.vector_store %arg5[%swap3A_108], %broadcast_in_dim3A_6 {strides = array<i32>} : memref<5376xf32, #tpu.memory_space<vmem>>, vector<16xf32>,
    %swap3A_110 = arith.constant 832 : index
    %swap3A_111 = tpu.vector_load %arg5[%swap3A_110] {strides = array<i32>} : memref<5376xf32, #tpu.memory_space<vmem>>, vector<16xf32>,
    tpu.vector_store %arg5[%swap3A_110], %broadcast_in_dim3A_6 {strides = array<i32>} : memref<5376xf32, #tpu.memory_space<vmem>>, vector<16xf32>,
    %swap3A_112 = arith.constant 848 : index
    %swap3A_113 = tpu.vector_load %arg5[%swap3A_112] {strides = array<i32>} : memref<5376xf32, #tpu.memory_space<vmem>>, vector<16xf32>,
    tpu.vector_store %arg5[%swap3A_112], %broadcast_in_dim3A_6 {strides = array<i32>} : memref<5376xf32, #tpu.memory_space<vmem>>, vector<16xf32>,
    %swap3A_114 = arith.constant 864 : index
    %swap3A_115 = tpu.vector_load %arg5[%swap3A_114] {strides = array<i32>} : memref<5376xf32, #tpu.memory_space<vmem>>, vector<16xf32>,
    tpu.vector_store %arg5[%swap3A_114], %broadcast_in_dim3A_6 {strides = array<i32>} : memref<5376xf32, #tpu.memory_space<vmem>>, vector<16xf32>,
    %swap3A_116 = arith.constant 880 : index
    %swap3A_117 = tpu.vector_load %arg5[%swap3A_116] {strides = array<i32>} : memref<5376xf32, #tpu.memory_space<vmem>>, vector<16xf32>,
    tpu.vector_store %arg5[%swap3A_116], %broadcast_in_dim3A_6 {strides = array<i32>} : memref<5376xf32, #tpu.memory_space<vmem>>, vector<16xf32>,
    %swap3A_118 = arith.constant 896 : index
    %swap3A_119 = tpu.vector_load %arg5[%swap3A_118] {strides = array<i32>} : memref<5376xf32, #tpu.memory_space<vmem>>, vector<16xf32>,
    tpu.vector_store %arg5[%swap3A_118], %broadcast_in_dim3A_6 {strides = array<i32>} : memref<5376xf32, #tpu.memory_space<vmem>>, vector<16xf32>,
    %swap3A_120 = arith.constant 912 : index
    %swap3A_121 = tpu.vector_load %arg5[%swap3A_120] {strides = array<i32>} : memref<5376xf32, #tpu.memory_space<vmem>>, vector<16xf32>,
    tpu.vector_store %arg5[%swap3A_120], %broadcast_in_dim3A_6 {strides = array<i32>} : memref<5376xf32, #tpu.memory_space<vmem>>, vector<16xf32>,
    %swap3A_122 = arith.constant 928 : index
    %swap3A_123 = tpu.vector_load %arg5[%swap3A_122] {strides = array<i32>} : memref<5376xf32, #tpu.memory_space<vmem>>, vector<16xf32>,
    tpu.vector_store %arg5[%swap3A_122], %broadcast_in_dim3A_6 {strides = array<i32>} : memref<5376xf32, #tpu.memory_space<vmem>>, vector<16xf32>,
    %swap3A_124 = arith.constant 944 : index
    %swap3A_125 = tpu.vector_load %arg5[%swap3A_124] {strides = array<i32>} : memref<5376xf32, #tpu.memory_space<vmem>>, vector<16xf32>,
    tpu.vector_store %arg5[%swap3A_124], %broadcast_in_dim3A_6 {strides = array<i32>} : memref<5376xf32, #tpu.memory_space<vmem>>, vector<16xf32>,
    %swap3A_126 = arith.constant 960 : index
    %swap3A_127 = tpu.vector_load %arg5[%swap3A_126] {strides = array<i32>} : memref<5376xf32, #tpu.memory_space<vmem>>, vector<16xf32>,
    tpu.vector_store %arg5[%swap3A_126], %broadcast_in_dim3A_6 {strides = array<i32>} : memref<5376xf32, #tpu.memory_space<vmem>>, vector<16xf32>,
    %swap3A_128 = arith.constant 976 : index
    %swap3A_129 = tpu.vector_load %arg5[%swap3A_128] {strides = array<i32>} : memref<5376xf32, #tpu.memory_space<vmem>>, vector<16xf32>,
    tpu.vector_store %arg5[%swap3A_128], %broadcast_in_dim3A_6 {strides = array<i32>} : memref<5376xf32, #tpu.memory_space<vmem>>, vector<16xf32>,
    %swap3A_130 = arith.constant 992 : index
    %swap3A_131 = tpu.vector_load %arg5[%swap3A_130] {strides = array<i32>} : memref<5376xf32, #tpu.memory_space<vmem>>, vector<16xf32>,
    tpu.vector_store %arg5[%swap3A_130], %broadcast_in_dim3A_6 {strides = array<i32>} : memref<5376xf32, #tpu.memory_space<vmem>>, vector<16xf32>,
    %swap3A_132 = arith.constant 1008 : index
    %swap3A_133 = tpu.vector_load %arg5[%swap3A_132] {strides = array<i32>} : memref<5376xf32, #tpu.memory_space<vmem>>, vector<16xf32>,
    tpu.vector_store %arg5[%swap3A_132], %broadcast_in_dim3A_6 {strides = array<i32>} : memref<5376xf32, #tpu.memory_space<vmem>>, vector<16xf32>,
    %swap3A_134 = arith.constant 1024 : index
    %swap3A_135 = tpu.vector_load %arg5[%swap3A_134] {strides = array<i32>} : memref<5376xf32, #tpu.memory_space<vmem>>, vector<16xf32>,
    tpu.vector_store %arg5[%swap3A_134], %broadcast_in_dim3A_6 {strides = array<i32>} : memref<5376xf32, #tpu.memory_space<vmem>>, vector<16xf32>,
    %swap3A_136 = arith.constant 1040 : index
    %swap3A_137 = tpu.vector_load %arg5[%swap3A_136] {strides = array<i32>} : memref<5376xf32, #tpu.memory_space<vmem>>, vector<16xf32>,
    tpu.vector_store %arg5[%swap3A_136], %broadcast_in_dim3A_6 {strides = array<i32>} : memref<5376xf32, #tpu.memory_space<vmem>>, vector<16xf32>,
    %swap3A_138 = arith.constant 1056 : index
    %swap3A_139 = tpu.vector_load %arg5[%swap3A_138] {strides = array<i32>} : memref<5376xf32, #tpu.memory_space<vmem>>, vector<16xf32>,
    tpu.vector_store %arg5[%swap3A_138], %broadcast_in_dim3A_6 {strides = array<i32>} : memref<5376xf32, #tpu.memory_space<vmem>>, vector<16xf32>,
    %swap3A_140 = arith.constant 1072 : index
    %swap3A_141 = tpu.vector_load %arg5[%swap3A_140] {strides = array<i32>} : memref<5376xf32, #tpu.memory_space<vmem>>, vector<16xf32>,
    tpu.vector_store %arg5[%swap3A_140], %broadcast_in_dim3A_6 {strides = array<i32>} : memref<5376xf32, #tpu.memory_space<vmem>>, vector<16xf32>,
    %swap3A_142 = arith.constant 1088 : index
    %swap3A_143 = tpu.vector_load %arg5[%swap3A_142] {strides = array<i32>} : memref<5376xf32, #tpu.memory_space<vmem>>, vector<16xf32>,
    tpu.vector_store %arg5[%swap3A_142], %broadcast_in_dim3A_6 {strides = array<i32>} : memref<5376xf32, #tpu.memory_space<vmem>>, vector<16xf32>,
    %swap3A_144 = arith.constant 1104 : index
    %swap3A_145 = tpu.vector_load %arg5[%swap3A_144] {strides = array<i32>} : memref<5376xf32, #tpu.memory_space<vmem>>, vector<16xf32>,
    tpu.vector_store %arg5[%swap3A_144], %broadcast_in_dim3A_6 {strides = array<i32>} : memref<5376xf32, #tpu.memory_space<vmem>>, vector<16xf32>,
    %swap3A_146 = arith.constant 1120 : index
    %swap3A_147 = tpu.vector_load %arg5[%swap3A_146] {strides = array<i32>} : memref<5376xf32, #tpu.memory_space<vmem>>, vector<16xf32>,
    tpu.vector_store %arg5[%swap3A_146], %broadcast_in_dim3A_6 {strides = array<i32>} : memref<5376xf32, #tpu.memory_space<vmem>>, vector<16xf32>,
    %swap3A_148 = arith.constant 1136 : index
    %swap3A_149 = tpu.vector_load %arg5[%swap3A_148] {strides = array<i32>} : memref<5376xf32, #tpu.memory_space<vmem>>, vector<16xf32>,
    tpu.vector_store %arg5[%swap3A_148], %broadcast_in_dim3A_6 {strides = array<i32>} : memref<5376xf32, #tpu.memory_space<vmem>>, vector<16xf32>,
    %swap3A_150 = arith.constant 1152 : index
    %swap3A_151 = tpu.vector_load %arg5[%swap3A_150] {strides = array<i32>} : memref<5376xf32, #tpu.memory_space<vmem>>, vector<16xf32>,
    tpu.vector_store %arg5[%swap3A_150], %broadcast_in_dim3A_6 {strides = array<i32>} : memref<5376xf32, #tpu.memory_space<vmem>>, vector<16xf32>,
    %swap3A_152 = arith.constant 1168 : index
    %swap3A_153 = tpu.vector_load %arg5[%swap3A_152] {strides = array<i32>} : memref<5376xf32, #tpu.memory_space<vmem>>, vector<16xf32>,
    tpu.vector_store %arg5[%swap3A_152], %broadcast_in_dim3A_6 {strides = array<i32>} : memref<5376xf32, #tpu.memory_space<vmem>>, vector<16xf32>,
    %swap3A_154 = arith.constant 1184 : index
    %swap3A_155 = tpu.vector_load %arg5[%swap3A_154] {strides = array<i32>} : memref<5376xf32, #tpu.memory_space<vmem>>, vector<16xf32>,
    tpu.vector_store %arg5[%swap3A_154], %broadcast_in_dim3A_6 {strides = array<i32>} : memref<5376xf32, #tpu.memory_space<vmem>>, vector<16xf32>,
    %swap3A_156 = arith.constant 1200 : index
    %swap3A_157 = tpu.vector_load %arg5[%swap3A_156] {strides = array<i32>} : memref<5376xf32, #tpu.memory_space<vmem>>, vector<16xf32>,
    tpu.vector_store %arg5[%swap3A_156], %broadcast_in_dim3A_6 {strides = array<i32>} : memref<5376xf32, #tpu.memory_space<vmem>>, vector<16xf32>,
    %swap3A_158 = arith.constant 1216 : index
    %swap3A_159 = tpu.vector_load %arg5[%swap3A_158] {strides = array<i32>} : memref<5376xf32, #tpu.memory_space<vmem>>, vector<16xf32>,
    tpu.vector_store %arg5[%swap3A_158], %broadcast_in_dim3A_6 {strides = array<i32>} : memref<5376xf32, #tpu.memory_space<vmem>>, vector<16xf32>,
    %swap3A_160 = arith.constant 1232 : index
    %swap3A_161 = tpu.vector_load %arg5[%swap3A_160] {strides = array<i32>} : memref<5376xf32, #tpu.memory_space<vmem>>, vector<16xf32>,
    tpu.vector_store %arg5[%swap3A_160], %broadcast_in_dim3A_6 {strides = array<i32>} : memref<5376xf32, #tpu.memory_space<vmem>>, vector<16xf32>,
    %swap3A_162 = arith.constant 1248 : index
    %swap3A_163 = tpu.vector_load %arg5[%swap3A_162] {strides = array<i32>} : memref<5376xf32, #tpu.memory_space<vmem>>, vector<16xf32>,
    tpu.vector_store %arg5[%swap3A_162], %broadcast_in_dim3A_6 {strides = array<i32>} : memref<5376xf32, #tpu.memory_space<vmem>>, vector<16xf32>,
    %swap3A_164 = arith.constant 1264 : index
    %swap3A_165 = tpu.vector_load %arg5[%swap3A_164] {strides = array<i32>} : memref<5376xf32, #tpu.memory_space<vmem>>, vector<16xf32>,
    tpu.vector_store %arg5[%swap3A_164], %broadcast_in_dim3A_6 {strides = array<i32>} : memref<5376xf32, #tpu.memory_space<vmem>>, vector<16xf32>,
    %swap3A_166 = arith.constant 1280 : index
    %swap3A_167 = tpu.vector_load %arg5[%swap3A_166] {strides = array<i32>} : memref<5376xf32, #tpu.memory_space<vmem>>, vector<16xf32>,
    tpu.vector_store %arg5[%swap3A_166], %broadcast_in_dim3A_6 {strides = array<i32>} : memref<5376xf32, #tpu.memory_space<vmem>>, vector<16xf32>,
    %swap3A_168 = arith.constant 1296 : index
    %swap3A_169 = tpu.vector_load %arg5[%swap3A_168] {strides = array<i32>} : memref<5376xf32, #tpu.memory_space<vmem>>, vector<16xf32>,
    tpu.vector_store %arg5[%swap3A_168], %broadcast_in_dim3A_6 {strides = array<i32>} : memref<5376xf32, #tpu.memory_space<vmem>>, vector<16xf32>,
    %swap3A_170 = arith.constant 1312 : index
    %swap3A_171 = tpu.vector_load %arg5[%swap3A_170] {strides = array<i32>} : memref<5376xf32, #tpu.memory_space<vmem>>, vector<16xf32>,
    tpu.vector_store %arg5[%swap3A_170], %broadcast_in_dim3A_6 {strides = array<i32>} : memref<5376xf32, #tpu.memory_space<vmem>>, vector<16xf32>,
    %swap3A_172 = arith.constant 1328 : index
    %swap3A_173 = tpu.vector_load %arg5[%swap3A_172] {strides = array<i32>} : memref<5376xf32, #tpu.memory_space<vmem>>, vector<16xf32>,
    tpu.vector_store %arg5[%swap3A_172], %broadcast_in_dim3A_6 {strides = array<i32>} : memref<5376xf32, #tpu.memory_space<vmem>>, vector<16xf32>,
    %swap3A_174 = arith.constant 1344 : index
    %swap3A_175 = tpu.vector_load %arg5[%swap3A_174] {strides = array<i32>} : memref<5376xf32, #tpu.memory_space<vmem>>, vector<16xf32>,
    tpu.vector_store %arg5[%swap3A_174], %broadcast_in_dim3A_6 {strides = array<i32>} : memref<5376xf32, #tpu.memory_space<vmem>>, vector<16xf32>,
    %swap3A_176 = arith.constant 1360 : index
    %swap3A_177 = tpu.vector_load %arg5[%swap3A_176] {strides = array<i32>} : memref<5376xf32, #tpu.memory_space<vmem>>, vector<16xf32>,
    tpu.vector_store %arg5[%swap3A_176], %broadcast_in_dim3A_6 {strides = array<i32>} : memref<5376xf32, #tpu.memory_space<vmem>>, vector<16xf32>,
    %swap3A_178 = arith.constant 1376 : index
    %swap3A_179 = tpu.vector_load %arg5[%swap3A_178] {strides = array<i32>} : memref<5376xf32, #tpu.memory_space<vmem>>, vector<16xf32>,
    tpu.vector_store %arg5[%swap3A_178], %broadcast_in_dim3A_6 {strides = array<i32>} : memref<5376xf32, #tpu.memory_space<vmem>>, vector<16xf32>,
    %swap3A_180 = arith.constant 1392 : index
    %swap3A_181 = tpu.vector_load %arg5[%swap3A_180] {strides = array<i32>} : memref<5376xf32, #tpu.memory_space<vmem>>, vector<16xf32>,
    tpu.vector_store %arg5[%swap3A_180], %broadcast_in_dim3A_6 {strides = array<i32>} : memref<5376xf32, #tpu.memory_space<vmem>>, vector<16xf32>,
    %swap3A_182 = arith.constant 1408 : index
    %swap3A_183 = tpu.vector_load %arg5[%swap3A_182] {strides = array<i32>} : memref<5376xf32, #tpu.memory_space<vmem>>, vector<16xf32>,
    tpu.vector_store %arg5[%swap3A_182], %broadcast_in_dim3A_6 {strides = array<i32>} : memref<5376xf32, #tpu.memory_space<vmem>>, vector<16xf32>,
    %swap3A_184 = arith.constant 1424 : index
    %swap3A_185 = tpu.vector_load %arg5[%swap3A_184] {strides = array<i32>} : memref<5376xf32, #tpu.memory_space<vmem>>, vector<16xf32>,
    tpu.vector_store %arg5[%swap3A_184], %broadcast_in_dim3A_6 {strides = array<i32>} : memref<5376xf32, #tpu.memory_space<vmem>>, vector<16xf32>,
    %swap3A_186 = arith.constant 1440 : index
    %swap3A_187 = tpu.vector_load %arg5[%swap3A_186] {strides = array<i32>} : memref<5376xf32, #tpu.memory_space<vmem>>, vector<16xf32>,
    tpu.vector_store %arg5[%swap3A_186], %broadcast_in_dim3A_6 {strides = array<i32>} : memref<5376xf32, #tpu.memory_space<vmem>>, vector<16xf32>,
    %swap3A_188 = arith.constant 1456 : index
    %swap3A_189 = tpu.vector_load %arg5[%swap3A_188] {strides = array<i32>} : memref<5376xf32, #tpu.memory_space<vmem>>, vector<16xf32>,
    tpu.vector_store %arg5[%swap3A_188], %broadcast_in_dim3A_6 {strides = array<i32>} : memref<5376xf32, #tpu.memory_space<vmem>>, vector<16xf32>,
    %swap3A_190 = arith.constant 1472 : index
    %swap3A_191 = tpu.vector_load %arg5[%swap3A_190] {strides = array<i32>} : memref<5376xf32, #tpu.memory_space<vmem>>, vector<16xf32>,
    tpu.vector_store %arg5[%swap3A_190], %broadcast_in_dim3A_6 {strides = array<i32>} : memref<5376xf32, #tpu.memory_space<vmem>>, vector<16xf32>,
    %swap3A_192 = arith.constant 1488 : index
    %swap3A_193 = tpu.vector_load %arg5[%swap3A_192] {strides = array<i32>} : memref<5376xf32, #tpu.memory_space<vmem>>, vector<16xf32>,
    tpu.vector_store %arg5[%swap3A_192], %broadcast_in_dim3A_6 {strides = array<i32>} : memref<5376xf32, #tpu.memory_space<vmem>>, vector<16xf32>,
    %swap3A_194 = arith.constant 1504 : index
    %swap3A_195 = tpu.vector_load %arg5[%swap3A_194] {strides = array<i32>} : memref<5376xf32, #tpu.memory_space<vmem>>, vector<16xf32>,
    tpu.vector_store %arg5[%swap3A_194], %broadcast_in_dim3A_6 {strides = array<i32>} : memref<5376xf32, #tpu.memory_space<vmem>>, vector<16xf32>,
    %swap3A_196 = arith.constant 1520 : index
    %swap3A_197 = tpu.vector_load %arg5[%swap3A_196] {strides = array<i32>} : memref<5376xf32, #tpu.memory_space<vmem>>, vector<16xf32>,
    tpu.vector_store %arg5[%swap3A_196], %broadcast_in_dim3A_6 {strides = array<i32>} : memref<5376xf32, #tpu.memory_space<vmem>>, vector<16xf32>,
    %swap3A_198 = arith.constant 1536 : index
    %swap3A_199 = tpu.vector_load %arg5[%swap3A_198] {strides = array<i32>} : memref<5376xf32, #tpu.memory_space<vmem>>, vector<16xf32>,
    tpu.vector_store %arg5[%swap3A_198], %broadcast_in_dim3A_6 {strides = array<i32>} : memref<5376xf32, #tpu.memory_space<vmem>>, vector<16xf32>,
    %swap3A_200 = arith.constant 1552 : index
    %swap3A_201 = tpu.vector_load %arg5[%swap3A_200] {strides = array<i32>} : memref<5376xf32, #tpu.memory_space<vmem>>, vector<16xf32>,
    tpu.vector_store %arg5[%swap3A_200], %broadcast_in_dim3A_6 {strides = array<i32>} : memref<5376xf32, #tpu.memory_space<vmem>>, vector<16xf32>,
    %swap3A_202 = arith.constant 1568 : index
    %swap3A_203 = tpu.vector_load %arg5[%swap3A_202] {strides = array<i32>} : memref<5376xf32, #tpu.memory_space<vmem>>, vector<16xf32>,
    tpu.vector_store %arg5[%swap3A_202], %broadcast_in_dim3A_6 {strides = array<i32>} : memref<5376xf32, #tpu.memory_space<vmem>>, vector<16xf32>,
    %swap3A_204 = arith.constant 1584 : index
    %swap3A_205 = tpu.vector_load %arg5[%swap3A_204] {strides = array<i32>} : memref<5376xf32, #tpu.memory_space<vmem>>, vector<16xf32>,
    tpu.vector_store %arg5[%swap3A_204], %broadcast_in_dim3A_6 {strides = array<i32>} : memref<5376xf32, #tpu.memory_space<vmem>>, vector<16xf32>,
    %swap3A_206 = arith.constant 1600 : index
    %swap3A_207 = tpu.vector_load %arg5[%swap3A_206] {strides = array<i32>} : memref<5376xf32, #tpu.memory_space<vmem>>, vector<16xf32>,
    tpu.vector_store %arg5[%swap3A_206], %broadcast_in_dim3A_6 {strides = array<i32>} : memref<5376xf32, #tpu.memory_space<vmem>>, vector<16xf32>,
    %swap3A_208 = arith.constant 1616 : index
    %swap3A_209 = tpu.vector_load %arg5[%swap3A_208] {strides = array<i32>} : memref<5376xf32, #tpu.memory_space<vmem>>, vector<16xf32>,
    tpu.vector_store %arg5[%swap3A_208], %broadcast_in_dim3A_6 {strides = array<i32>} : memref<5376xf32, #tpu.memory_space<vmem>>, vector<16xf32>,
    %swap3A_210 = arith.constant 1632 : index
    %swap3A_211 = tpu.vector_load %arg5[%swap3A_210] {strides = array<i32>} : memref<5376xf32, #tpu.memory_space<vmem>>, vector<16xf32>,
    tpu.vector_store %arg5[%swap3A_210], %broadcast_in_dim3A_6 {strides = array<i32>} : memref<5376xf32, #tpu.memory_space<vmem>>, vector<16xf32>,
    %swap3A_212 = arith.constant 1648 : index
    %swap3A_213 = tpu.vector_load %arg5[%swap3A_212] {strides = array<i32>} : memref<5376xf32, #tpu.memory_space<vmem>>, vector<16xf32>,
    tpu.vector_store %arg5[%swap3A_212], %broadcast_in_dim3A_6 {strides = array<i32>} : memref<5376xf32, #tpu.memory_space<vmem>>, vector<16xf32>,
    %swap3A_214 = arith.constant 1664 : index
    %swap3A_215 = tpu.vector_load %arg5[%swap3A_214] {strides = array<i32>} : memref<5376xf32, #tpu.memory_space<vmem>>, vector<16xf32>,
    tpu.vector_store %arg5[%swap3A_214], %broadcast_in_dim3A_6 {strides = array<i32>} : memref<5376xf32, #tpu.memory_space<vmem>>, vector<16xf32>,
    %swap3A_216 = arith.constant 1680 : index
    %swap3A_217 = tpu.vector_load %arg5[%swap3A_216] {strides = array<i32>} : memref<5376xf32, #tpu.memory_space<vmem>>, vector<16xf32>,
    tpu.vector_store %arg5[%swap3A_216], %broadcast_in_dim3A_6 {strides = array<i32>} : memref<5376xf32, #tpu.memory_space<vmem>>, vector<16xf32>,
    %swap3A_218 = arith.constant 1696 : index
    %swap3A_219 = tpu.vector_load %arg5[%swap3A_218] {strides = array<i32>} : memref<5376xf32, #tpu.memory_space<vmem>>, vector<16xf32>,
    tpu.vector_store %arg5[%swap3A_218], %broadcast_in_dim3A_6 {strides = array<i32>} : memref<5376xf32, #tpu.memory_space<vmem>>, vector<16xf32>,
    %swap3A_220 = arith.constant 1712 : index
    %swap3A_221 = tpu.vector_load %arg5[%swap3A_220] {strides = array<i32>} : memref<5376xf32, #tpu.memory_space<vmem>>, vector<16xf32>,
    tpu.vector_store %arg5[%swap3A_220], %broadcast_in_dim3A_6 {strides = array<i32>} : memref<5376xf32, #tpu.memory_space<vmem>>, vector<16xf32>,
    %swap3A_222 = arith.constant 1728 : index
    %swap3A_223 = tpu.vector_load %arg5[%swap3A_222] {strides = array<i32>} : memref<5376xf32, #tpu.memory_space<vmem>>, vector<16xf32>,
    tpu.vector_store %arg5[%swap3A_222], %broadcast_in_dim3A_6 {strides = array<i32>} : memref<5376xf32, #tpu.memory_space<vmem>>, vector<16xf32>,
    %swap3A_224 = arith.constant 1744 : index
    %swap3A_225 = tpu.vector_load %arg5[%swap3A_224] {strides = array<i32>} : memref<5376xf32, #tpu.memory_space<vmem>>, vector<16xf32>,
    tpu.vector_store %arg5[%swap3A_224], %broadcast_in_dim3A_6 {strides = array<i32>} : memref<5376xf32, #tpu.memory_space<vmem>>, vector<16xf32>,
    %swap3A_226 = arith.constant 1760 : index
    %swap3A_227 = tpu.vector_load %arg5[%swap3A_226] {strides = array<i32>} : memref<5376xf32, #tpu.memory_space<vmem>>, vector<16xf32>,
    tpu.vector_store %arg5[%swap3A_226], %broadcast_in_dim3A_6 {strides = array<i32>} : memref<5376xf32, #tpu.memory_space<vmem>>, vector<16xf32>,
    %swap3A_228 = arith.constant 1776 : index
    %swap3A_229 = tpu.vector_load %arg5[%swap3A_228] {strides = array<i32>} : memref<5376xf32, #tpu.memory_space<vmem>>, vector<16xf32>,
    tpu.vector_store %arg5[%swap3A_228], %broadcast_in_dim3A_6 {strides = array<i32>} : memref<5376xf32, #tpu.memory_space<vmem>>, vector<16xf32>,
    %swap3A_230 = arith.constant 1792 : index
    %swap3A_231 = tpu.vector_load %arg5[%swap3A_230] {strides = array<i32>} : memref<5376xf32, #tpu.memory_space<vmem>>, vector<16xf32>,
    tpu.vector_store %arg5[%swap3A_230], %broadcast_in_dim3A_6 {strides = array<i32>} : memref<5376xf32, #tpu.memory_space<vmem>>, vector<16xf32>,
    %swap3A_232 = arith.constant 1808 : index
    %swap3A_233 = tpu.vector_load %arg5[%swap3A_232] {strides = array<i32>} : memref<5376xf32, #tpu.memory_space<vmem>>, vector<16xf32>,
    tpu.vector_store %arg5[%swap3A_232], %broadcast_in_dim3A_6 {strides = array<i32>} : memref<5376xf32, #tpu.memory_space<vmem>>, vector<16xf32>,
    %swap3A_234 = arith.constant 1824 : index
    %swap3A_235 = tpu.vector_load %arg5[%swap3A_234] {strides = array<i32>} : memref<5376xf32, #tpu.memory_space<vmem>>, vector<16xf32>,
    tpu.vector_store %arg5[%swap3A_234], %broadcast_in_dim3A_6 {strides = array<i32>} : memref<5376xf32, #tpu.memory_space<vmem>>, vector<16xf32>,
    %swap3A_236 = arith.constant 1840 : index
    %swap3A_237 = tpu.vector_load %arg5[%swap3A_236] {strides = array<i32>} : memref<5376xf32, #tpu.memory_space<vmem>>, vector<16xf32>,
    tpu.vector_store %arg5[%swap3A_236], %broadcast_in_dim3A_6 {strides = array<i32>} : memref<5376xf32, #tpu.memory_space<vmem>>, vector<16xf32>,
    %swap3A_238 = arith.constant 1856 : index
    %swap3A_239 = tpu.vector_load %arg5[%swap3A_238] {strides = array<i32>} : memref<5376xf32, #tpu.memory_space<vmem>>, vector<16xf32>,
    tpu.vector_store %arg5[%swap3A_238], %broadcast_in_dim3A_6 {strides = array<i32>} : memref<5376xf32, #tpu.memory_space<vmem>>, vector<16xf32>,
    %swap3A_240 = arith.constant 1872 : index
    %swap3A_241 = tpu.vector_load %arg5[%swap3A_240] {strides = array<i32>} : memref<5376xf32, #tpu.memory_space<vmem>>, vector<16xf32>,
    tpu.vector_store %arg5[%swap3A_240], %broadcast_in_dim3A_6 {strides = array<i32>} : memref<5376xf32, #tpu.memory_space<vmem>>, vector<16xf32>,
    %swap3A_242 = arith.constant 1888 : index
    %swap3A_243 = tpu.vector_load %arg5[%swap3A_242] {strides = array<i32>} : memref<5376xf32, #tpu.memory_space<vmem>>, vector<16xf32>,
    tpu.vector_store %arg5[%swap3A_242], %broadcast_in_dim3A_6 {strides = array<i32>} : memref<5376xf32, #tpu.memory_space<vmem>>, vector<16xf32>,
    %swap3A_244 = arith.constant 1904 : index
    %swap3A_245 = tpu.vector_load %arg5[%swap3A_244] {strides = array<i32>} : memref<5376xf32, #tpu.memory_space<vmem>>, vector<16xf32>,
    tpu.vector_store %arg5[%swap3A_244], %broadcast_in_dim3A_6 {strides = array<i32>} : memref<5376xf32, #tpu.memory_space<vmem>>, vector<16xf32>,
    %swap3A_246 = arith.constant 1920 : index
    %swap3A_247 = tpu.vector_load %arg5[%swap3A_246] {strides = array<i32>} : memref<5376xf32, #tpu.memory_space<vmem>>, vector<16xf32>,
    tpu.vector_store %arg5[%swap3A_246], %broadcast_in_dim3A_6 {strides = array<i32>} : memref<5376xf32, #tpu.memory_space<vmem>>, vector<16xf32>,
    %swap3A_248 = arith.constant 1936 : index
    %swap3A_249 = tpu.vector_load %arg5[%swap3A_248] {strides = array<i32>} : memref<5376xf32, #tpu.memory_space<vmem>>, vector<16xf32>,
    tpu.vector_store %arg5[%swap3A_248], %broadcast_in_dim3A_6 {strides = array<i32>} : memref<5376xf32, #tpu.memory_space<vmem>>, vector<16xf32>,
    %swap3A_250 = arith.constant 1952 : index
    %swap3A_251 = tpu.vector_load %arg5[%swap3A_250] {strides = array<i32>} : memref<5376xf32, #tpu.memory_space<vmem>>, vector<16xf32>,
    tpu.vector_store %arg5[%swap3A_250], %broadcast_in_dim3A_6 {strides = array<i32>} : memref<5376xf32, #tpu.memory_space<vmem>>, vector<16xf32>,
    %swap3A_252 = arith.constant 1968 : index
    %swap3A_253 = tpu.vector_load %arg5[%swap3A_252] {strides = array<i32>} : memref<5376xf32, #tpu.memory_space<vmem>>, vector<16xf32>,
    tpu.vector_store %arg5[%swap3A_252], %broadcast_in_dim3A_6 {strides = array<i32>} : memref<5376xf32, #tpu.memory_space<vmem>>, vector<16xf32>,
    %swap3A_254 = arith.constant 1984 : index
    %swap3A_255 = tpu.vector_load %arg5[%swap3A_254] {strides = array<i32>} : memref<5376xf32, #tpu.memory_space<vmem>>, vector<16xf32>,
    tpu.vector_store %arg5[%swap3A_254], %broadcast_in_dim3A_6 {strides = array<i32>} : memref<5376xf32, #tpu.memory_space<vmem>>, vector<16xf32>,
    %swap3A_256 = arith.constant 2000 : index
    %swap3A_257 = tpu.vector_load %arg5[%swap3A_256] {strides = array<i32>} : memref<5376xf32, #tpu.memory_space<vmem>>, vector<16xf32>,
    tpu.vector_store %arg5[%swap3A_256], %broadcast_in_dim3A_6 {strides = array<i32>} : memref<5376xf32, #tpu.memory_space<vmem>>, vector<16xf32>,
    %swap3A_258 = arith.constant 2016 : index
    %swap3A_259 = tpu.vector_load %arg5[%swap3A_258] {strides = array<i32>} : memref<5376xf32, #tpu.memory_space<vmem>>, vector<16xf32>,
    tpu.vector_store %arg5[%swap3A_258], %broadcast_in_dim3A_6 {strides = array<i32>} : memref<5376xf32, #tpu.memory_space<vmem>>, vector<16xf32>,
    %swap3A_260 = arith.constant 2032 : index
    %swap3A_261 = tpu.vector_load %arg5[%swap3A_260] {strides = array<i32>} : memref<5376xf32, #tpu.memory_space<vmem>>, vector<16xf32>,
    tpu.vector_store %arg5[%swap3A_260], %broadcast_in_dim3A_6 {strides = array<i32>} : memref<5376xf32, #tpu.memory_space<vmem>>, vector<16xf32>,
    %swap3A_262 = arith.constant 2048 : index
    %swap3A_263 = tpu.vector_load %arg5[%swap3A_262] {strides = array<i32>} : memref<5376xf32, #tpu.memory_space<vmem>>, vector<16xf32>,
    tpu.vector_store %arg5[%swap3A_262], %broadcast_in_dim3A_6 {strides = array<i32>} : memref<5376xf32, #tpu.memory_space<vmem>>, vector<16xf32>,
    %swap3A_264 = arith.constant 2064 : index
    %swap3A_265 = tpu.vector_load %arg5[%swap3A_264] {strides = array<i32>} : memref<5376xf32, #tpu.memory_space<vmem>>, vector<16xf32>,
    tpu.vector_store %arg5[%swap3A_264], %broadcast_in_dim3A_6 {strides = array<i32>} : memref<5376xf32, #tpu.memory_space<vmem>>, vector<16xf32>,
    %swap3A_266 = arith.constant 2080 : index
    %swap3A_267 = tpu.vector_load %arg5[%swap3A_266] {strides = array<i32>} : memref<5376xf32, #tpu.memory_space<vmem>>, vector<16xf32>,
    tpu.vector_store %arg5[%swap3A_266], %broadcast_in_dim3A_6 {strides = array<i32>} : memref<5376xf32, #tpu.memory_space<vmem>>, vector<16xf32>,
    %swap3A_268 = arith.constant 2096 : index
    %swap3A_269 = tpu.vector_load %arg5[%swap3A_268] {strides = array<i32>} : memref<5376xf32, #tpu.memory_space<vmem>>, vector<16xf32>,
    tpu.vector_store %arg5[%swap3A_268], %broadcast_in_dim3A_6 {strides = array<i32>} : memref<5376xf32, #tpu.memory_space<vmem>>, vector<16xf32>,
    %swap3A_270 = arith.constant 2112 : index
    %swap3A_271 = tpu.vector_load %arg5[%swap3A_270] {strides = array<i32>} : memref<5376xf32, #tpu.memory_space<vmem>>, vector<16xf32>,
    tpu.vector_store %arg5[%swap3A_270], %broadcast_in_dim3A_6 {strides = array<i32>} : memref<5376xf32, #tpu.memory_space<vmem>>, vector<16xf32>,
    %swap3A_272 = arith.constant 2128 : index
    %swap3A_273 = tpu.vector_load %arg5[%swap3A_272] {strides = array<i32>} : memref<5376xf32, #tpu.memory_space<vmem>>, vector<16xf32>,
    tpu.vector_store %arg5[%swap3A_272], %broadcast_in_dim3A_6 {strides = array<i32>} : memref<5376xf32, #tpu.memory_space<vmem>>, vector<16xf32>,
    %swap3A_274 = arith.constant 2144 : index
    %swap3A_275 = tpu.vector_load %arg5[%swap3A_274] {strides = array<i32>} : memref<5376xf32, #tpu.memory_space<vmem>>, vector<16xf32>,
    tpu.vector_store %arg5[%swap3A_274], %broadcast_in_dim3A_6 {strides = array<i32>} : memref<5376xf32, #tpu.memory_space<vmem>>, vector<16xf32>,
    %swap3A_276 = arith.constant 2160 : index
    %swap3A_277 = tpu.vector_load %arg5[%swap3A_276] {strides = array<i32>} : memref<5376xf32, #tpu.memory_space<vmem>>, vector<16xf32>,
    tpu.vector_store %arg5[%swap3A_276], %broadcast_in_dim3A_6 {strides = array<i32>} : memref<5376xf32, #tpu.memory_space<vmem>>, vector<16xf32>,
    %swap3A_278 = arith.constant 2176 : index
    %swap3A_279 = tpu.vector_load %arg5[%swap3A_278] {strides = array<i32>} : memref<5376xf32, #tpu.memory_space<vmem>>, vector<16xf32>,
    tpu.vector_store %arg5[%swap3A_278], %broadcast_in_dim3A_6 {strides = array<i32>} : memref<5376xf32, #tpu.memory_space<vmem>>, vector<16xf32>,
    %swap3A_280 = arith.constant 2192 : index
    %swap3A_281 = tpu.vector_load %arg5[%swap3A_280] {strides = array<i32>} : memref<5376xf32, #tpu.memory_space<vmem>>, vector<16xf32>,
    tpu.vector_store %arg5[%swap3A_280], %broadcast_in_dim3A_6 {strides = array<i32>} : memref<5376xf32, #tpu.memory_space<vmem>>, vector<16xf32>,
    %swap3A_282 = arith.constant 2208 : index
    %swap3A_283 = tpu.vector_load %arg5[%swap3A_282] {strides = array<i32>} : memref<5376xf32, #tpu.memory_space<vmem>>, vector<16xf32>,
    tpu.vector_store %arg5[%swap3A_282], %broadcast_in_dim3A_6 {strides = array<i32>} : memref<5376xf32, #tpu.memory_space<vmem>>, vector<16xf32>,
    %swap3A_284 = arith.constant 2224 : index
    %swap3A_285 = tpu.vector_load %arg5[%swap3A_284] {strides = array<i32>} : memref<5376xf32, #tpu.memory_space<vmem>>, vector<16xf32>,
    tpu.vector_store %arg5[%swap3A_284], %broadcast_in_dim3A_6 {strides = array<i32>} : memref<5376xf32, #tpu.memory_space<vmem>>, vector<16xf32>,
    %swap3A_286 = arith.constant 2240 : index
    %swap3A_287 = tpu.vector_load %arg5[%swap3A_286] {strides = array<i32>} : memref<5376xf32, #tpu.memory_space<vmem>>, vector<16xf32>,
    tpu.vector_store %arg5[%swap3A_286], %broadcast_in_dim3A_6 {strides = array<i32>} : memref<5376xf32, #tpu.memory_space<vmem>>, vector<16xf32>,
    %swap3A_288 = arith.constant 2256 : index
    %swap3A_289 = tpu.vector_load %arg5[%swap3A_288] {strides = array<i32>} : memref<5376xf32, #tpu.memory_space<vmem>>, vector<16xf32>,
    tpu.vector_store %arg5[%swap3A_288], %broadcast_in_dim3A_6 {strides = array<i32>} : memref<5376xf32, #tpu.memory_space<vmem>>, vector<16xf32>,
    %swap3A_290 = arith.constant 2272 : index
    %swap3A_291 = tpu.vector_load %arg5[%swap3A_290] {strides = array<i32>} : memref<5376xf32, #tpu.memory_space<vmem>>, vector<16xf32>,
    tpu.vector_store %arg5[%swap3A_290], %broadcast_in_dim3A_6 {strides = array<i32>} : memref<5376xf32, #tpu.memory_space<vmem>>, vector<16xf32>,
    %swap3A_292 = arith.constant 2288 : index
    %swap3A_293 = tpu.vector_load %arg5[%swap3A_292] {strides = array<i32>} : memref<5376xf32, #tpu.memory_space<vmem>>, vector<16xf32>,
    tpu.vector_store %arg5[%swap3A_292], %broadcast_in_dim3A_6 {strides = array<i32>} : memref<5376xf32, #tpu.memory_space<vmem>>, vector<16xf32>,
    %swap3A_294 = arith.constant 2304 : index
    %swap3A_295 = tpu.vector_load %arg5[%swap3A_294] {strides = array<i32>} : memref<5376xf32, #tpu.memory_space<vmem>>, vector<16xf32>,
    tpu.vector_store %arg5[%swap3A_294], %broadcast_in_dim3A_6 {strides = array<i32>} : memref<5376xf32, #tpu.memory_space<vmem>>, vector<16xf32>,
    %swap3A_296 = arith.constant 2320 : index
    %swap3A_297 = tpu.vector_load %arg5[%swap3A_296] {strides = array<i32>} : memref<5376xf32, #tpu.memory_space<vmem>>, vector<16xf32>,
    tpu.vector_store %arg5[%swap3A_296], %broadcast_in_dim3A_6 {strides = array<i32>} : memref<5376xf32, #tpu.memory_space<vmem>>, vector<16xf32>,
    %swap3A_298 = arith.constant 2336 : index
    %swap3A_299 = tpu.vector_load %arg5[%swap3A_298] {strides = array<i32>} : memref<5376xf32, #tpu.memory_space<vmem>>, vector<16xf32>,
    tpu.vector_store %arg5[%swap3A_298], %broadcast_in_dim3A_6 {strides = array<i32>} : memref<5376xf32, #tpu.memory_space<vmem>>, vector<16xf32>,
    %swap3A_300 = arith.constant 2352 : index
    %swap3A_301 = tpu.vector_load %arg5[%swap3A_300] {strides = array<i32>} : memref<5376xf32, #tpu.memory_space<vmem>>, vector<16xf32>,
    tpu.vector_store %arg5[%swap3A_300], %broadcast_in_dim3A_6 {strides = array<i32>} : memref<5376xf32, #tpu.memory_space<vmem>>, vector<16xf32>,
    %swap3A_302 = arith.constant 2368 : index
    %swap3A_303 = tpu.vector_load %arg5[%swap3A_302] {strides = array<i32>} : memref<5376xf32, #tpu.memory_space<vmem>>, vector<16xf32>,
    tpu.vector_store %arg5[%swap3A_302], %broadcast_in_dim3A_6 {strides = array<i32>} : memref<5376xf32, #tpu.memory_space<vmem>>, vector<16xf32>,
    %swap3A_304 = arith.constant 2384 : index
    %swap3A_305 = tpu.vector_load %arg5[%swap3A_304] {strides = array<i32>} : memref<5376xf32, #tpu.memory_space<vmem>>, vector<16xf32>,
    tpu.vector_store %arg5[%swap3A_304], %broadcast_in_dim3A_6 {strides = array<i32>} : memref<5376xf32, #tpu.memory_space<vmem>>, vector<16xf32>,
    %swap3A_306 = arith.constant 2400 : index
    %swap3A_307 = tpu.vector_load %arg5[%swap3A_306] {strides = array<i32>} : memref<5376xf32, #tpu.memory_space<vmem>>, vector<16xf32>,
    tpu.vector_store %arg5[%swap3A_306], %broadcast_in_dim3A_6 {strides = array<i32>} : memref<5376xf32, #tpu.memory_space<vmem>>, vector<16xf32>,
    %swap3A_308 = arith.constant 2416 : index
    %swap3A_309 = tpu.vector_load %arg5[%swap3A_308] {strides = array<i32>} : memref<5376xf32, #tpu.memory_space<vmem>>, vector<16xf32>,
    tpu.vector_store %arg5[%swap3A_308], %broadcast_in_dim3A_6 {strides = array<i32>} : memref<5376xf32, #tpu.memory_space<vmem>>, vector<16xf32>,
    %swap3A_310 = arith.constant 2432 : index
    %swap3A_311 = tpu.vector_load %arg5[%swap3A_310] {strides = array<i32>} : memref<5376xf32, #tpu.memory_space<vmem>>, vector<16xf32>,
    tpu.vector_store %arg5[%swap3A_310], %broadcast_in_dim3A_6 {strides = array<i32>} : memref<5376xf32, #tpu.memory_space<vmem>>, vector<16xf32>,
    %swap3A_312 = arith.constant 2448 : index
    %swap3A_313 = tpu.vector_load %arg5[%swap3A_312] {strides = array<i32>} : memref<5376xf32, #tpu.memory_space<vmem>>, vector<16xf32>,
    tpu.vector_store %arg5[%swap3A_312], %broadcast_in_dim3A_6 {strides = array<i32>} : memref<5376xf32, #tpu.memory_space<vmem>>, vector<16xf32>,
    %swap3A_314 = arith.constant 2464 : index
    %swap3A_315 = tpu.vector_load %arg5[%swap3A_314] {strides = array<i32>} : memref<5376xf32, #tpu.memory_space<vmem>>, vector<16xf32>,
    tpu.vector_store %arg5[%swap3A_314], %broadcast_in_dim3A_6 {strides = array<i32>} : memref<5376xf32, #tpu.memory_space<vmem>>, vector<16xf32>,
    %swap3A_316 = arith.constant 2480 : index
    %swap3A_317 = tpu.vector_load %arg5[%swap3A_316] {strides = array<i32>} : memref<5376xf32, #tpu.memory_space<vmem>>, vector<16xf32>,
    tpu.vector_store %arg5[%swap3A_316], %broadcast_in_dim3A_6 {strides = array<i32>} : memref<5376xf32, #tpu.memory_space<vmem>>, vector<16xf32>,
    %swap3A_318 = arith.constant 2496 : index
    %swap3A_319 = tpu.vector_load %arg5[%swap3A_318] {strides = array<i32>} : memref<5376xf32, #tpu.memory_space<vmem>>, vector<16xf32>,
    tpu.vector_store %arg5[%swap3A_318], %broadcast_in_dim3A_6 {strides = array<i32>} : memref<5376xf32, #tpu.memory_space<vmem>>, vector<16xf32>,
    %swap3A_320 = arith.constant 2512 : index
    %swap3A_321 = tpu.vector_load %arg5[%swap3A_320] {strides = array<i32>} : memref<5376xf32, #tpu.memory_space<vmem>>, vector<16xf32>,
    tpu.vector_store %arg5[%swap3A_320], %broadcast_in_dim3A_6 {strides = array<i32>} : memref<5376xf32, #tpu.memory_space<vmem>>, vector<16xf32>,
    %swap3A_322 = arith.constant 2528 : index
    %swap3A_323 = tpu.vector_load %arg5[%swap3A_322] {strides = array<i32>} : memref<5376xf32, #tpu.memory_space<vmem>>, vector<16xf32>,
    tpu.vector_store %arg5[%swap3A_322], %broadcast_in_dim3A_6 {strides = array<i32>} : memref<5376xf32, #tpu.memory_space<vmem>>, vector<16xf32>,
    %swap3A_324 = arith.constant 2544 : index
    %swap3A_325 = tpu.vector_load %arg5[%swap3A_324] {strides = array<i32>} : memref<5376xf32, #tpu.memory_space<vmem>>, vector<16xf32>,
    tpu.vector_store %arg5[%swap3A_324], %broadcast_in_dim3A_6 {strides = array<i32>} : memref<5376xf32, #tpu.memory_space<vmem>>, vector<16xf32>,
    %swap3A_326 = arith.constant 2560 : index
    %swap3A_327 = tpu.vector_load %arg5[%swap3A_326] {strides = array<i32>} : memref<5376xf32, #tpu.memory_space<vmem>>, vector<16xf32>,
    tpu.vector_store %arg5[%swap3A_326], %broadcast_in_dim3A_6 {strides = array<i32>} : memref<5376xf32, #tpu.memory_space<vmem>>, vector<16xf32>,
    %swap3A_328 = arith.constant 2576 : index
    %swap3A_329 = tpu.vector_load %arg5[%swap3A_328] {strides = array<i32>} : memref<5376xf32, #tpu.memory_space<vmem>>, vector<16xf32>,
    tpu.vector_store %arg5[%swap3A_328], %broadcast_in_dim3A_6 {strides = array<i32>} : memref<5376xf32, #tpu.memory_space<vmem>>, vector<16xf32>,
    %swap3A_330 = arith.constant 2592 : index
    %swap3A_331 = tpu.vector_load %arg5[%swap3A_330] {strides = array<i32>} : memref<5376xf32, #tpu.memory_space<vmem>>, vector<16xf32>,
    tpu.vector_store %arg5[%swap3A_330], %broadcast_in_dim3A_6 {strides = array<i32>} : memref<5376xf32, #tpu.memory_space<vmem>>, vector<16xf32>,
    %swap3A_332 = arith.constant 2608 : index
    %swap3A_333 = tpu.vector_load %arg5[%swap3A_332] {strides = array<i32>} : memref<5376xf32, #tpu.memory_space<vmem>>, vector<16xf32>,
    tpu.vector_store %arg5[%swap3A_332], %broadcast_in_dim3A_6 {strides = array<i32>} : memref<5376xf32, #tpu.memory_space<vmem>>, vector<16xf32>,
    %swap3A_334 = arith.constant 2624 : index
    %swap3A_335 = tpu.vector_load %arg5[%swap3A_334] {strides = array<i32>} : memref<5376xf32, #tpu.memory_space<vmem>>, vector<16xf32>,
    tpu.vector_store %arg5[%swap3A_334], %broadcast_in_dim3A_6 {strides = array<i32>} : memref<5376xf32, #tpu.memory_space<vmem>>, vector<16xf32>,
    %swap3A_336 = arith.constant 2640 : index
    %swap3A_337 = tpu.vector_load %arg5[%swap3A_336] {strides = array<i32>} : memref<5376xf32, #tpu.memory_space<vmem>>, vector<16xf32>,
    tpu.vector_store %arg5[%swap3A_336], %broadcast_in_dim3A_6 {strides = array<i32>} : memref<5376xf32, #tpu.memory_space<vmem>>, vector<16xf32>,
    %swap3A_338 = arith.constant 2656 : index
    %swap3A_339 = tpu.vector_load %arg5[%swap3A_338] {strides = array<i32>} : memref<5376xf32, #tpu.memory_space<vmem>>, vector<16xf32>,
    tpu.vector_store %arg5[%swap3A_338], %broadcast_in_dim3A_6 {strides = array<i32>} : memref<5376xf32, #tpu.memory_space<vmem>>, vector<16xf32>,
    %swap3A_340 = arith.constant 2672 : index
    %swap3A_341 = tpu.vector_load %arg5[%swap3A_340] {strides = array<i32>} : memref<5376xf32, #tpu.memory_space<vmem>>, vector<16xf32>,
    tpu.vector_store %arg5[%swap3A_340], %broadcast_in_dim3A_6 {strides = array<i32>} : memref<5376xf32, #tpu.memory_space<vmem>>, vector<16xf32>,
    %swap3A_342 = arith.constant 2688 : index
    %swap3A_343 = tpu.vector_load %arg5[%swap3A_342] {strides = array<i32>} : memref<5376xf32, #tpu.memory_space<vmem>>, vector<16xf32>,
    tpu.vector_store %arg5[%swap3A_342], %broadcast_in_dim3A_6 {strides = array<i32>} : memref<5376xf32, #tpu.memory_space<vmem>>, vector<16xf32>,
    %swap3A_344 = arith.constant 2704 : index
    %swap3A_345 = tpu.vector_load %arg5[%swap3A_344] {strides = array<i32>} : memref<5376xf32, #tpu.memory_space<vmem>>, vector<16xf32>,
    tpu.vector_store %arg5[%swap3A_344], %broadcast_in_dim3A_6 {strides = array<i32>} : memref<5376xf32, #tpu.memory_space<vmem>>, vector<16xf32>,
    %swap3A_346 = arith.constant 2720 : index
    %swap3A_347 = tpu.vector_load %arg5[%swap3A_346] {strides = array<i32>} : memref<5376xf32, #tpu.memory_space<vmem>>, vector<16xf32>,
    tpu.vector_store %arg5[%swap3A_346], %broadcast_in_dim3A_6 {strides = array<i32>} : memref<5376xf32, #tpu.memory_space<vmem>>, vector<16xf32>,
    %swap3A_348 = arith.constant 2736 : index
    %swap3A_349 = tpu.vector_load %arg5[%swap3A_348] {strides = array<i32>} : memref<5376xf32, #tpu.memory_space<vmem>>, vector<16xf32>,
    tpu.vector_store %arg5[%swap3A_348], %broadcast_in_dim3A_6 {strides = array<i32>} : memref<5376xf32, #tpu.memory_space<vmem>>, vector<16xf32>,
    %swap3A_350 = arith.constant 2752 : index
    %swap3A_351 = tpu.vector_load %arg5[%swap3A_350] {strides = array<i32>} : memref<5376xf32, #tpu.memory_space<vmem>>, vector<16xf32>,
    tpu.vector_store %arg5[%swap3A_350], %broadcast_in_dim3A_6 {strides = array<i32>} : memref<5376xf32, #tpu.memory_space<vmem>>, vector<16xf32>,
    %swap3A_352 = arith.constant 2768 : index
    %swap3A_353 = tpu.vector_load %arg5[%swap3A_352] {strides = array<i32>} : memref<5376xf32, #tpu.memory_space<vmem>>, vector<16xf32>,
    tpu.vector_store %arg5[%swap3A_352], %broadcast_in_dim3A_6 {strides = array<i32>} : memref<5376xf32, #tpu.memory_space<vmem>>, vector<16xf32>,
    %swap3A_354 = arith.constant 2784 : index
    %swap3A_355 = tpu.vector_load %arg5[%swap3A_354] {strides = array<i32>} : memref<5376xf32, #tpu.memory_space<vmem>>, vector<16xf32>,
    tpu.vector_store %arg5[%swap3A_354], %broadcast_in_dim3A_6 {strides = array<i32>} : memref<5376xf32, #tpu.memory_space<vmem>>, vector<16xf32>,
    %swap3A_356 = arith.constant 2800 : index
    %swap3A_357 = tpu.vector_load %arg5[%swap3A_356] {strides = array<i32>} : memref<5376xf32, #tpu.memory_space<vmem>>, vector<16xf32>,
    tpu.vector_store %arg5[%swap3A_356], %broadcast_in_dim3A_6 {strides = array<i32>} : memref<5376xf32, #tpu.memory_space<vmem>>, vector<16xf32>,
    %swap3A_358 = arith.constant 2816 : index
    %swap3A_359 = tpu.vector_load %arg5[%swap3A_358] {strides = array<i32>} : memref<5376xf32, #tpu.memory_space<vmem>>, vector<16xf32>,
    tpu.vector_store %arg5[%swap3A_358], %broadcast_in_dim3A_6 {strides = array<i32>} : memref<5376xf32, #tpu.memory_space<vmem>>, vector<16xf32>,
    %swap3A_360 = arith.constant 2832 : index
    %swap3A_361 = tpu.vector_load %arg5[%swap3A_360] {strides = array<i32>} : memref<5376xf32, #tpu.memory_space<vmem>>, vector<16xf32>,
    tpu.vector_store %arg5[%swap3A_360], %broadcast_in_dim3A_6 {strides = array<i32>} : memref<5376xf32, #tpu.memory_space<vmem>>, vector<16xf32>,
    %swap3A_362 = arith.constant 2848 : index
    %swap3A_363 = tpu.vector_load %arg5[%swap3A_362] {strides = array<i32>} : memref<5376xf32, #tpu.memory_space<vmem>>, vector<16xf32>,
    tpu.vector_store %arg5[%swap3A_362], %broadcast_in_dim3A_6 {strides = array<i32>} : memref<5376xf32, #tpu.memory_space<vmem>>, vector<16xf32>,
    %swap3A_364 = arith.constant 2864 : index
    %swap3A_365 = tpu.vector_load %arg5[%swap3A_364] {strides = array<i32>} : memref<5376xf32, #tpu.memory_space<vmem>>, vector<16xf32>,
    tpu.vector_store %arg5[%swap3A_364], %broadcast_in_dim3A_6 {strides = array<i32>} : memref<5376xf32, #tpu.memory_space<vmem>>, vector<16xf32>,
    %swap3A_366 = arith.constant 2880 : index
    %swap3A_367 = tpu.vector_load %arg5[%swap3A_366] {strides = array<i32>} : memref<5376xf32, #tpu.memory_space<vmem>>, vector<16xf32>,
    tpu.vector_store %arg5[%swap3A_366], %broadcast_in_dim3A_6 {strides = array<i32>} : memref<5376xf32, #tpu.memory_space<vmem>>, vector<16xf32>,
    %swap3A_368 = arith.constant 2896 : index
    %swap3A_369 = tpu.vector_load %arg5[%swap3A_368] {strides = array<i32>} : memref<5376xf32, #tpu.memory_space<vmem>>, vector<16xf32>,
    tpu.vector_store %arg5[%swap3A_368], %broadcast_in_dim3A_6 {strides = array<i32>} : memref<5376xf32, #tpu.memory_space<vmem>>, vector<16xf32>,
    %swap3A_370 = arith.constant 2912 : index
    %swap3A_371 = tpu.vector_load %arg5[%swap3A_370] {strides = array<i32>} : memref<5376xf32, #tpu.memory_space<vmem>>, vector<16xf32>,
    tpu.vector_store %arg5[%swap3A_370], %broadcast_in_dim3A_6 {strides = array<i32>} : memref<5376xf32, #tpu.memory_space<vmem>>, vector<16xf32>,
    %swap3A_372 = arith.constant 2928 : index
    %swap3A_373 = tpu.vector_load %arg5[%swap3A_372] {strides = array<i32>} : memref<5376xf32, #tpu.memory_space<vmem>>, vector<16xf32>,
    tpu.vector_store %arg5[%swap3A_372], %broadcast_in_dim3A_6 {strides = array<i32>} : memref<5376xf32, #tpu.memory_space<vmem>>, vector<16xf32>,
    %swap3A_374 = arith.constant 2944 : index
    %swap3A_375 = tpu.vector_load %arg5[%swap3A_374] {strides = array<i32>} : memref<5376xf32, #tpu.memory_space<vmem>>, vector<16xf32>,
    tpu.vector_store %arg5[%swap3A_374], %broadcast_in_dim3A_6 {strides = array<i32>} : memref<5376xf32, #tpu.memory_space<vmem>>, vector<16xf32>,
    %swap3A_376 = arith.constant 2960 : index
    %swap3A_377 = tpu.vector_load %arg5[%swap3A_376] {strides = array<i32>} : memref<5376xf32, #tpu.memory_space<vmem>>, vector<16xf32>,
    tpu.vector_store %arg5[%swap3A_376], %broadcast_in_dim3A_6 {strides = array<i32>} : memref<5376xf32, #tpu.memory_space<vmem>>, vector<16xf32>,
    %swap3A_378 = arith.constant 2976 : index
    %swap3A_379 = tpu.vector_load %arg5[%swap3A_378] {strides = array<i32>} : memref<5376xf32, #tpu.memory_space<vmem>>, vector<16xf32>,
    tpu.vector_store %arg5[%swap3A_378], %broadcast_in_dim3A_6 {strides = array<i32>} : memref<5376xf32, #tpu.memory_space<vmem>>, vector<16xf32>,
    %swap3A_380 = arith.constant 2992 : index
    %swap3A_381 = tpu.vector_load %arg5[%swap3A_380] {strides = array<i32>} : memref<5376xf32, #tpu.memory_space<vmem>>, vector<16xf32>,
    tpu.vector_store %arg5[%swap3A_380], %broadcast_in_dim3A_6 {strides = array<i32>} : memref<5376xf32, #tpu.memory_space<vmem>>, vector<16xf32>,
    %swap3A_382 = arith.constant 3008 : index
    %swap3A_383 = tpu.vector_load %arg5[%swap3A_382] {strides = array<i32>} : memref<5376xf32, #tpu.memory_space<vmem>>, vector<16xf32>,
    tpu.vector_store %arg5[%swap3A_382], %broadcast_in_dim3A_6 {strides = array<i32>} : memref<5376xf32, #tpu.memory_space<vmem>>, vector<16xf32>,
    %swap3A_384 = arith.constant 3024 : index
    %swap3A_385 = tpu.vector_load %arg5[%swap3A_384] {strides = array<i32>} : memref<5376xf32, #tpu.memory_space<vmem>>, vector<16xf32>,
    tpu.vector_store %arg5[%swap3A_384], %broadcast_in_dim3A_6 {strides = array<i32>} : memref<5376xf32, #tpu.memory_space<vmem>>, vector<16xf32>,
    %swap3A_386 = arith.constant 3040 : index
    %swap3A_387 = tpu.vector_load %arg5[%swap3A_386] {strides = array<i32>} : memref<5376xf32, #tpu.memory_space<vmem>>, vector<16xf32>,
    tpu.vector_store %arg5[%swap3A_386], %broadcast_in_dim3A_6 {strides = array<i32>} : memref<5376xf32, #tpu.memory_space<vmem>>, vector<16xf32>,
    %swap3A_388 = arith.constant 3056 : index
    %swap3A_389 = tpu.vector_load %arg5[%swap3A_388] {strides = array<i32>} : memref<5376xf32, #tpu.memory_space<vmem>>, vector<16xf32>,
    tpu.vector_store %arg5[%swap3A_388], %broadcast_in_dim3A_6 {strides = array<i32>} : memref<5376xf32, #tpu.memory_space<vmem>>, vector<16xf32>,
    %swap3A_390 = arith.constant 3072 : index
    %swap3A_391 = tpu.vector_load %arg5[%swap3A_390] {strides = array<i32>} : memref<5376xf32, #tpu.memory_space<vmem>>, vector<16xf32>,
    tpu.vector_store %arg5[%swap3A_390], %broadcast_in_dim3A_6 {strides = array<i32>} : memref<5376xf32, #tpu.memory_space<vmem>>, vector<16xf32>,
    %swap3A_392 = arith.constant 3088 : index
    %swap3A_393 = tpu.vector_load %arg5[%swap3A_392] {strides = array<i32>} : memref<5376xf32, #tpu.memory_space<vmem>>, vector<16xf32>,
    tpu.vector_store %arg5[%swap3A_392], %broadcast_in_dim3A_6 {strides = array<i32>} : memref<5376xf32, #tpu.memory_space<vmem>>, vector<16xf32>,
    %swap3A_394 = arith.constant 3104 : index
    %swap3A_395 = tpu.vector_load %arg5[%swap3A_394] {strides = array<i32>} : memref<5376xf32, #tpu.memory_space<vmem>>, vector<16xf32>,
    tpu.vector_store %arg5[%swap3A_394], %broadcast_in_dim3A_6 {strides = array<i32>} : memref<5376xf32, #tpu.memory_space<vmem>>, vector<16xf32>,
    %swap3A_396 = arith.constant 3120 : index
    %swap3A_397 = tpu.vector_load %arg5[%swap3A_396] {strides = array<i32>} : memref<5376xf32, #tpu.memory_space<vmem>>, vector<16xf32>,
    tpu.vector_store %arg5[%swap3A_396], %broadcast_in_dim3A_6 {strides = array<i32>} : memref<5376xf32, #tpu.memory_space<vmem>>, vector<16xf32>,
    %swap3A_398 = arith.constant 3136 : index
    %swap3A_399 = tpu.vector_load %arg5[%swap3A_398] {strides = array<i32>} : memref<5376xf32, #tpu.memory_space<vmem>>, vector<16xf32>,
    tpu.vector_store %arg5[%swap3A_398], %broadcast_in_dim3A_6 {strides = array<i32>} : memref<5376xf32, #tpu.memory_space<vmem>>, vector<16xf32>,
    %swap3A_400 = arith.constant 3152 : index
    %swap3A_401 = tpu.vector_load %arg5[%swap3A_400] {strides = array<i32>} : memref<5376xf32, #tpu.memory_space<vmem>>, vector<16xf32>,
    tpu.vector_store %arg5[%swap3A_400], %broadcast_in_dim3A_6 {strides = array<i32>} : memref<5376xf32, #tpu.memory_space<vmem>>, vector<16xf32>,
    %swap3A_402 = arith.constant 3168 : index
    %swap3A_403 = tpu.vector_load %arg5[%swap3A_402] {strides = array<i32>} : memref<5376xf32, #tpu.memory_space<vmem>>, vector<16xf32>,
    tpu.vector_store %arg5[%swap3A_402], %broadcast_in_dim3A_6 {strides = array<i32>} : memref<5376xf32, #tpu.memory_space<vmem>>, vector<16xf32>,
    %swap3A_404 = arith.constant 3184 : index
    %swap3A_405 = tpu.vector_load %arg5[%swap3A_404] {strides = array<i32>} : memref<5376xf32, #tpu.memory_space<vmem>>, vector<16xf32>,
    tpu.vector_store %arg5[%swap3A_404], %broadcast_in_dim3A_6 {strides = array<i32>} : memref<5376xf32, #tpu.memory_space<vmem>>, vector<16xf32>,
    %swap3A_406 = arith.constant 3200 : index
    %swap3A_407 = tpu.vector_load %arg5[%swap3A_406] {strides = array<i32>} : memref<5376xf32, #tpu.memory_space<vmem>>, vector<16xf32>,
    tpu.vector_store %arg5[%swap3A_406], %broadcast_in_dim3A_6 {strides = array<i32>} : memref<5376xf32, #tpu.memory_space<vmem>>, vector<16xf32>,
    %swap3A_408 = arith.constant 3216 : index
    %swap3A_409 = tpu.vector_load %arg5[%swap3A_408] {strides = array<i32>} : memref<5376xf32, #tpu.memory_space<vmem>>, vector<16xf32>,
    tpu.vector_store %arg5[%swap3A_408], %broadcast_in_dim3A_6 {strides = array<i32>} : memref<5376xf32, #tpu.memory_space<vmem>>, vector<16xf32>,
    %swap3A_410 = arith.constant 3232 : index
    %swap3A_411 = tpu.vector_load %arg5[%swap3A_410] {strides = array<i32>} : memref<5376xf32, #tpu.memory_space<vmem>>, vector<16xf32>,
    tpu.vector_store %arg5[%swap3A_410], %broadcast_in_dim3A_6 {strides = array<i32>} : memref<5376xf32, #tpu.memory_space<vmem>>, vector<16xf32>,
    %swap3A_412 = arith.constant 3248 : index
    %swap3A_413 = tpu.vector_load %arg5[%swap3A_412] {strides = array<i32>} : memref<5376xf32, #tpu.memory_space<vmem>>, vector<16xf32>,
    tpu.vector_store %arg5[%swap3A_412], %broadcast_in_dim3A_6 {strides = array<i32>} : memref<5376xf32, #tpu.memory_space<vmem>>, vector<16xf32>,
    %swap3A_414 = arith.constant 3264 : index
    %swap3A_415 = tpu.vector_load %arg5[%swap3A_414] {strides = array<i32>} : memref<5376xf32, #tpu.memory_space<vmem>>, vector<16xf32>,
    tpu.vector_store %arg5[%swap3A_414], %broadcast_in_dim3A_6 {strides = array<i32>} : memref<5376xf32, #tpu.memory_space<vmem>>, vector<16xf32>,
    %swap3A_416 = arith.constant 3280 : index
    %swap3A_417 = tpu.vector_load %arg5[%swap3A_416] {strides = array<i32>} : memref<5376xf32, #tpu.memory_space<vmem>>, vector<16xf32>,
    tpu.vector_store %arg5[%swap3A_416], %broadcast_in_dim3A_6 {strides = array<i32>} : memref<5376xf32, #tpu.memory_space<vmem>>, vector<16xf32>,
    %swap3A_418 = arith.constant 3296 : index
    %swap3A_419 = tpu.vector_load %arg5[%swap3A_418] {strides = array<i32>} : memref<5376xf32, #tpu.memory_space<vmem>>, vector<16xf32>,
    tpu.vector_store %arg5[%swap3A_418], %broadcast_in_dim3A_6 {strides = array<i32>} : memref<5376xf32, #tpu.memory_space<vmem>>, vector<16xf32>,
    %swap3A_420 = arith.constant 3312 : index
    %swap3A_421 = tpu.vector_load %arg5[%swap3A_420] {strides = array<i32>} : memref<5376xf32, #tpu.memory_space<vmem>>, vector<16xf32>,
    tpu.vector_store %arg5[%swap3A_420], %broadcast_in_dim3A_6 {strides = array<i32>} : memref<5376xf32, #tpu.memory_space<vmem>>, vector<16xf32>,
    %swap3A_422 = arith.constant 3328 : index
    %swap3A_423 = tpu.vector_load %arg5[%swap3A_422] {strides = array<i32>} : memref<5376xf32, #tpu.memory_space<vmem>>, vector<16xf32>,
    tpu.vector_store %arg5[%swap3A_422], %broadcast_in_dim3A_6 {strides = array<i32>} : memref<5376xf32, #tpu.memory_space<vmem>>, vector<16xf32>,
    %swap3A_424 = arith.constant 3344 : index
    %swap3A_425 = tpu.vector_load %arg5[%swap3A_424] {strides = array<i32>} : memref<5376xf32, #tpu.memory_space<vmem>>, vector<16xf32>,
    tpu.vector_store %arg5[%swap3A_424], %broadcast_in_dim3A_6 {strides = array<i32>} : memref<5376xf32, #tpu.memory_space<vmem>>, vector<16xf32>,
    %swap3A_426 = arith.constant 3360 : index
    %swap3A_427 = tpu.vector_load %arg5[%swap3A_426] {strides = array<i32>} : memref<5376xf32, #tpu.memory_space<vmem>>, vector<16xf32>,
    tpu.vector_store %arg5[%swap3A_426], %broadcast_in_dim3A_6 {strides = array<i32>} : memref<5376xf32, #tpu.memory_space<vmem>>, vector<16xf32>,
    %swap3A_428 = arith.constant 3376 : index
    %swap3A_429 = tpu.vector_load %arg5[%swap3A_428] {strides = array<i32>} : memref<5376xf32, #tpu.memory_space<vmem>>, vector<16xf32>,
    tpu.vector_store %arg5[%swap3A_428], %broadcast_in_dim3A_6 {strides = array<i32>} : memref<5376xf32, #tpu.memory_space<vmem>>, vector<16xf32>,
    %swap3A_430 = arith.constant 3392 : index
    %swap3A_431 = tpu.vector_load %arg5[%swap3A_430] {strides = array<i32>} : memref<5376xf32, #tpu.memory_space<vmem>>, vector<16xf32>,
    tpu.vector_store %arg5[%swap3A_430], %broadcast_in_dim3A_6 {strides = array<i32>} : memref<5376xf32, #tpu.memory_space<vmem>>, vector<16xf32>,
    %swap3A_432 = arith.constant 3408 : index
    %swap3A_433 = tpu.vector_load %arg5[%swap3A_432] {strides = array<i32>} : memref<5376xf32, #tpu.memory_space<vmem>>, vector<16xf32>,
    tpu.vector_store %arg5[%swap3A_432], %broadcast_in_dim3A_6 {strides = array<i32>} : memref<5376xf32, #tpu.memory_space<vmem>>, vector<16xf32>,
    %swap3A_434 = arith.constant 3424 : index
    %swap3A_435 = tpu.vector_load %arg5[%swap3A_434] {strides = array<i32>} : memref<5376xf32, #tpu.memory_space<vmem>>, vector<16xf32>,
    tpu.vector_store %arg5[%swap3A_434], %broadcast_in_dim3A_6 {strides = array<i32>} : memref<5376xf32, #tpu.memory_space<vmem>>, vector<16xf32>,
    %swap3A_436 = arith.constant 3440 : index
    %swap3A_437 = tpu.vector_load %arg5[%swap3A_436] {strides = array<i32>} : memref<5376xf32, #tpu.memory_space<vmem>>, vector<16xf32>,
    tpu.vector_store %arg5[%swap3A_436], %broadcast_in_dim3A_6 {strides = array<i32>} : memref<5376xf32, #tpu.memory_space<vmem>>, vector<16xf32>,
    %swap3A_438 = arith.constant 3456 : index
    %swap3A_439 = tpu.vector_load %arg5[%swap3A_438] {strides = array<i32>} : memref<5376xf32, #tpu.memory_space<vmem>>, vector<16xf32>,
    tpu.vector_store %arg5[%swap3A_438], %broadcast_in_dim3A_6 {strides = array<i32>} : memref<5376xf32, #tpu.memory_space<vmem>>, vector<16xf32>,
    %swap3A_440 = arith.constant 3472 : index
    %swap3A_441 = tpu.vector_load %arg5[%swap3A_440] {strides = array<i32>} : memref<5376xf32, #tpu.memory_space<vmem>>, vector<16xf32>,
    tpu.vector_store %arg5[%swap3A_440], %broadcast_in_dim3A_6 {strides = array<i32>} : memref<5376xf32, #tpu.memory_space<vmem>>, vector<16xf32>,
    %swap3A_442 = arith.constant 3488 : index
    %swap3A_443 = tpu.vector_load %arg5[%swap3A_442] {strides = array<i32>} : memref<5376xf32, #tpu.memory_space<vmem>>, vector<16xf32>,
    tpu.vector_store %arg5[%swap3A_442], %broadcast_in_dim3A_6 {strides = array<i32>} : memref<5376xf32, #tpu.memory_space<vmem>>, vector<16xf32>,
    %swap3A_444 = arith.constant 3504 : index
    %swap3A_445 = tpu.vector_load %arg5[%swap3A_444] {strides = array<i32>} : memref<5376xf32, #tpu.memory_space<vmem>>, vector<16xf32>,
    tpu.vector_store %arg5[%swap3A_444], %broadcast_in_dim3A_6 {strides = array<i32>} : memref<5376xf32, #tpu.memory_space<vmem>>, vector<16xf32>,
    %swap3A_446 = arith.constant 3520 : index
    %swap3A_447 = tpu.vector_load %arg5[%swap3A_446] {strides = array<i32>} : memref<5376xf32, #tpu.memory_space<vmem>>, vector<16xf32>,
    tpu.vector_store %arg5[%swap3A_446], %broadcast_in_dim3A_6 {strides = array<i32>} : memref<5376xf32, #tpu.memory_space<vmem>>, vector<16xf32>,
    %swap3A_448 = arith.constant 3536 : index
    %swap3A_449 = tpu.vector_load %arg5[%swap3A_448] {strides = array<i32>} : memref<5376xf32, #tpu.memory_space<vmem>>, vector<16xf32>,
    tpu.vector_store %arg5[%swap3A_448], %broadcast_in_dim3A_6 {strides = array<i32>} : memref<5376xf32, #tpu.memory_space<vmem>>, vector<16xf32>,
    %swap3A_450 = arith.constant 3552 : index
    %swap3A_451 = tpu.vector_load %arg5[%swap3A_450] {strides = array<i32>} : memref<5376xf32, #tpu.memory_space<vmem>>, vector<16xf32>,
    tpu.vector_store %arg5[%swap3A_450], %broadcast_in_dim3A_6 {strides = array<i32>} : memref<5376xf32, #tpu.memory_space<vmem>>, vector<16xf32>,
    %swap3A_452 = arith.constant 3568 : index
    %swap3A_453 = tpu.vector_load %arg5[%swap3A_452] {strides = array<i32>} : memref<5376xf32, #tpu.memory_space<vmem>>, vector<16xf32>,
    tpu.vector_store %arg5[%swap3A_452], %broadcast_in_dim3A_6 {strides = array<i32>} : memref<5376xf32, #tpu.memory_space<vmem>>, vector<16xf32>,
    %swap3A_454 = arith.constant 3584 : index
    %swap3A_455 = tpu.vector_load %arg5[%swap3A_454] {strides = array<i32>} : memref<5376xf32, #tpu.memory_space<vmem>>, vector<16xf32>,
    tpu.vector_store %arg5[%swap3A_454], %broadcast_in_dim3A_6 {strides = array<i32>} : memref<5376xf32, #tpu.memory_space<vmem>>, vector<16xf32>,
    %swap3A_456 = arith.constant 3600 : index
    %swap3A_457 = tpu.vector_load %arg5[%swap3A_456] {strides = array<i32>} : memref<5376xf32, #tpu.memory_space<vmem>>, vector<16xf32>,
    tpu.vector_store %arg5[%swap3A_456], %broadcast_in_dim3A_6 {strides = array<i32>} : memref<5376xf32, #tpu.memory_space<vmem>>, vector<16xf32>,
    %swap3A_458 = arith.constant 3616 : index
    %swap3A_459 = tpu.vector_load %arg5[%swap3A_458] {strides = array<i32>} : memref<5376xf32, #tpu.memory_space<vmem>>, vector<16xf32>,
    tpu.vector_store %arg5[%swap3A_458], %broadcast_in_dim3A_6 {strides = array<i32>} : memref<5376xf32, #tpu.memory_space<vmem>>, vector<16xf32>,
    %swap3A_460 = arith.constant 3632 : index
    %swap3A_461 = tpu.vector_load %arg5[%swap3A_460] {strides = array<i32>} : memref<5376xf32, #tpu.memory_space<vmem>>, vector<16xf32>,
    tpu.vector_store %arg5[%swap3A_460], %broadcast_in_dim3A_6 {strides = array<i32>} : memref<5376xf32, #tpu.memory_space<vmem>>, vector<16xf32>,
    %swap3A_462 = arith.constant 3648 : index
    %swap3A_463 = tpu.vector_load %arg5[%swap3A_462] {strides = array<i32>} : memref<5376xf32, #tpu.memory_space<vmem>>, vector<16xf32>,
    tpu.vector_store %arg5[%swap3A_462], %broadcast_in_dim3A_6 {strides = array<i32>} : memref<5376xf32, #tpu.memory_space<vmem>>, vector<16xf32>,
    %swap3A_464 = arith.constant 3664 : index
    %swap3A_465 = tpu.vector_load %arg5[%swap3A_464] {strides = array<i32>} : memref<5376xf32, #tpu.memory_space<vmem>>, vector<16xf32>,
    tpu.vector_store %arg5[%swap3A_464], %broadcast_in_dim3A_6 {strides = array<i32>} : memref<5376xf32, #tpu.memory_space<vmem>>, vector<16xf32>,
    %swap3A_466 = arith.constant 3680 : index
    %swap3A_467 = tpu.vector_load %arg5[%swap3A_466] {strides = array<i32>} : memref<5376xf32, #tpu.memory_space<vmem>>, vector<16xf32>,
    tpu.vector_store %arg5[%swap3A_466], %broadcast_in_dim3A_6 {strides = array<i32>} : memref<5376xf32, #tpu.memory_space<vmem>>, vector<16xf32>,
    %swap3A_468 = arith.constant 3696 : index
    %swap3A_469 = tpu.vector_load %arg5[%swap3A_468] {strides = array<i32>} : memref<5376xf32, #tpu.memory_space<vmem>>, vector<16xf32>,
    tpu.vector_store %arg5[%swap3A_468], %broadcast_in_dim3A_6 {strides = array<i32>} : memref<5376xf32, #tpu.memory_space<vmem>>, vector<16xf32>,
    %swap3A_470 = arith.constant 3712 : index
    %swap3A_471 = tpu.vector_load %arg5[%swap3A_470] {strides = array<i32>} : memref<5376xf32, #tpu.memory_space<vmem>>, vector<16xf32>,
    tpu.vector_store %arg5[%swap3A_470], %broadcast_in_dim3A_6 {strides = array<i32>} : memref<5376xf32, #tpu.memory_space<vmem>>, vector<16xf32>,
    %swap3A_472 = arith.constant 3728 : index
    %swap3A_473 = tpu.vector_load %arg5[%swap3A_472] {strides = array<i32>} : memref<5376xf32, #tpu.memory_space<vmem>>, vector<16xf32>,
    tpu.vector_store %arg5[%swap3A_472], %broadcast_in_dim3A_6 {strides = array<i32>} : memref<5376xf32, #tpu.memory_space<vmem>>, vector<16xf32>,
    %swap3A_474 = arith.constant 3744 : index
    %swap3A_475 = tpu.vector_load %arg5[%swap3A_474] {strides = array<i32>} : memref<5376xf32, #tpu.memory_space<vmem>>, vector<16xf32>,
    tpu.vector_store %arg5[%swap3A_474], %broadcast_in_dim3A_6 {strides = array<i32>} : memref<5376xf32, #tpu.memory_space<vmem>>, vector<16xf32>,
    %swap3A_476 = arith.constant 3760 : index
    %swap3A_477 = tpu.vector_load %arg5[%swap3A_476] {strides = array<i32>} : memref<5376xf32, #tpu.memory_space<vmem>>, vector<16xf32>,
    tpu.vector_store %arg5[%swap3A_476], %broadcast_in_dim3A_6 {strides = array<i32>} : memref<5376xf32, #tpu.memory_space<vmem>>, vector<16xf32>,
    %swap3A_478 = arith.constant 3776 : index
    %swap3A_479 = tpu.vector_load %arg5[%swap3A_478] {strides = array<i32>} : memref<5376xf32, #tpu.memory_space<vmem>>, vector<16xf32>,
    tpu.vector_store %arg5[%swap3A_478], %broadcast_in_dim3A_6 {strides = array<i32>} : memref<5376xf32, #tpu.memory_space<vmem>>, vector<16xf32>,
    %swap3A_480 = arith.constant 3792 : index
    %swap3A_481 = tpu.vector_load %arg5[%swap3A_480] {strides = array<i32>} : memref<5376xf32, #tpu.memory_space<vmem>>, vector<16xf32>,
    tpu.vector_store %arg5[%swap3A_480], %broadcast_in_dim3A_6 {strides = array<i32>} : memref<5376xf32, #tpu.memory_space<vmem>>, vector<16xf32>,
    %swap3A_482 = arith.constant 3808 : index
    %swap3A_483 = tpu.vector_load %arg5[%swap3A_482] {strides = array<i32>} : memref<5376xf32, #tpu.memory_space<vmem>>, vector<16xf32>,
    tpu.vector_store %arg5[%swap3A_482], %broadcast_in_dim3A_6 {strides = array<i32>} : memref<5376xf32, #tpu.memory_space<vmem>>, vector<16xf32>,
    %swap3A_484 = arith.constant 3824 : index
    %swap3A_485 = tpu.vector_load %arg5[%swap3A_484] {strides = array<i32>} : memref<5376xf32, #tpu.memory_space<vmem>>, vector<16xf32>,
    tpu.vector_store %arg5[%swap3A_484], %broadcast_in_dim3A_6 {strides = array<i32>} : memref<5376xf32, #tpu.memory_space<vmem>>, vector<16xf32>,
    %swap3A_486 = arith.constant 3840 : index
    %swap3A_487 = tpu.vector_load %arg5[%swap3A_486] {strides = array<i32>} : memref<5376xf32, #tpu.memory_space<vmem>>, vector<16xf32>,
    tpu.vector_store %arg5[%swap3A_486], %broadcast_in_dim3A_6 {strides = array<i32>} : memref<5376xf32, #tpu.memory_space<vmem>>, vector<16xf32>,
    %swap3A_488 = arith.constant 3856 : index
    %swap3A_489 = tpu.vector_load %arg5[%swap3A_488] {strides = array<i32>} : memref<5376xf32, #tpu.memory_space<vmem>>, vector<16xf32>,
    tpu.vector_store %arg5[%swap3A_488], %broadcast_in_dim3A_6 {strides = array<i32>} : memref<5376xf32, #tpu.memory_space<vmem>>, vector<16xf32>,
    %swap3A_490 = arith.constant 3872 : index
    %swap3A_491 = tpu.vector_load %arg5[%swap3A_490] {strides = array<i32>} : memref<5376xf32, #tpu.memory_space<vmem>>, vector<16xf32>,
    tpu.vector_store %arg5[%swap3A_490], %broadcast_in_dim3A_6 {strides = array<i32>} : memref<5376xf32, #tpu.memory_space<vmem>>, vector<16xf32>,
    %swap3A_492 = arith.constant 3888 : index
    %swap3A_493 = tpu.vector_load %arg5[%swap3A_492] {strides = array<i32>} : memref<5376xf32, #tpu.memory_space<vmem>>, vector<16xf32>,
    tpu.vector_store %arg5[%swap3A_492], %broadcast_in_dim3A_6 {strides = array<i32>} : memref<5376xf32, #tpu.memory_space<vmem>>, vector<16xf32>,
    %swap3A_494 = arith.constant 3904 : index
    %swap3A_495 = tpu.vector_load %arg5[%swap3A_494] {strides = array<i32>} : memref<5376xf32, #tpu.memory_space<vmem>>, vector<16xf32>,
    tpu.vector_store %arg5[%swap3A_494], %broadcast_in_dim3A_6 {strides = array<i32>} : memref<5376xf32, #tpu.memory_space<vmem>>, vector<16xf32>,
    %swap3A_496 = arith.constant 3920 : index
    %swap3A_497 = tpu.vector_load %arg5[%swap3A_496] {strides = array<i32>} : memref<5376xf32, #tpu.memory_space<vmem>>, vector<16xf32>,
    tpu.vector_store %arg5[%swap3A_496], %broadcast_in_dim3A_6 {strides = array<i32>} : memref<5376xf32, #tpu.memory_space<vmem>>, vector<16xf32>,
    %swap3A_498 = arith.constant 3936 : index
    %swap3A_499 = tpu.vector_load %arg5[%swap3A_498] {strides = array<i32>} : memref<5376xf32, #tpu.memory_space<vmem>>, vector<16xf32>,
    tpu.vector_store %arg5[%swap3A_498], %broadcast_in_dim3A_6 {strides = array<i32>} : memref<5376xf32, #tpu.memory_space<vmem>>, vector<16xf32>,
    %swap3A_500 = arith.constant 3952 : index
    %swap3A_501 = tpu.vector_load %arg5[%swap3A_500] {strides = array<i32>} : memref<5376xf32, #tpu.memory_space<vmem>>, vector<16xf32>,
    tpu.vector_store %arg5[%swap3A_500], %broadcast_in_dim3A_6 {strides = array<i32>} : memref<5376xf32, #tpu.memory_space<vmem>>, vector<16xf32>,
    %swap3A_502 = arith.constant 3968 : index
    %swap3A_503 = tpu.vector_load %arg5[%swap3A_502] {strides = array<i32>} : memref<5376xf32, #tpu.memory_space<vmem>>, vector<16xf32>,
    tpu.vector_store %arg5[%swap3A_502], %broadcast_in_dim3A_6 {strides = array<i32>} : memref<5376xf32, #tpu.memory_space<vmem>>, vector<16xf32>,
    %swap3A_504 = arith.constant 3984 : index
    %swap3A_505 = tpu.vector_load %arg5[%swap3A_504] {strides = array<i32>} : memref<5376xf32, #tpu.memory_space<vmem>>, vector<16xf32>,
    tpu.vector_store %arg5[%swap3A_504], %broadcast_in_dim3A_6 {strides = array<i32>} : memref<5376xf32, #tpu.memory_space<vmem>>, vector<16xf32>,
    %swap3A_506 = arith.constant 4000 : index
    %swap3A_507 = tpu.vector_load %arg5[%swap3A_506] {strides = array<i32>} : memref<5376xf32, #tpu.memory_space<vmem>>, vector<16xf32>,
    tpu.vector_store %arg5[%swap3A_506], %broadcast_in_dim3A_6 {strides = array<i32>} : memref<5376xf32, #tpu.memory_space<vmem>>, vector<16xf32>,
    %swap3A_508 = arith.constant 4016 : index
    %swap3A_509 = tpu.vector_load %arg5[%swap3A_508] {strides = array<i32>} : memref<5376xf32, #tpu.memory_space<vmem>>, vector<16xf32>,
    tpu.vector_store %arg5[%swap3A_508], %broadcast_in_dim3A_6 {strides = array<i32>} : memref<5376xf32, #tpu.memory_space<vmem>>, vector<16xf32>,
    %swap3A_510 = arith.constant 4032 : index
    %swap3A_511 = tpu.vector_load %arg5[%swap3A_510] {strides = array<i32>} : memref<5376xf32, #tpu.memory_space<vmem>>, vector<16xf32>,
    tpu.vector_store %arg5[%swap3A_510], %broadcast_in_dim3A_6 {strides = array<i32>} : memref<5376xf32, #tpu.memory_space<vmem>>, vector<16xf32>,
    %swap3A_512 = arith.constant 4048 : index
    %swap3A_513 = tpu.vector_load %arg5[%swap3A_512] {strides = array<i32>} : memref<5376xf32, #tpu.memory_space<vmem>>, vector<16xf32>,
    tpu.vector_store %arg5[%swap3A_512], %broadcast_in_dim3A_6 {strides = array<i32>} : memref<5376xf32, #tpu.memory_space<vmem>>, vector<16xf32>,
    %swap3A_514 = arith.constant 4064 : index
    %swap3A_515 = tpu.vector_load %arg5[%swap3A_514] {strides = array<i32>} : memref<5376xf32, #tpu.memory_space<vmem>>, vector<16xf32>,
    tpu.vector_store %arg5[%swap3A_514], %broadcast_in_dim3A_6 {strides = array<i32>} : memref<5376xf32, #tpu.memory_space<vmem>>, vector<16xf32>,
    %swap3A_516 = arith.constant 4080 : index
    %swap3A_517 = tpu.vector_load %arg5[%swap3A_516] {strides = array<i32>} : memref<5376xf32, #tpu.memory_space<vmem>>, vector<16xf32>,
    tpu.vector_store %arg5[%swap3A_516], %broadcast_in_dim3A_6 {strides = array<i32>} : memref<5376xf32, #tpu.memory_space<vmem>>, vector<16xf32>,
    %swap3A_518 = arith.constant 4096 : index
    %swap3A_519 = tpu.vector_load %arg5[%swap3A_518] {strides = array<i32>} : memref<5376xf32, #tpu.memory_space<vmem>>, vector<16xf32>,
    tpu.vector_store %arg5[%swap3A_518], %broadcast_in_dim3A_6 {strides = array<i32>} : memref<5376xf32, #tpu.memory_space<vmem>>, vector<16xf32>,
    %swap3A_520 = arith.constant 4112 : index
    %swap3A_521 = tpu.vector_load %arg5[%swap3A_520] {strides = array<i32>} : memref<5376xf32, #tpu.memory_space<vmem>>, vector<16xf32>,
    tpu.vector_store %arg5[%swap3A_520], %broadcast_in_dim3A_6 {strides = array<i32>} : memref<5376xf32, #tpu.memory_space<vmem>>, vector<16xf32>,
    %swap3A_522 = arith.constant 4128 : index
    %swap3A_523 = tpu.vector_load %arg5[%swap3A_522] {strides = array<i32>} : memref<5376xf32, #tpu.memory_space<vmem>>, vector<16xf32>,
    tpu.vector_store %arg5[%swap3A_522], %broadcast_in_dim3A_6 {strides = array<i32>} : memref<5376xf32, #tpu.memory_space<vmem>>, vector<16xf32>,
    %swap3A_524 = arith.constant 4144 : index
    %swap3A_525 = tpu.vector_load %arg5[%swap3A_524] {strides = array<i32>} : memref<5376xf32, #tpu.memory_space<vmem>>, vector<16xf32>,
    tpu.vector_store %arg5[%swap3A_524], %broadcast_in_dim3A_6 {strides = array<i32>} : memref<5376xf32, #tpu.memory_space<vmem>>, vector<16xf32>,
    %swap3A_526 = arith.constant 4160 : index
    %swap3A_527 = tpu.vector_load %arg5[%swap3A_526] {strides = array<i32>} : memref<5376xf32, #tpu.memory_space<vmem>>, vector<16xf32>,
    tpu.vector_store %arg5[%swap3A_526], %broadcast_in_dim3A_6 {strides = array<i32>} : memref<5376xf32, #tpu.memory_space<vmem>>, vector<16xf32>,
    %swap3A_528 = arith.constant 4176 : index
    %swap3A_529 = tpu.vector_load %arg5[%swap3A_528] {strides = array<i32>} : memref<5376xf32, #tpu.memory_space<vmem>>, vector<16xf32>,
    tpu.vector_store %arg5[%swap3A_528], %broadcast_in_dim3A_6 {strides = array<i32>} : memref<5376xf32, #tpu.memory_space<vmem>>, vector<16xf32>,
    %swap3A_530 = arith.constant 4192 : index
    %swap3A_531 = tpu.vector_load %arg5[%swap3A_530] {strides = array<i32>} : memref<5376xf32, #tpu.memory_space<vmem>>, vector<16xf32>,
    tpu.vector_store %arg5[%swap3A_530], %broadcast_in_dim3A_6 {strides = array<i32>} : memref<5376xf32, #tpu.memory_space<vmem>>, vector<16xf32>,
    %swap3A_532 = arith.constant 4208 : index
    %swap3A_533 = tpu.vector_load %arg5[%swap3A_532] {strides = array<i32>} : memref<5376xf32, #tpu.memory_space<vmem>>, vector<16xf32>,
    tpu.vector_store %arg5[%swap3A_532], %broadcast_in_dim3A_6 {strides = array<i32>} : memref<5376xf32, #tpu.memory_space<vmem>>, vector<16xf32>,
    %swap3A_534 = arith.constant 4224 : index
    %swap3A_535 = tpu.vector_load %arg5[%swap3A_534] {strides = array<i32>} : memref<5376xf32, #tpu.memory_space<vmem>>, vector<16xf32>,
    tpu.vector_store %arg5[%swap3A_534], %broadcast_in_dim3A_6 {strides = array<i32>} : memref<5376xf32, #tpu.memory_space<vmem>>, vector<16xf32>,
    %swap3A_536 = arith.constant 4240 : index
    %swap3A_537 = tpu.vector_load %arg5[%swap3A_536] {strides = array<i32>} : memref<5376xf32, #tpu.memory_space<vmem>>, vector<16xf32>,
    tpu.vector_store %arg5[%swap3A_536], %broadcast_in_dim3A_6 {strides = array<i32>} : memref<5376xf32, #tpu.memory_space<vmem>>, vector<16xf32>,
    %swap3A_538 = arith.constant 4256 : index
    %swap3A_539 = tpu.vector_load %arg5[%swap3A_538] {strides = array<i32>} : memref<5376xf32, #tpu.memory_space<vmem>>, vector<16xf32>,
    tpu.vector_store %arg5[%swap3A_538], %broadcast_in_dim3A_6 {strides = array<i32>} : memref<5376xf32, #tpu.memory_space<vmem>>, vector<16xf32>,
    %swap3A_540 = arith.constant 4272 : index
    %swap3A_541 = tpu.vector_load %arg5[%swap3A_540] {strides = array<i32>} : memref<5376xf32, #tpu.memory_space<vmem>>, vector<16xf32>,
    tpu.vector_store %arg5[%swap3A_540], %broadcast_in_dim3A_6 {strides = array<i32>} : memref<5376xf32, #tpu.memory_space<vmem>>, vector<16xf32>,
    %swap3A_542 = arith.constant 4288 : index
    %swap3A_543 = tpu.vector_load %arg5[%swap3A_542] {strides = array<i32>} : memref<5376xf32, #tpu.memory_space<vmem>>, vector<16xf32>,
    tpu.vector_store %arg5[%swap3A_542], %broadcast_in_dim3A_6 {strides = array<i32>} : memref<5376xf32, #tpu.memory_space<vmem>>, vector<16xf32>,
    %swap3A_544 = arith.constant 4304 : index
    %swap3A_545 = tpu.vector_load %arg5[%swap3A_544] {strides = array<i32>} : memref<5376xf32, #tpu.memory_space<vmem>>, vector<16xf32>,
    tpu.vector_store %arg5[%swap3A_544], %broadcast_in_dim3A_6 {strides = array<i32>} : memref<5376xf32, #tpu.memory_space<vmem>>, vector<16xf32>,
    %swap3A_546 = arith.constant 4320 : index
    %swap3A_547 = tpu.vector_load %arg5[%swap3A_546] {strides = array<i32>} : memref<5376xf32, #tpu.memory_space<vmem>>, vector<16xf32>,
    tpu.vector_store %arg5[%swap3A_546], %broadcast_in_dim3A_6 {strides = array<i32>} : memref<5376xf32, #tpu.memory_space<vmem>>, vector<16xf32>,
    %swap3A_548 = arith.constant 4336 : index
    %swap3A_549 = tpu.vector_load %arg5[%swap3A_548] {strides = array<i32>} : memref<5376xf32, #tpu.memory_space<vmem>>, vector<16xf32>,
    tpu.vector_store %arg5[%swap3A_548], %broadcast_in_dim3A_6 {strides = array<i32>} : memref<5376xf32, #tpu.memory_space<vmem>>, vector<16xf32>,
    %swap3A_550 = arith.constant 4352 : index
    %swap3A_551 = tpu.vector_load %arg5[%swap3A_550] {strides = array<i32>} : memref<5376xf32, #tpu.memory_space<vmem>>, vector<16xf32>,
    tpu.vector_store %arg5[%swap3A_550], %broadcast_in_dim3A_6 {strides = array<i32>} : memref<5376xf32, #tpu.memory_space<vmem>>, vector<16xf32>,
    %swap3A_552 = arith.constant 4368 : index
    %swap3A_553 = tpu.vector_load %arg5[%swap3A_552] {strides = array<i32>} : memref<5376xf32, #tpu.memory_space<vmem>>, vector<16xf32>,
    tpu.vector_store %arg5[%swap3A_552], %broadcast_in_dim3A_6 {strides = array<i32>} : memref<5376xf32, #tpu.memory_space<vmem>>, vector<16xf32>,
    %swap3A_554 = arith.constant 4384 : index
    %swap3A_555 = tpu.vector_load %arg5[%swap3A_554] {strides = array<i32>} : memref<5376xf32, #tpu.memory_space<vmem>>, vector<16xf32>,
    tpu.vector_store %arg5[%swap3A_554], %broadcast_in_dim3A_6 {strides = array<i32>} : memref<5376xf32, #tpu.memory_space<vmem>>, vector<16xf32>,
    %swap3A_556 = arith.constant 4400 : index
    %swap3A_557 = tpu.vector_load %arg5[%swap3A_556] {strides = array<i32>} : memref<5376xf32, #tpu.memory_space<vmem>>, vector<16xf32>,
    tpu.vector_store %arg5[%swap3A_556], %broadcast_in_dim3A_6 {strides = array<i32>} : memref<5376xf32, #tpu.memory_space<vmem>>, vector<16xf32>,
    %swap3A_558 = arith.constant 4416 : index
    %swap3A_559 = tpu.vector_load %arg5[%swap3A_558] {strides = array<i32>} : memref<5376xf32, #tpu.memory_space<vmem>>, vector<16xf32>,
    tpu.vector_store %arg5[%swap3A_558], %broadcast_in_dim3A_6 {strides = array<i32>} : memref<5376xf32, #tpu.memory_space<vmem>>, vector<16xf32>,
    %swap3A_560 = arith.constant 4432 : index
    %swap3A_561 = tpu.vector_load %arg5[%swap3A_560] {strides = array<i32>} : memref<5376xf32, #tpu.memory_space<vmem>>, vector<16xf32>,
    tpu.vector_store %arg5[%swap3A_560], %broadcast_in_dim3A_6 {strides = array<i32>} : memref<5376xf32, #tpu.memory_space<vmem>>, vector<16xf32>,
    %swap3A_562 = arith.constant 4448 : index
    %swap3A_563 = tpu.vector_load %arg5[%swap3A_562] {strides = array<i32>} : memref<5376xf32, #tpu.memory_space<vmem>>, vector<16xf32>,
    tpu.vector_store %arg5[%swap3A_562], %broadcast_in_dim3A_6 {strides = array<i32>} : memref<5376xf32, #tpu.memory_space<vmem>>, vector<16xf32>,
    %swap3A_564 = arith.constant 4464 : index
    %swap3A_565 = tpu.vector_load %arg5[%swap3A_564] {strides = array<i32>} : memref<5376xf32, #tpu.memory_space<vmem>>, vector<16xf32>,
    tpu.vector_store %arg5[%swap3A_564], %broadcast_in_dim3A_6 {strides = array<i32>} : memref<5376xf32, #tpu.memory_space<vmem>>, vector<16xf32>,
    %swap3A_566 = arith.constant 4480 : index
    %swap3A_567 = tpu.vector_load %arg5[%swap3A_566] {strides = array<i32>} : memref<5376xf32, #tpu.memory_space<vmem>>, vector<16xf32>,
    tpu.vector_store %arg5[%swap3A_566], %broadcast_in_dim3A_6 {strides = array<i32>} : memref<5376xf32, #tpu.memory_space<vmem>>, vector<16xf32>,
    %swap3A_568 = arith.constant 4496 : index
    %swap3A_569 = tpu.vector_load %arg5[%swap3A_568] {strides = array<i32>} : memref<5376xf32, #tpu.memory_space<vmem>>, vector<16xf32>,
    tpu.vector_store %arg5[%swap3A_568], %broadcast_in_dim3A_6 {strides = array<i32>} : memref<5376xf32, #tpu.memory_space<vmem>>, vector<16xf32>,
    %swap3A_570 = arith.constant 4512 : index
    %swap3A_571 = tpu.vector_load %arg5[%swap3A_570] {strides = array<i32>} : memref<5376xf32, #tpu.memory_space<vmem>>, vector<16xf32>,
    tpu.vector_store %arg5[%swap3A_570], %broadcast_in_dim3A_6 {strides = array<i32>} : memref<5376xf32, #tpu.memory_space<vmem>>, vector<16xf32>,
    %swap3A_572 = arith.constant 4528 : index
    %swap3A_573 = tpu.vector_load %arg5[%swap3A_572] {strides = array<i32>} : memref<5376xf32, #tpu.memory_space<vmem>>, vector<16xf32>,
    tpu.vector_store %arg5[%swap3A_572], %broadcast_in_dim3A_6 {strides = array<i32>} : memref<5376xf32, #tpu.memory_space<vmem>>, vector<16xf32>,
    %swap3A_574 = arith.constant 4544 : index
    %swap3A_575 = tpu.vector_load %arg5[%swap3A_574] {strides = array<i32>} : memref<5376xf32, #tpu.memory_space<vmem>>, vector<16xf32>,
    tpu.vector_store %arg5[%swap3A_574], %broadcast_in_dim3A_6 {strides = array<i32>} : memref<5376xf32, #tpu.memory_space<vmem>>, vector<16xf32>,
    %swap3A_576 = arith.constant 4560 : index
    %swap3A_577 = tpu.vector_load %arg5[%swap3A_576] {strides = array<i32>} : memref<5376xf32, #tpu.memory_space<vmem>>, vector<16xf32>,
    tpu.vector_store %arg5[%swap3A_576], %broadcast_in_dim3A_6 {strides = array<i32>} : memref<5376xf32, #tpu.memory_space<vmem>>, vector<16xf32>,
    %swap3A_578 = arith.constant 4576 : index
    %swap3A_579 = tpu.vector_load %arg5[%swap3A_578] {strides = array<i32>} : memref<5376xf32, #tpu.memory_space<vmem>>, vector<16xf32>,
    tpu.vector_store %arg5[%swap3A_578], %broadcast_in_dim3A_6 {strides = array<i32>} : memref<5376xf32, #tpu.memory_space<vmem>>, vector<16xf32>,
    %swap3A_580 = arith.constant 4592 : index
    %swap3A_581 = tpu.vector_load %arg5[%swap3A_580] {strides = array<i32>} : memref<5376xf32, #tpu.memory_space<vmem>>, vector<16xf32>,
    tpu.vector_store %arg5[%swap3A_580], %broadcast_in_dim3A_6 {strides = array<i32>} : memref<5376xf32, #tpu.memory_space<vmem>>, vector<16xf32>,
    %swap3A_582 = arith.constant 4608 : index
    %swap3A_583 = tpu.vector_load %arg5[%swap3A_582] {strides = array<i32>} : memref<5376xf32, #tpu.memory_space<vmem>>, vector<16xf32>,
    tpu.vector_store %arg5[%swap3A_582], %broadcast_in_dim3A_6 {strides = array<i32>} : memref<5376xf32, #tpu.memory_space<vmem>>, vector<16xf32>,
    %swap3A_584 = arith.constant 4624 : index
    %swap3A_585 = tpu.vector_load %arg5[%swap3A_584] {strides = array<i32>} : memref<5376xf32, #tpu.memory_space<vmem>>, vector<16xf32>,
    tpu.vector_store %arg5[%swap3A_584], %broadcast_in_dim3A_6 {strides = array<i32>} : memref<5376xf32, #tpu.memory_space<vmem>>, vector<16xf32>,
    %swap3A_586 = arith.constant 4640 : index
    %swap3A_587 = tpu.vector_load %arg5[%swap3A_586] {strides = array<i32>} : memref<5376xf32, #tpu.memory_space<vmem>>, vector<16xf32>,
    tpu.vector_store %arg5[%swap3A_586], %broadcast_in_dim3A_6 {strides = array<i32>} : memref<5376xf32, #tpu.memory_space<vmem>>, vector<16xf32>,
    %swap3A_588 = arith.constant 4656 : index
    %swap3A_589 = tpu.vector_load %arg5[%swap3A_588] {strides = array<i32>} : memref<5376xf32, #tpu.memory_space<vmem>>, vector<16xf32>,
    tpu.vector_store %arg5[%swap3A_588], %broadcast_in_dim3A_6 {strides = array<i32>} : memref<5376xf32, #tpu.memory_space<vmem>>, vector<16xf32>,
    %swap3A_590 = arith.constant 4672 : index
    %swap3A_591 = tpu.vector_load %arg5[%swap3A_590] {strides = array<i32>} : memref<5376xf32, #tpu.memory_space<vmem>>, vector<16xf32>,
    tpu.vector_store %arg5[%swap3A_590], %broadcast_in_dim3A_6 {strides = array<i32>} : memref<5376xf32, #tpu.memory_space<vmem>>, vector<16xf32>,
    %swap3A_592 = arith.constant 4688 : index
    %swap3A_593 = tpu.vector_load %arg5[%swap3A_592] {strides = array<i32>} : memref<5376xf32, #tpu.memory_space<vmem>>, vector<16xf32>,
    tpu.vector_store %arg5[%swap3A_592], %broadcast_in_dim3A_6 {strides = array<i32>} : memref<5376xf32, #tpu.memory_space<vmem>>, vector<16xf32>,
    %swap3A_594 = arith.constant 4704 : index
    %swap3A_595 = tpu.vector_load %arg5[%swap3A_594] {strides = array<i32>} : memref<5376xf32, #tpu.memory_space<vmem>>, vector<16xf32>,
    tpu.vector_store %arg5[%swap3A_594], %broadcast_in_dim3A_6 {strides = array<i32>} : memref<5376xf32, #tpu.memory_space<vmem>>, vector<16xf32>,
    %swap3A_596 = arith.constant 4720 : index
    %swap3A_597 = tpu.vector_load %arg5[%swap3A_596] {strides = array<i32>} : memref<5376xf32, #tpu.memory_space<vmem>>, vector<16xf32>,
    tpu.vector_store %arg5[%swap3A_596], %broadcast_in_dim3A_6 {strides = array<i32>} : memref<5376xf32, #tpu.memory_space<vmem>>, vector<16xf32>,
    %swap3A_598 = arith.constant 4736 : index
    %swap3A_599 = tpu.vector_load %arg5[%swap3A_598] {strides = array<i32>} : memref<5376xf32, #tpu.memory_space<vmem>>, vector<16xf32>,
    tpu.vector_store %arg5[%swap3A_598], %broadcast_in_dim3A_6 {strides = array<i32>} : memref<5376xf32, #tpu.memory_space<vmem>>, vector<16xf32>,
    %swap3A_600 = arith.constant 4752 : index
    %swap3A_601 = tpu.vector_load %arg5[%swap3A_600] {strides = array<i32>} : memref<5376xf32, #tpu.memory_space<vmem>>, vector<16xf32>,
    tpu.vector_store %arg5[%swap3A_600], %broadcast_in_dim3A_6 {strides = array<i32>} : memref<5376xf32, #tpu.memory_space<vmem>>, vector<16xf32>,
    %swap3A_602 = arith.constant 4768 : index
    %swap3A_603 = tpu.vector_load %arg5[%swap3A_602] {strides = array<i32>} : memref<5376xf32, #tpu.memory_space<vmem>>, vector<16xf32>,
    tpu.vector_store %arg5[%swap3A_602], %broadcast_in_dim3A_6 {strides = array<i32>} : memref<5376xf32, #tpu.memory_space<vmem>>, vector<16xf32>,
    %swap3A_604 = arith.constant 4784 : index
    %swap3A_605 = tpu.vector_load %arg5[%swap3A_604] {strides = array<i32>} : memref<5376xf32, #tpu.memory_space<vmem>>, vector<16xf32>,
    tpu.vector_store %arg5[%swap3A_604], %broadcast_in_dim3A_6 {strides = array<i32>} : memref<5376xf32, #tpu.memory_space<vmem>>, vector<16xf32>,
    %swap3A_606 = arith.constant 4800 : index
    %swap3A_607 = tpu.vector_load %arg5[%swap3A_606] {strides = array<i32>} : memref<5376xf32, #tpu.memory_space<vmem>>, vector<16xf32>,
    tpu.vector_store %arg5[%swap3A_606], %broadcast_in_dim3A_6 {strides = array<i32>} : memref<5376xf32, #tpu.memory_space<vmem>>, vector<16xf32>,
    %swap3A_608 = arith.constant 4816 : index
    %swap3A_609 = tpu.vector_load %arg5[%swap3A_608] {strides = array<i32>} : memref<5376xf32, #tpu.memory_space<vmem>>, vector<16xf32>,
    tpu.vector_store %arg5[%swap3A_608], %broadcast_in_dim3A_6 {strides = array<i32>} : memref<5376xf32, #tpu.memory_space<vmem>>, vector<16xf32>,
    %swap3A_610 = arith.constant 4832 : index
    %swap3A_611 = tpu.vector_load %arg5[%swap3A_610] {strides = array<i32>} : memref<5376xf32, #tpu.memory_space<vmem>>, vector<16xf32>,
    tpu.vector_store %arg5[%swap3A_610], %broadcast_in_dim3A_6 {strides = array<i32>} : memref<5376xf32, #tpu.memory_space<vmem>>, vector<16xf32>,
    %swap3A_612 = arith.constant 4848 : index
    %swap3A_613 = tpu.vector_load %arg5[%swap3A_612] {strides = array<i32>} : memref<5376xf32, #tpu.memory_space<vmem>>, vector<16xf32>,
    tpu.vector_store %arg5[%swap3A_612], %broadcast_in_dim3A_6 {strides = array<i32>} : memref<5376xf32, #tpu.memory_space<vmem>>, vector<16xf32>,
    %swap3A_614 = arith.constant 4864 : index
    %swap3A_615 = tpu.vector_load %arg5[%swap3A_614] {strides = array<i32>} : memref<5376xf32, #tpu.memory_space<vmem>>, vector<16xf32>,
    tpu.vector_store %arg5[%swap3A_614], %broadcast_in_dim3A_6 {strides = array<i32>} : memref<5376xf32, #tpu.memory_space<vmem>>, vector<16xf32>,
    %swap3A_616 = arith.constant 4880 : index
    %swap3A_617 = tpu.vector_load %arg5[%swap3A_616] {strides = array<i32>} : memref<5376xf32, #tpu.memory_space<vmem>>, vector<16xf32>,
    tpu.vector_store %arg5[%swap3A_616], %broadcast_in_dim3A_6 {strides = array<i32>} : memref<5376xf32, #tpu.memory_space<vmem>>, vector<16xf32>,
    %swap3A_618 = arith.constant 4896 : index
    %swap3A_619 = tpu.vector_load %arg5[%swap3A_618] {strides = array<i32>} : memref<5376xf32, #tpu.memory_space<vmem>>, vector<16xf32>,
    tpu.vector_store %arg5[%swap3A_618], %broadcast_in_dim3A_6 {strides = array<i32>} : memref<5376xf32, #tpu.memory_space<vmem>>, vector<16xf32>,
    %swap3A_620 = arith.constant 4912 : index
    %swap3A_621 = tpu.vector_load %arg5[%swap3A_620] {strides = array<i32>} : memref<5376xf32, #tpu.memory_space<vmem>>, vector<16xf32>,
    tpu.vector_store %arg5[%swap3A_620], %broadcast_in_dim3A_6 {strides = array<i32>} : memref<5376xf32, #tpu.memory_space<vmem>>, vector<16xf32>,
    %swap3A_622 = arith.constant 4928 : index
    %swap3A_623 = tpu.vector_load %arg5[%swap3A_622] {strides = array<i32>} : memref<5376xf32, #tpu.memory_space<vmem>>, vector<16xf32>,
    tpu.vector_store %arg5[%swap3A_622], %broadcast_in_dim3A_6 {strides = array<i32>} : memref<5376xf32, #tpu.memory_space<vmem>>, vector<16xf32>,
    %swap3A_624 = arith.constant 4944 : index
    %swap3A_625 = tpu.vector_load %arg5[%swap3A_624] {strides = array<i32>} : memref<5376xf32, #tpu.memory_space<vmem>>, vector<16xf32>,
    tpu.vector_store %arg5[%swap3A_624], %broadcast_in_dim3A_6 {strides = array<i32>} : memref<5376xf32, #tpu.memory_space<vmem>>, vector<16xf32>,
    %swap3A_626 = arith.constant 4960 : index
    %swap3A_627 = tpu.vector_load %arg5[%swap3A_626] {strides = array<i32>} : memref<5376xf32, #tpu.memory_space<vmem>>, vector<16xf32>,
    tpu.vector_store %arg5[%swap3A_626], %broadcast_in_dim3A_6 {strides = array<i32>} : memref<5376xf32, #tpu.memory_space<vmem>>, vector<16xf32>,
    %swap3A_628 = arith.constant 4976 : index
    %swap3A_629 = tpu.vector_load %arg5[%swap3A_628] {strides = array<i32>} : memref<5376xf32, #tpu.memory_space<vmem>>, vector<16xf32>,
    tpu.vector_store %arg5[%swap3A_628], %broadcast_in_dim3A_6 {strides = array<i32>} : memref<5376xf32, #tpu.memory_space<vmem>>, vector<16xf32>,
    %swap3A_630 = arith.constant 4992 : index
    %swap3A_631 = tpu.vector_load %arg5[%swap3A_630] {strides = array<i32>} : memref<5376xf32, #tpu.memory_space<vmem>>, vector<16xf32>,
    tpu.vector_store %arg5[%swap3A_630], %broadcast_in_dim3A_6 {strides = array<i32>} : memref<5376xf32, #tpu.memory_space<vmem>>, vector<16xf32>,
    %swap3A_632 = arith.constant 5008 : index
    %swap3A_633 = tpu.vector_load %arg5[%swap3A_632] {strides = array<i32>} : memref<5376xf32, #tpu.memory_space<vmem>>, vector<16xf32>,
    tpu.vector_store %arg5[%swap3A_632], %broadcast_in_dim3A_6 {strides = array<i32>} : memref<5376xf32, #tpu.memory_space<vmem>>, vector<16xf32>,
    %swap3A_634 = arith.constant 5024 : index
    %swap3A_635 = tpu.vector_load %arg5[%swap3A_634] {strides = array<i32>} : memref<5376xf32, #tpu.memory_space<vmem>>, vector<16xf32>,
    tpu.vector_store %arg5[%swap3A_634], %broadcast_in_dim3A_6 {strides = array<i32>} : memref<5376xf32, #tpu.memory_space<vmem>>, vector<16xf32>,
    %swap3A_636 = arith.constant 5040 : index
    %swap3A_637 = tpu.vector_load %arg5[%swap3A_636] {strides = array<i32>} : memref<5376xf32, #tpu.memory_space<vmem>>, vector<16xf32>,
    tpu.vector_store %arg5[%swap3A_636], %broadcast_in_dim3A_6 {strides = array<i32>} : memref<5376xf32, #tpu.memory_space<vmem>>, vector<16xf32>,
    %swap3A_638 = arith.constant 5056 : index
    %swap3A_639 = tpu.vector_load %arg5[%swap3A_638] {strides = array<i32>} : memref<5376xf32, #tpu.memory_space<vmem>>, vector<16xf32>,
    tpu.vector_store %arg5[%swap3A_638], %broadcast_in_dim3A_6 {strides = array<i32>} : memref<5376xf32, #tpu.memory_space<vmem>>, vector<16xf32>,
    %swap3A_640 = arith.constant 5072 : index
    %swap3A_641 = tpu.vector_load %arg5[%swap3A_640] {strides = array<i32>} : memref<5376xf32, #tpu.memory_space<vmem>>, vector<16xf32>,
    tpu.vector_store %arg5[%swap3A_640], %broadcast_in_dim3A_6 {strides = array<i32>} : memref<5376xf32, #tpu.memory_space<vmem>>, vector<16xf32>,
    %swap3A_642 = arith.constant 5088 : index
    %swap3A_643 = tpu.vector_load %arg5[%swap3A_642] {strides = array<i32>} : memref<5376xf32, #tpu.memory_space<vmem>>, vector<16xf32>,
    tpu.vector_store %arg5[%swap3A_642], %broadcast_in_dim3A_6 {strides = array<i32>} : memref<5376xf32, #tpu.memory_space<vmem>>, vector<16xf32>,
    %swap3A_644 = arith.constant 5104 : index
    %swap3A_645 = tpu.vector_load %arg5[%swap3A_644] {strides = array<i32>} : memref<5376xf32, #tpu.memory_space<vmem>>, vector<16xf32>,
    tpu.vector_store %arg5[%swap3A_644], %broadcast_in_dim3A_6 {strides = array<i32>} : memref<5376xf32, #tpu.memory_space<vmem>>, vector<16xf32>,
    %swap3A_646 = arith.constant 5120 : index
    %swap3A_647 = tpu.vector_load %arg5[%swap3A_646] {strides = array<i32>} : memref<5376xf32, #tpu.memory_space<vmem>>, vector<16xf32>,
    tpu.vector_store %arg5[%swap3A_646], %broadcast_in_dim3A_6 {strides = array<i32>} : memref<5376xf32, #tpu.memory_space<vmem>>, vector<16xf32>,
    %swap3A_648 = arith.constant 5136 : index
    %swap3A_649 = tpu.vector_load %arg5[%swap3A_648] {strides = array<i32>} : memref<5376xf32, #tpu.memory_space<vmem>>, vector<16xf32>,
    tpu.vector_store %arg5[%swap3A_648], %broadcast_in_dim3A_6 {strides = array<i32>} : memref<5376xf32, #tpu.memory_space<vmem>>, vector<16xf32>,
    %swap3A_650 = arith.constant 5152 : index
    %swap3A_651 = tpu.vector_load %arg5[%swap3A_650] {strides = array<i32>} : memref<5376xf32, #tpu.memory_space<vmem>>, vector<16xf32>,
    tpu.vector_store %arg5[%swap3A_650], %broadcast_in_dim3A_6 {strides = array<i32>} : memref<5376xf32, #tpu.memory_space<vmem>>, vector<16xf32>,
    %swap3A_652 = arith.constant 5168 : index
    %swap3A_653 = tpu.vector_load %arg5[%swap3A_652] {strides = array<i32>} : memref<5376xf32, #tpu.memory_space<vmem>>, vector<16xf32>,
    tpu.vector_store %arg5[%swap3A_652], %broadcast_in_dim3A_6 {strides = array<i32>} : memref<5376xf32, #tpu.memory_space<vmem>>, vector<16xf32>,
    %swap3A_654 = arith.constant 5184 : index
    %swap3A_655 = tpu.vector_load %arg5[%swap3A_654] {strides = array<i32>} : memref<5376xf32, #tpu.memory_space<vmem>>, vector<16xf32>,
    tpu.vector_store %arg5[%swap3A_654], %broadcast_in_dim3A_6 {strides = array<i32>} : memref<5376xf32, #tpu.memory_space<vmem>>, vector<16xf32>,
    %swap3A_656 = arith.constant 5200 : index
    %swap3A_657 = tpu.vector_load %arg5[%swap3A_656] {strides = array<i32>} : memref<5376xf32, #tpu.memory_space<vmem>>, vector<16xf32>,
    tpu.vector_store %arg5[%swap3A_656], %broadcast_in_dim3A_6 {strides = array<i32>} : memref<5376xf32, #tpu.memory_space<vmem>>, vector<16xf32>,
    %swap3A_658 = arith.constant 5216 : index
    %swap3A_659 = tpu.vector_load %arg5[%swap3A_658] {strides = array<i32>} : memref<5376xf32, #tpu.memory_space<vmem>>, vector<16xf32>,
    tpu.vector_store %arg5[%swap3A_658], %broadcast_in_dim3A_6 {strides = array<i32>} : memref<5376xf32, #tpu.memory_space<vmem>>, vector<16xf32>,
    %swap3A_660 = arith.constant 5232 : index
    %swap3A_661 = tpu.vector_load %arg5[%swap3A_660] {strides = array<i32>} : memref<5376xf32, #tpu.memory_space<vmem>>, vector<16xf32>,
    tpu.vector_store %arg5[%swap3A_660], %broadcast_in_dim3A_6 {strides = array<i32>} : memref<5376xf32, #tpu.memory_space<vmem>>, vector<16xf32>,
    %swap3A_662 = arith.constant 5248 : index
    %swap3A_663 = tpu.vector_load %arg5[%swap3A_662] {strides = array<i32>} : memref<5376xf32, #tpu.memory_space<vmem>>, vector<16xf32>,
    tpu.vector_store %arg5[%swap3A_662], %broadcast_in_dim3A_6 {strides = array<i32>} : memref<5376xf32, #tpu.memory_space<vmem>>, vector<16xf32>,
    %swap3A_664 = arith.constant 5264 : index
    %swap3A_665 = tpu.vector_load %arg5[%swap3A_664] {strides = array<i32>} : memref<5376xf32, #tpu.memory_space<vmem>>, vector<16xf32>,
    tpu.vector_store %arg5[%swap3A_664], %broadcast_in_dim3A_6 {strides = array<i32>} : memref<5376xf32, #tpu.memory_space<vmem>>, vector<16xf32>,
    %swap3A_666 = arith.constant 5280 : index
    %swap3A_667 = tpu.vector_load %arg5[%swap3A_666] {strides = array<i32>} : memref<5376xf32, #tpu.memory_space<vmem>>, vector<16xf32>,
    tpu.vector_store %arg5[%swap3A_666], %broadcast_in_dim3A_6 {strides = array<i32>} : memref<5376xf32, #tpu.memory_space<vmem>>, vector<16xf32>,
    %swap3A_668 = arith.constant 5296 : index
    %swap3A_669 = tpu.vector_load %arg5[%swap3A_668] {strides = array<i32>} : memref<5376xf32, #tpu.memory_space<vmem>>, vector<16xf32>,
    tpu.vector_store %arg5[%swap3A_668], %broadcast_in_dim3A_6 {strides = array<i32>} : memref<5376xf32, #tpu.memory_space<vmem>>, vector<16xf32>,
    %swap3A_670 = arith.constant 5312 : index
    %swap3A_671 = tpu.vector_load %arg5[%swap3A_670] {strides = array<i32>} : memref<5376xf32, #tpu.memory_space<vmem>>, vector<16xf32>,
    tpu.vector_store %arg5[%swap3A_670], %broadcast_in_dim3A_6 {strides = array<i32>} : memref<5376xf32, #tpu.memory_space<vmem>>, vector<16xf32>,
    %swap3A_672 = arith.constant 5328 : index
    %swap3A_673 = tpu.vector_load %arg5[%swap3A_672] {strides = array<i32>} : memref<5376xf32, #tpu.memory_space<vmem>>, vector<16xf32>,
    tpu.vector_store %arg5[%swap3A_672], %broadcast_in_dim3A_6 {strides = array<i32>} : memref<5376xf32, #tpu.memory_space<vmem>>, vector<16xf32>,
    %swap3A_674 = arith.constant 5344 : index
    %swap3A_675 = tpu.vector_load %arg5[%swap3A_674] {strides = array<i32>} : memref<5376xf32, #tpu.memory_space<vmem>>, vector<16xf32>,
    tpu.vector_store %arg5[%swap3A_674], %broadcast_in_dim3A_6 {strides = array<i32>} : memref<5376xf32, #tpu.memory_space<vmem>>, vector<16xf32>,
    %swap3A_676 = arith.constant 5360 : index
    %swap3A_677 = tpu.vector_load %arg5[%swap3A_676] {strides = array<i32>} : memref<5376xf32, #tpu.memory_space<vmem>>, vector<16xf32>,
    tpu.vector_store %arg5[%swap3A_676], %broadcast_in_dim3A_6 {strides = array<i32>} : memref<5376xf32, #tpu.memory_space<vmem>>, vector<16xf32>,
    %broadcast_in_dim3A_678 = arith.constant 1.000000e+00 : f32
    %broadcast_in_dim3A_679 = vector.broadcast %broadcast_in_dim3A_678 : f32 to vector<16xf32>
    %iota3A = tpu.iota {dimensions = array<i32: 0>} : vector<16xi32>
    %ge3A = arith.constant 8 : i32
    %ge3A_680 = vector.broadcast %ge3A : i32 to vector<16xi32>
    %ge3A_681 = arith.cmpi sge, %iota3A, %ge3A_680 : vector<16xi32>
    %dma_wait3A = tpu.memref_slice %arg2[%mul3A_4] : memref<819200xi32, #tpu.memory_space<hbm>> -> memref<25600xi32, #tpu.memory_space<hbm>>
    %dma_wait3A_682 = tpu.memref_slice %arg2[%mul3A_4] : memref<819200xi32, #tpu.memory_space<hbm>> -> memref<25600xi32, #tpu.memory_space<hbm>>
    tpu.wait_dma2 semaphore(%arg6 : memref<!tpu.dma_semaphore, #tpu.memory_space<semaphore_mem>>) src(%dma_wait3A_682 : memref<25600xi32, #tpu.memory_space<hbm>>) dst(%arg4 : memref<25600xi32, #tpu.memory_space<vmem>>)
    %scan3A = arith.constant 0 : i32
    %scan3A_683 = arith.constant 0 : i32
    %scan3A_684 = arith.constant 32 : i32
    %scan3A_685 = arith.addi %scan3A_683, %scan3A_684 : i32
    %scan3A_686 = arith.constant 1 : i32
    scf.for %scan3A_688 = %scan3A_683 to %scan3A_685 step %scan3A_686  : i32 {
      %mul3A_689 = arith.constant 4 : i32
      %mul3A_690 = arith.muli %scan3A_688, %mul3A_689 : i32
      %add3A_691 = arith.constant 0 : i32
      %add3A_692 = arith.addi %mul3A_690, %add3A_691 : i32
      %mul3A_693 = arith.constant 200 : i32
      %mul3A_694 = arith.muli %add3A_692, %mul3A_693 : i32
      %add3A_695 = arith.constant 0 : i32
      %add3A_696 = arith.addi %mul3A_694, %add3A_695 : i32
      %get3A = arith.index_cast %add3A_696 : i32 to index
      %get3A_697 = tpu.vector_load %arg4[%get3A] {strides = array<i32>} : memref<25600xi32, #tpu.memory_space<vmem>>, vector<16xi32>,
      %mul3A_698 = arith.constant 256 : i32
      %mul3A_699 = vector.broadcast %mul3A_698 : i32 to vector<16xi32>
      %mul3A_700 = arith.muli %get3A_697, %mul3A_699 : vector<16xi32>
      %add3A_701 = arith.constant 0 : i32
      %add3A_702 = vector.broadcast %add3A_701 : i32 to vector<16xi32>
      %add3A_703 = arith.addi %add3A_702, %iota3A : vector<16xi32>
      %add3A_704 = arith.addi %mul3A_700, %add3A_703 : vector<16xi32>
      tpu.vector_store_idx %arg5[%add3A_704], %broadcast_in_dim3A_679 {add = true} : memref<5376xf32, #tpu.memory_space<vmem>>[vector<16xi32>], vector<16xf32>,
      %add3A_705 = arith.constant 16 : i32
      %add3A_706 = arith.addi %mul3A_694, %add3A_705 : i32
      %get3A_707 = arith.index_cast %add3A_706 : i32 to index
      %get3A_708 = tpu.vector_load %arg4[%get3A_707] {strides = array<i32>} : memref<25600xi32, #tpu.memory_space<vmem>>, vector<16xi32>,
      %mul3A_709 = arith.constant 256 : i32
      %mul3A_710 = vector.broadcast %mul3A_709 : i32 to vector<16xi32>
      %mul3A_711 = arith.muli %get3A_708, %mul3A_710 : vector<16xi32>
      %add3A_712 = arith.constant 16 : i32
      %add3A_713 = vector.broadcast %add3A_712 : i32 to vector<16xi32>
      %add3A_714 = arith.addi %add3A_713, %iota3A : vector<16xi32>
      %add3A_715 = arith.addi %mul3A_711, %add3A_714 : vector<16xi32>
      tpu.vector_store_idx %arg5[%add3A_715], %broadcast_in_dim3A_679 {add = true} : memref<5376xf32, #tpu.memory_space<vmem>>[vector<16xi32>], vector<16xf32>,
      %add3A_716 = arith.constant 32 : i32
      %add3A_717 = arith.addi %mul3A_694, %add3A_716 : i32
      %get3A_718 = arith.index_cast %add3A_717 : i32 to index
      %get3A_719 = tpu.vector_load %arg4[%get3A_718] {strides = array<i32>} : memref<25600xi32, #tpu.memory_space<vmem>>, vector<16xi32>,
      %mul3A_720 = arith.constant 256 : i32
      %mul3A_721 = vector.broadcast %mul3A_720 : i32 to vector<16xi32>
      %mul3A_722 = arith.muli %get3A_719, %mul3A_721 : vector<16xi32>
      %add3A_723 = arith.constant 32 : i32
      %add3A_724 = vector.broadcast %add3A_723 : i32 to vector<16xi32>
      %add3A_725 = arith.addi %add3A_724, %iota3A : vector<16xi32>
      %add3A_726 = arith.addi %mul3A_722, %add3A_725 : vector<16xi32>
      tpu.vector_store_idx %arg5[%add3A_726], %broadcast_in_dim3A_679 {add = true} : memref<5376xf32, #tpu.memory_space<vmem>>[vector<16xi32>], vector<16xf32>,
      %add3A_727 = arith.constant 48 : i32
      %add3A_728 = arith.addi %mul3A_694, %add3A_727 : i32
      %get3A_729 = arith.index_cast %add3A_728 : i32 to index
      %get3A_730 = tpu.vector_load %arg4[%get3A_729] {strides = array<i32>} : memref<25600xi32, #tpu.memory_space<vmem>>, vector<16xi32>,
      %mul3A_731 = arith.constant 256 : i32
      %mul3A_732 = vector.broadcast %mul3A_731 : i32 to vector<16xi32>
      %mul3A_733 = arith.muli %get3A_730, %mul3A_732 : vector<16xi32>
      %add3A_734 = arith.constant 48 : i32
      %add3A_735 = vector.broadcast %add3A_734 : i32 to vector<16xi32>
      %add3A_736 = arith.addi %add3A_735, %iota3A : vector<16xi32>
      %add3A_737 = arith.addi %mul3A_733, %add3A_736 : vector<16xi32>
      tpu.vector_store_idx %arg5[%add3A_737], %broadcast_in_dim3A_679 {add = true} : memref<5376xf32, #tpu.memory_space<vmem>>[vector<16xi32>], vector<16xf32>,
      %add3A_738 = arith.constant 64 : i32
      %add3A_739 = arith.addi %mul3A_694, %add3A_738 : i32
      %get3A_740 = arith.index_cast %add3A_739 : i32 to index
      %get3A_741 = tpu.vector_load %arg4[%get3A_740] {strides = array<i32>} : memref<25600xi32, #tpu.memory_space<vmem>>, vector<16xi32>,
      %mul3A_742 = arith.constant 256 : i32
      %mul3A_743 = vector.broadcast %mul3A_742 : i32 to vector<16xi32>
      %mul3A_744 = arith.muli %get3A_741, %mul3A_743 : vector<16xi32>
      %add3A_745 = arith.constant 64 : i32
      %add3A_746 = vector.broadcast %add3A_745 : i32 to vector<16xi32>
      %add3A_747 = arith.addi %add3A_746, %iota3A : vector<16xi32>
      %add3A_748 = arith.addi %mul3A_744, %add3A_747 : vector<16xi32>
      tpu.vector_store_idx %arg5[%add3A_748], %broadcast_in_dim3A_679 {add = true} : memref<5376xf32, #tpu.memory_space<vmem>>[vector<16xi32>], vector<16xf32>,
      %add3A_749 = arith.constant 80 : i32
      %add3A_750 = arith.addi %mul3A_694, %add3A_749 : i32
      %get3A_751 = arith.index_cast %add3A_750 : i32 to index
      %get3A_752 = tpu.vector_load %arg4[%get3A_751] {strides = array<i32>} : memref<25600xi32, #tpu.memory_space<vmem>>, vector<16xi32>,
      %mul3A_753 = arith.constant 256 : i32
      %mul3A_754 = vector.broadcast %mul3A_753 : i32 to vector<16xi32>
      %mul3A_755 = arith.muli %get3A_752, %mul3A_754 : vector<16xi32>
      %add3A_756 = arith.constant 80 : i32
      %add3A_757 = vector.broadcast %add3A_756 : i32 to vector<16xi32>
      %add3A_758 = arith.addi %add3A_757, %iota3A : vector<16xi32>
      %add3A_759 = arith.addi %mul3A_755, %add3A_758 : vector<16xi32>
      tpu.vector_store_idx %arg5[%add3A_759], %broadcast_in_dim3A_679 {add = true} : memref<5376xf32, #tpu.memory_space<vmem>>[vector<16xi32>], vector<16xf32>,
      %add3A_760 = arith.constant 96 : i32
      %add3A_761 = arith.addi %mul3A_694, %add3A_760 : i32
      %get3A_762 = arith.index_cast %add3A_761 : i32 to index
      %get3A_763 = tpu.vector_load %arg4[%get3A_762] {strides = array<i32>} : memref<25600xi32, #tpu.memory_space<vmem>>, vector<16xi32>,
      %mul3A_764 = arith.constant 256 : i32
      %mul3A_765 = vector.broadcast %mul3A_764 : i32 to vector<16xi32>
      %mul3A_766 = arith.muli %get3A_763, %mul3A_765 : vector<16xi32>
      %add3A_767 = arith.constant 96 : i32
      %add3A_768 = vector.broadcast %add3A_767 : i32 to vector<16xi32>
      %add3A_769 = arith.addi %add3A_768, %iota3A : vector<16xi32>
      %add3A_770 = arith.addi %mul3A_766, %add3A_769 : vector<16xi32>
      tpu.vector_store_idx %arg5[%add3A_770], %broadcast_in_dim3A_679 {add = true} : memref<5376xf32, #tpu.memory_space<vmem>>[vector<16xi32>], vector<16xf32>,
      %add3A_771 = arith.constant 112 : i32
      %add3A_772 = arith.addi %mul3A_694, %add3A_771 : i32
      %get3A_773 = arith.index_cast %add3A_772 : i32 to index
      %get3A_774 = tpu.vector_load %arg4[%get3A_773] {strides = array<i32>} : memref<25600xi32, #tpu.memory_space<vmem>>, vector<16xi32>,
      %mul3A_775 = arith.constant 256 : i32
      %mul3A_776 = vector.broadcast %mul3A_775 : i32 to vector<16xi32>
      %mul3A_777 = arith.muli %get3A_774, %mul3A_776 : vector<16xi32>
      %add3A_778 = arith.constant 112 : i32
      %add3A_779 = vector.broadcast %add3A_778 : i32 to vector<16xi32>
      %add3A_780 = arith.addi %add3A_779, %iota3A : vector<16xi32>
      %add3A_781 = arith.addi %mul3A_777, %add3A_780 : vector<16xi32>
      tpu.vector_store_idx %arg5[%add3A_781], %broadcast_in_dim3A_679 {add = true} : memref<5376xf32, #tpu.memory_space<vmem>>[vector<16xi32>], vector<16xf32>,
      %add3A_782 = arith.constant 128 : i32
      %add3A_783 = arith.addi %mul3A_694, %add3A_782 : i32
      %get3A_784 = arith.index_cast %add3A_783 : i32 to index
      %get3A_785 = tpu.vector_load %arg4[%get3A_784] {strides = array<i32>} : memref<25600xi32, #tpu.memory_space<vmem>>, vector<16xi32>,
      %mul3A_786 = arith.constant 256 : i32
      %mul3A_787 = vector.broadcast %mul3A_786 : i32 to vector<16xi32>
      %mul3A_788 = arith.muli %get3A_785, %mul3A_787 : vector<16xi32>
      %add3A_789 = arith.constant 128 : i32
      %add3A_790 = vector.broadcast %add3A_789 : i32 to vector<16xi32>
      %add3A_791 = arith.addi %add3A_790, %iota3A : vector<16xi32>
      %add3A_792 = arith.addi %mul3A_788, %add3A_791 : vector<16xi32>
      tpu.vector_store_idx %arg5[%add3A_792], %broadcast_in_dim3A_679 {add = true} : memref<5376xf32, #tpu.memory_space<vmem>>[vector<16xi32>], vector<16xf32>,
      %add3A_793 = arith.constant 144 : i32
      %add3A_794 = arith.addi %mul3A_694, %add3A_793 : i32
      %get3A_795 = arith.index_cast %add3A_794 : i32 to index
      %get3A_796 = tpu.vector_load %arg4[%get3A_795] {strides = array<i32>} : memref<25600xi32, #tpu.memory_space<vmem>>, vector<16xi32>,
      %mul3A_797 = arith.constant 256 : i32
      %mul3A_798 = vector.broadcast %mul3A_797 : i32 to vector<16xi32>
      %mul3A_799 = arith.muli %get3A_796, %mul3A_798 : vector<16xi32>
      %add3A_800 = arith.constant 144 : i32
      %add3A_801 = vector.broadcast %add3A_800 : i32 to vector<16xi32>
      %add3A_802 = arith.addi %add3A_801, %iota3A : vector<16xi32>
      %add3A_803 = arith.addi %mul3A_799, %add3A_802 : vector<16xi32>
      tpu.vector_store_idx %arg5[%add3A_803], %broadcast_in_dim3A_679 {add = true} : memref<5376xf32, #tpu.memory_space<vmem>>[vector<16xi32>], vector<16xf32>,
      %add3A_804 = arith.constant 160 : i32
      %add3A_805 = arith.addi %mul3A_694, %add3A_804 : i32
      %get3A_806 = arith.index_cast %add3A_805 : i32 to index
      %get3A_807 = tpu.vector_load %arg4[%get3A_806] {strides = array<i32>} : memref<25600xi32, #tpu.memory_space<vmem>>, vector<16xi32>,
      %mul3A_808 = arith.constant 256 : i32
      %mul3A_809 = vector.broadcast %mul3A_808 : i32 to vector<16xi32>
      %mul3A_810 = arith.muli %get3A_807, %mul3A_809 : vector<16xi32>
      %add3A_811 = arith.constant 160 : i32
      %add3A_812 = vector.broadcast %add3A_811 : i32 to vector<16xi32>
      %add3A_813 = arith.addi %add3A_812, %iota3A : vector<16xi32>
      %add3A_814 = arith.addi %mul3A_810, %add3A_813 : vector<16xi32>
      tpu.vector_store_idx %arg5[%add3A_814], %broadcast_in_dim3A_679 {add = true} : memref<5376xf32, #tpu.memory_space<vmem>>[vector<16xi32>], vector<16xf32>,
      %add3A_815 = arith.constant 176 : i32
      %add3A_816 = arith.addi %mul3A_694, %add3A_815 : i32
      %get3A_817 = arith.index_cast %add3A_816 : i32 to index
      %get3A_818 = tpu.vector_load %arg4[%get3A_817] {strides = array<i32>} : memref<25600xi32, #tpu.memory_space<vmem>>, vector<16xi32>,
      %mul3A_819 = arith.constant 256 : i32
      %mul3A_820 = vector.broadcast %mul3A_819 : i32 to vector<16xi32>
      %mul3A_821 = arith.muli %get3A_818, %mul3A_820 : vector<16xi32>
      %add3A_822 = arith.constant 176 : i32
      %add3A_823 = vector.broadcast %add3A_822 : i32 to vector<16xi32>
      %add3A_824 = arith.addi %add3A_823, %iota3A : vector<16xi32>
      %add3A_825 = arith.addi %mul3A_821, %add3A_824 : vector<16xi32>
      tpu.vector_store_idx %arg5[%add3A_825], %broadcast_in_dim3A_679 {add = true} : memref<5376xf32, #tpu.memory_space<vmem>>[vector<16xi32>], vector<16xf32>,
      %add3A_826 = arith.constant 184 : i32
      %add3A_827 = arith.addi %mul3A_694, %add3A_826 : i32
      %get3A_828 = arith.index_cast %add3A_827 : i32 to index
      %get3A_829 = tpu.vector_load %arg4[%get3A_828] {strides = array<i32>} : memref<25600xi32, #tpu.memory_space<vmem>>, vector<16xi32>,
      %mul3A_830 = arith.constant 256 : i32
      %mul3A_831 = vector.broadcast %mul3A_830 : i32 to vector<16xi32>
      %mul3A_832 = arith.muli %get3A_829, %mul3A_831 : vector<16xi32>
      %add3A_833 = arith.constant 184 : i32
      %add3A_834 = vector.broadcast %add3A_833 : i32 to vector<16xi32>
      %add3A_835 = arith.addi %add3A_834, %iota3A : vector<16xi32>
      %add3A_836 = arith.addi %mul3A_832, %add3A_835 : vector<16xi32>
      tpu.vector_store_idx %arg5[%add3A_836], %broadcast_in_dim3A_679 masked %ge3A_681 {add = true} : memref<5376xf32, #tpu.memory_space<vmem>>[vector<16xi32>], vector<16xf32>, vector<16xi1>
      %mul3A_837 = arith.constant 4 : i32
      %mul3A_838 = arith.muli %scan3A_688, %mul3A_837 : i32
      %add3A_839 = arith.constant 1 : i32
      %add3A_840 = arith.addi %mul3A_838, %add3A_839 : i32
      %mul3A_841 = arith.constant 200 : i32
      %mul3A_842 = arith.muli %add3A_840, %mul3A_841 : i32
      %add3A_843 = arith.constant 0 : i32
      %add3A_844 = arith.addi %mul3A_842, %add3A_843 : i32
      %get3A_845 = arith.index_cast %add3A_844 : i32 to index
      %get3A_846 = tpu.vector_load %arg4[%get3A_845] {strides = array<i32>} : memref<25600xi32, #tpu.memory_space<vmem>>, vector<16xi32>,
      %mul3A_847 = arith.constant 256 : i32
      %mul3A_848 = vector.broadcast %mul3A_847 : i32 to vector<16xi32>
      %mul3A_849 = arith.muli %get3A_846, %mul3A_848 : vector<16xi32>
      %add3A_850 = arith.constant 0 : i32
      %add3A_851 = vector.broadcast %add3A_850 : i32 to vector<16xi32>
      %add3A_852 = arith.addi %add3A_851, %iota3A : vector<16xi32>
      %add3A_853 = arith.addi %mul3A_849, %add3A_852 : vector<16xi32>
      tpu.vector_store_idx %arg5[%add3A_853], %broadcast_in_dim3A_679 {add = true} : memref<5376xf32, #tpu.memory_space<vmem>>[vector<16xi32>], vector<16xf32>,
      %add3A_854 = arith.constant 16 : i32
      %add3A_855 = arith.addi %mul3A_842, %add3A_854 : i32
      %get3A_856 = arith.index_cast %add3A_855 : i32 to index
      %get3A_857 = tpu.vector_load %arg4[%get3A_856] {strides = array<i32>} : memref<25600xi32, #tpu.memory_space<vmem>>, vector<16xi32>,
      %mul3A_858 = arith.constant 256 : i32
      %mul3A_859 = vector.broadcast %mul3A_858 : i32 to vector<16xi32>
      %mul3A_860 = arith.muli %get3A_857, %mul3A_859 : vector<16xi32>
      %add3A_861 = arith.constant 16 : i32
      %add3A_862 = vector.broadcast %add3A_861 : i32 to vector<16xi32>
      %add3A_863 = arith.addi %add3A_862, %iota3A : vector<16xi32>
      %add3A_864 = arith.addi %mul3A_860, %add3A_863 : vector<16xi32>
      tpu.vector_store_idx %arg5[%add3A_864], %broadcast_in_dim3A_679 {add = true} : memref<5376xf32, #tpu.memory_space<vmem>>[vector<16xi32>], vector<16xf32>,
      %add3A_865 = arith.constant 32 : i32
      %add3A_866 = arith.addi %mul3A_842, %add3A_865 : i32
      %get3A_867 = arith.index_cast %add3A_866 : i32 to index
      %get3A_868 = tpu.vector_load %arg4[%get3A_867] {strides = array<i32>} : memref<25600xi32, #tpu.memory_space<vmem>>, vector<16xi32>,
      %mul3A_869 = arith.constant 256 : i32
      %mul3A_870 = vector.broadcast %mul3A_869 : i32 to vector<16xi32>
      %mul3A_871 = arith.muli %get3A_868, %mul3A_870 : vector<16xi32>
      %add3A_872 = arith.constant 32 : i32
      %add3A_873 = vector.broadcast %add3A_872 : i32 to vector<16xi32>
      %add3A_874 = arith.addi %add3A_873, %iota3A : vector<16xi32>
      %add3A_875 = arith.addi %mul3A_871, %add3A_874 : vector<16xi32>
      tpu.vector_store_idx %arg5[%add3A_875], %broadcast_in_dim3A_679 {add = true} : memref<5376xf32, #tpu.memory_space<vmem>>[vector<16xi32>], vector<16xf32>,
      %add3A_876 = arith.constant 48 : i32
      %add3A_877 = arith.addi %mul3A_842, %add3A_876 : i32
      %get3A_878 = arith.index_cast %add3A_877 : i32 to index
      %get3A_879 = tpu.vector_load %arg4[%get3A_878] {strides = array<i32>} : memref<25600xi32, #tpu.memory_space<vmem>>, vector<16xi32>,
      %mul3A_880 = arith.constant 256 : i32
      %mul3A_881 = vector.broadcast %mul3A_880 : i32 to vector<16xi32>
      %mul3A_882 = arith.muli %get3A_879, %mul3A_881 : vector<16xi32>
      %add3A_883 = arith.constant 48 : i32
      %add3A_884 = vector.broadcast %add3A_883 : i32 to vector<16xi32>
      %add3A_885 = arith.addi %add3A_884, %iota3A : vector<16xi32>
      %add3A_886 = arith.addi %mul3A_882, %add3A_885 : vector<16xi32>
      tpu.vector_store_idx %arg5[%add3A_886], %broadcast_in_dim3A_679 {add = true} : memref<5376xf32, #tpu.memory_space<vmem>>[vector<16xi32>], vector<16xf32>,
      %add3A_887 = arith.constant 64 : i32
      %add3A_888 = arith.addi %mul3A_842, %add3A_887 : i32
      %get3A_889 = arith.index_cast %add3A_888 : i32 to index
      %get3A_890 = tpu.vector_load %arg4[%get3A_889] {strides = array<i32>} : memref<25600xi32, #tpu.memory_space<vmem>>, vector<16xi32>,
      %mul3A_891 = arith.constant 256 : i32
      %mul3A_892 = vector.broadcast %mul3A_891 : i32 to vector<16xi32>
      %mul3A_893 = arith.muli %get3A_890, %mul3A_892 : vector<16xi32>
      %add3A_894 = arith.constant 64 : i32
      %add3A_895 = vector.broadcast %add3A_894 : i32 to vector<16xi32>
      %add3A_896 = arith.addi %add3A_895, %iota3A : vector<16xi32>
      %add3A_897 = arith.addi %mul3A_893, %add3A_896 : vector<16xi32>
      tpu.vector_store_idx %arg5[%add3A_897], %broadcast_in_dim3A_679 {add = true} : memref<5376xf32, #tpu.memory_space<vmem>>[vector<16xi32>], vector<16xf32>,
      %add3A_898 = arith.constant 80 : i32
      %add3A_899 = arith.addi %mul3A_842, %add3A_898 : i32
      %get3A_900 = arith.index_cast %add3A_899 : i32 to index
      %get3A_901 = tpu.vector_load %arg4[%get3A_900] {strides = array<i32>} : memref<25600xi32, #tpu.memory_space<vmem>>, vector<16xi32>,
      %mul3A_902 = arith.constant 256 : i32
      %mul3A_903 = vector.broadcast %mul3A_902 : i32 to vector<16xi32>
      %mul3A_904 = arith.muli %get3A_901, %mul3A_903 : vector<16xi32>
      %add3A_905 = arith.constant 80 : i32
      %add3A_906 = vector.broadcast %add3A_905 : i32 to vector<16xi32>
      %add3A_907 = arith.addi %add3A_906, %iota3A : vector<16xi32>
      %add3A_908 = arith.addi %mul3A_904, %add3A_907 : vector<16xi32>
      tpu.vector_store_idx %arg5[%add3A_908], %broadcast_in_dim3A_679 {add = true} : memref<5376xf32, #tpu.memory_space<vmem>>[vector<16xi32>], vector<16xf32>,
      %add3A_909 = arith.constant 96 : i32
      %add3A_910 = arith.addi %mul3A_842, %add3A_909 : i32
      %get3A_911 = arith.index_cast %add3A_910 : i32 to index
      %get3A_912 = tpu.vector_load %arg4[%get3A_911] {strides = array<i32>} : memref<25600xi32, #tpu.memory_space<vmem>>, vector<16xi32>,
      %mul3A_913 = arith.constant 256 : i32
      %mul3A_914 = vector.broadcast %mul3A_913 : i32 to vector<16xi32>
      %mul3A_915 = arith.muli %get3A_912, %mul3A_914 : vector<16xi32>
      %add3A_916 = arith.constant 96 : i32
      %add3A_917 = vector.broadcast %add3A_916 : i32 to vector<16xi32>
      %add3A_918 = arith.addi %add3A_917, %iota3A : vector<16xi32>
      %add3A_919 = arith.addi %mul3A_915, %add3A_918 : vector<16xi32>
      tpu.vector_store_idx %arg5[%add3A_919], %broadcast_in_dim3A_679 {add = true} : memref<5376xf32, #tpu.memory_space<vmem>>[vector<16xi32>], vector<16xf32>,
      %add3A_920 = arith.constant 112 : i32
      %add3A_921 = arith.addi %mul3A_842, %add3A_920 : i32
      %get3A_922 = arith.index_cast %add3A_921 : i32 to index
      %get3A_923 = tpu.vector_load %arg4[%get3A_922] {strides = array<i32>} : memref<25600xi32, #tpu.memory_space<vmem>>, vector<16xi32>,
      %mul3A_924 = arith.constant 256 : i32
      %mul3A_925 = vector.broadcast %mul3A_924 : i32 to vector<16xi32>
      %mul3A_926 = arith.muli %get3A_923, %mul3A_925 : vector<16xi32>
      %add3A_927 = arith.constant 112 : i32
      %add3A_928 = vector.broadcast %add3A_927 : i32 to vector<16xi32>
      %add3A_929 = arith.addi %add3A_928, %iota3A : vector<16xi32>
      %add3A_930 = arith.addi %mul3A_926, %add3A_929 : vector<16xi32>
      tpu.vector_store_idx %arg5[%add3A_930], %broadcast_in_dim3A_679 {add = true} : memref<5376xf32, #tpu.memory_space<vmem>>[vector<16xi32>], vector<16xf32>,
      %add3A_931 = arith.constant 128 : i32
      %add3A_932 = arith.addi %mul3A_842, %add3A_931 : i32
      %get3A_933 = arith.index_cast %add3A_932 : i32 to index
      %get3A_934 = tpu.vector_load %arg4[%get3A_933] {strides = array<i32>} : memref<25600xi32, #tpu.memory_space<vmem>>, vector<16xi32>,
      %mul3A_935 = arith.constant 256 : i32
      %mul3A_936 = vector.broadcast %mul3A_935 : i32 to vector<16xi32>
      %mul3A_937 = arith.muli %get3A_934, %mul3A_936 : vector<16xi32>
      %add3A_938 = arith.constant 128 : i32
      %add3A_939 = vector.broadcast %add3A_938 : i32 to vector<16xi32>
      %add3A_940 = arith.addi %add3A_939, %iota3A : vector<16xi32>
      %add3A_941 = arith.addi %mul3A_937, %add3A_940 : vector<16xi32>
      tpu.vector_store_idx %arg5[%add3A_941], %broadcast_in_dim3A_679 {add = true} : memref<5376xf32, #tpu.memory_space<vmem>>[vector<16xi32>], vector<16xf32>,
      %add3A_942 = arith.constant 144 : i32
      %add3A_943 = arith.addi %mul3A_842, %add3A_942 : i32
      %get3A_944 = arith.index_cast %add3A_943 : i32 to index
      %get3A_945 = tpu.vector_load %arg4[%get3A_944] {strides = array<i32>} : memref<25600xi32, #tpu.memory_space<vmem>>, vector<16xi32>,
      %mul3A_946 = arith.constant 256 : i32
      %mul3A_947 = vector.broadcast %mul3A_946 : i32 to vector<16xi32>
      %mul3A_948 = arith.muli %get3A_945, %mul3A_947 : vector<16xi32>
      %add3A_949 = arith.constant 144 : i32
      %add3A_950 = vector.broadcast %add3A_949 : i32 to vector<16xi32>
      %add3A_951 = arith.addi %add3A_950, %iota3A : vector<16xi32>
      %add3A_952 = arith.addi %mul3A_948, %add3A_951 : vector<16xi32>
      tpu.vector_store_idx %arg5[%add3A_952], %broadcast_in_dim3A_679 {add = true} : memref<5376xf32, #tpu.memory_space<vmem>>[vector<16xi32>], vector<16xf32>,
      %add3A_953 = arith.constant 160 : i32
      %add3A_954 = arith.addi %mul3A_842, %add3A_953 : i32
      %get3A_955 = arith.index_cast %add3A_954 : i32 to index
      %get3A_956 = tpu.vector_load %arg4[%get3A_955] {strides = array<i32>} : memref<25600xi32, #tpu.memory_space<vmem>>, vector<16xi32>,
      %mul3A_957 = arith.constant 256 : i32
      %mul3A_958 = vector.broadcast %mul3A_957 : i32 to vector<16xi32>
      %mul3A_959 = arith.muli %get3A_956, %mul3A_958 : vector<16xi32>
      %add3A_960 = arith.constant 160 : i32
      %add3A_961 = vector.broadcast %add3A_960 : i32 to vector<16xi32>
      %add3A_962 = arith.addi %add3A_961, %iota3A : vector<16xi32>
      %add3A_963 = arith.addi %mul3A_959, %add3A_962 : vector<16xi32>
      tpu.vector_store_idx %arg5[%add3A_963], %broadcast_in_dim3A_679 {add = true} : memref<5376xf32, #tpu.memory_space<vmem>>[vector<16xi32>], vector<16xf32>,
      %add3A_964 = arith.constant 176 : i32
      %add3A_965 = arith.addi %mul3A_842, %add3A_964 : i32
      %get3A_966 = arith.index_cast %add3A_965 : i32 to index
      %get3A_967 = tpu.vector_load %arg4[%get3A_966] {strides = array<i32>} : memref<25600xi32, #tpu.memory_space<vmem>>, vector<16xi32>,
      %mul3A_968 = arith.constant 256 : i32
      %mul3A_969 = vector.broadcast %mul3A_968 : i32 to vector<16xi32>
      %mul3A_970 = arith.muli %get3A_967, %mul3A_969 : vector<16xi32>
      %add3A_971 = arith.constant 176 : i32
      %add3A_972 = vector.broadcast %add3A_971 : i32 to vector<16xi32>
      %add3A_973 = arith.addi %add3A_972, %iota3A : vector<16xi32>
      %add3A_974 = arith.addi %mul3A_970, %add3A_973 : vector<16xi32>
      tpu.vector_store_idx %arg5[%add3A_974], %broadcast_in_dim3A_679 {add = true} : memref<5376xf32, #tpu.memory_space<vmem>>[vector<16xi32>], vector<16xf32>,
      %add3A_975 = arith.constant 184 : i32
      %add3A_976 = arith.addi %mul3A_842, %add3A_975 : i32
      %get3A_977 = arith.index_cast %add3A_976 : i32 to index
      %get3A_978 = tpu.vector_load %arg4[%get3A_977] {strides = array<i32>} : memref<25600xi32, #tpu.memory_space<vmem>>, vector<16xi32>,
      %mul3A_979 = arith.constant 256 : i32
      %mul3A_980 = vector.broadcast %mul3A_979 : i32 to vector<16xi32>
      %mul3A_981 = arith.muli %get3A_978, %mul3A_980 : vector<16xi32>
      %add3A_982 = arith.constant 184 : i32
      %add3A_983 = vector.broadcast %add3A_982 : i32 to vector<16xi32>
      %add3A_984 = arith.addi %add3A_983, %iota3A : vector<16xi32>
      %add3A_985 = arith.addi %mul3A_981, %add3A_984 : vector<16xi32>
      tpu.vector_store_idx %arg5[%add3A_985], %broadcast_in_dim3A_679 masked %ge3A_681 {add = true} : memref<5376xf32, #tpu.memory_space<vmem>>[vector<16xi32>], vector<16xf32>, vector<16xi1>
      %mul3A_986 = arith.constant 4 : i32
      %mul3A_987 = arith.muli %scan3A_688, %mul3A_986 : i32
      %add3A_988 = arith.constant 2 : i32
      %add3A_989 = arith.addi %mul3A_987, %add3A_988 : i32
      %mul3A_990 = arith.constant 200 : i32
      %mul3A_991 = arith.muli %add3A_989, %mul3A_990 : i32
      %add3A_992 = arith.constant 0 : i32
      %add3A_993 = arith.addi %mul3A_991, %add3A_992 : i32
      %get3A_994 = arith.index_cast %add3A_993 : i32 to index
      %get3A_995 = tpu.vector_load %arg4[%get3A_994] {strides = array<i32>} : memref<25600xi32, #tpu.memory_space<vmem>>, vector<16xi32>,
      %mul3A_996 = arith.constant 256 : i32
      %mul3A_997 = vector.broadcast %mul3A_996 : i32 to vector<16xi32>
      %mul3A_998 = arith.muli %get3A_995, %mul3A_997 : vector<16xi32>
      %add3A_999 = arith.constant 0 : i32
      %add3A_1000 = vector.broadcast %add3A_999 : i32 to vector<16xi32>
      %add3A_1001 = arith.addi %add3A_1000, %iota3A : vector<16xi32>
      %add3A_1002 = arith.addi %mul3A_998, %add3A_1001 : vector<16xi32>
      tpu.vector_store_idx %arg5[%add3A_1002], %broadcast_in_dim3A_679 {add = true} : memref<5376xf32, #tpu.memory_space<vmem>>[vector<16xi32>], vector<16xf32>,
      %add3A_1003 = arith.constant 16 : i32
      %add3A_1004 = arith.addi %mul3A_991, %add3A_1003 : i32
      %get3A_1005 = arith.index_cast %add3A_1004 : i32 to index
      %get3A_1006 = tpu.vector_load %arg4[%get3A_1005] {strides = array<i32>} : memref<25600xi32, #tpu.memory_space<vmem>>, vector<16xi32>,
      %mul3A_1007 = arith.constant 256 : i32
      %mul3A_1008 = vector.broadcast %mul3A_1007 : i32 to vector<16xi32>
      %mul3A_1009 = arith.muli %get3A_1006, %mul3A_1008 : vector<16xi32>
      %add3A_1010 = arith.constant 16 : i32
      %add3A_1011 = vector.broadcast %add3A_1010 : i32 to vector<16xi32>
      %add3A_1012 = arith.addi %add3A_1011, %iota3A : vector<16xi32>
      %add3A_1013 = arith.addi %mul3A_1009, %add3A_1012 : vector<16xi32>
      tpu.vector_store_idx %arg5[%add3A_1013], %broadcast_in_dim3A_679 {add = true} : memref<5376xf32, #tpu.memory_space<vmem>>[vector<16xi32>], vector<16xf32>,
      %add3A_1014 = arith.constant 32 : i32
      %add3A_1015 = arith.addi %mul3A_991, %add3A_1014 : i32
      %get3A_1016 = arith.index_cast %add3A_1015 : i32 to index
      %get3A_1017 = tpu.vector_load %arg4[%get3A_1016] {strides = array<i32>} : memref<25600xi32, #tpu.memory_space<vmem>>, vector<16xi32>,
      %mul3A_1018 = arith.constant 256 : i32
      %mul3A_1019 = vector.broadcast %mul3A_1018 : i32 to vector<16xi32>
      %mul3A_1020 = arith.muli %get3A_1017, %mul3A_1019 : vector<16xi32>
      %add3A_1021 = arith.constant 32 : i32
      %add3A_1022 = vector.broadcast %add3A_1021 : i32 to vector<16xi32>
      %add3A_1023 = arith.addi %add3A_1022, %iota3A : vector<16xi32>
      %add3A_1024 = arith.addi %mul3A_1020, %add3A_1023 : vector<16xi32>
      tpu.vector_store_idx %arg5[%add3A_1024], %broadcast_in_dim3A_679 {add = true} : memref<5376xf32, #tpu.memory_space<vmem>>[vector<16xi32>], vector<16xf32>,
      %add3A_1025 = arith.constant 48 : i32
      %add3A_1026 = arith.addi %mul3A_991, %add3A_1025 : i32
      %get3A_1027 = arith.index_cast %add3A_1026 : i32 to index
      %get3A_1028 = tpu.vector_load %arg4[%get3A_1027] {strides = array<i32>} : memref<25600xi32, #tpu.memory_space<vmem>>, vector<16xi32>,
      %mul3A_1029 = arith.constant 256 : i32
      %mul3A_1030 = vector.broadcast %mul3A_1029 : i32 to vector<16xi32>
      %mul3A_1031 = arith.muli %get3A_1028, %mul3A_1030 : vector<16xi32>
      %add3A_1032 = arith.constant 48 : i32
      %add3A_1033 = vector.broadcast %add3A_1032 : i32 to vector<16xi32>
      %add3A_1034 = arith.addi %add3A_1033, %iota3A : vector<16xi32>
      %add3A_1035 = arith.addi %mul3A_1031, %add3A_1034 : vector<16xi32>
      tpu.vector_store_idx %arg5[%add3A_1035], %broadcast_in_dim3A_679 {add = true} : memref<5376xf32, #tpu.memory_space<vmem>>[vector<16xi32>], vector<16xf32>,
      %add3A_1036 = arith.constant 64 : i32
      %add3A_1037 = arith.addi %mul3A_991, %add3A_1036 : i32
      %get3A_1038 = arith.index_cast %add3A_1037 : i32 to index
      %get3A_1039 = tpu.vector_load %arg4[%get3A_1038] {strides = array<i32>} : memref<25600xi32, #tpu.memory_space<vmem>>, vector<16xi32>,
      %mul3A_1040 = arith.constant 256 : i32
      %mul3A_1041 = vector.broadcast %mul3A_1040 : i32 to vector<16xi32>
      %mul3A_1042 = arith.muli %get3A_1039, %mul3A_1041 : vector<16xi32>
      %add3A_1043 = arith.constant 64 : i32
      %add3A_1044 = vector.broadcast %add3A_1043 : i32 to vector<16xi32>
      %add3A_1045 = arith.addi %add3A_1044, %iota3A : vector<16xi32>
      %add3A_1046 = arith.addi %mul3A_1042, %add3A_1045 : vector<16xi32>
      tpu.vector_store_idx %arg5[%add3A_1046], %broadcast_in_dim3A_679 {add = true} : memref<5376xf32, #tpu.memory_space<vmem>>[vector<16xi32>], vector<16xf32>,
      %add3A_1047 = arith.constant 80 : i32
      %add3A_1048 = arith.addi %mul3A_991, %add3A_1047 : i32
      %get3A_1049 = arith.index_cast %add3A_1048 : i32 to index
      %get3A_1050 = tpu.vector_load %arg4[%get3A_1049] {strides = array<i32>} : memref<25600xi32, #tpu.memory_space<vmem>>, vector<16xi32>,
      %mul3A_1051 = arith.constant 256 : i32
      %mul3A_1052 = vector.broadcast %mul3A_1051 : i32 to vector<16xi32>
      %mul3A_1053 = arith.muli %get3A_1050, %mul3A_1052 : vector<16xi32>
      %add3A_1054 = arith.constant 80 : i32
      %add3A_1055 = vector.broadcast %add3A_1054 : i32 to vector<16xi32>
      %add3A_1056 = arith.addi %add3A_1055, %iota3A : vector<16xi32>
      %add3A_1057 = arith.addi %mul3A_1053, %add3A_1056 : vector<16xi32>
      tpu.vector_store_idx %arg5[%add3A_1057], %broadcast_in_dim3A_679 {add = true} : memref<5376xf32, #tpu.memory_space<vmem>>[vector<16xi32>], vector<16xf32>,
      %add3A_1058 = arith.constant 96 : i32
      %add3A_1059 = arith.addi %mul3A_991, %add3A_1058 : i32
      %get3A_1060 = arith.index_cast %add3A_1059 : i32 to index
      %get3A_1061 = tpu.vector_load %arg4[%get3A_1060] {strides = array<i32>} : memref<25600xi32, #tpu.memory_space<vmem>>, vector<16xi32>,
      %mul3A_1062 = arith.constant 256 : i32
      %mul3A_1063 = vector.broadcast %mul3A_1062 : i32 to vector<16xi32>
      %mul3A_1064 = arith.muli %get3A_1061, %mul3A_1063 : vector<16xi32>
      %add3A_1065 = arith.constant 96 : i32
      %add3A_1066 = vector.broadcast %add3A_1065 : i32 to vector<16xi32>
      %add3A_1067 = arith.addi %add3A_1066, %iota3A : vector<16xi32>
      %add3A_1068 = arith.addi %mul3A_1064, %add3A_1067 : vector<16xi32>
      tpu.vector_store_idx %arg5[%add3A_1068], %broadcast_in_dim3A_679 {add = true} : memref<5376xf32, #tpu.memory_space<vmem>>[vector<16xi32>], vector<16xf32>,
      %add3A_1069 = arith.constant 112 : i32
      %add3A_1070 = arith.addi %mul3A_991, %add3A_1069 : i32
      %get3A_1071 = arith.index_cast %add3A_1070 : i32 to index
      %get3A_1072 = tpu.vector_load %arg4[%get3A_1071] {strides = array<i32>} : memref<25600xi32, #tpu.memory_space<vmem>>, vector<16xi32>,
      %mul3A_1073 = arith.constant 256 : i32
      %mul3A_1074 = vector.broadcast %mul3A_1073 : i32 to vector<16xi32>
      %mul3A_1075 = arith.muli %get3A_1072, %mul3A_1074 : vector<16xi32>
      %add3A_1076 = arith.constant 112 : i32
      %add3A_1077 = vector.broadcast %add3A_1076 : i32 to vector<16xi32>
      %add3A_1078 = arith.addi %add3A_1077, %iota3A : vector<16xi32>
      %add3A_1079 = arith.addi %mul3A_1075, %add3A_1078 : vector<16xi32>
      tpu.vector_store_idx %arg5[%add3A_1079], %broadcast_in_dim3A_679 {add = true} : memref<5376xf32, #tpu.memory_space<vmem>>[vector<16xi32>], vector<16xf32>,
      %add3A_1080 = arith.constant 128 : i32
      %add3A_1081 = arith.addi %mul3A_991, %add3A_1080 : i32
      %get3A_1082 = arith.index_cast %add3A_1081 : i32 to index
      %get3A_1083 = tpu.vector_load %arg4[%get3A_1082] {strides = array<i32>} : memref<25600xi32, #tpu.memory_space<vmem>>, vector<16xi32>,
      %mul3A_1084 = arith.constant 256 : i32
      %mul3A_1085 = vector.broadcast %mul3A_1084 : i32 to vector<16xi32>
      %mul3A_1086 = arith.muli %get3A_1083, %mul3A_1085 : vector<16xi32>
      %add3A_1087 = arith.constant 128 : i32
      %add3A_1088 = vector.broadcast %add3A_1087 : i32 to vector<16xi32>
      %add3A_1089 = arith.addi %add3A_1088, %iota3A : vector<16xi32>
      %add3A_1090 = arith.addi %mul3A_1086, %add3A_1089 : vector<16xi32>
      tpu.vector_store_idx %arg5[%add3A_1090], %broadcast_in_dim3A_679 {add = true} : memref<5376xf32, #tpu.memory_space<vmem>>[vector<16xi32>], vector<16xf32>,
      %add3A_1091 = arith.constant 144 : i32
      %add3A_1092 = arith.addi %mul3A_991, %add3A_1091 : i32
      %get3A_1093 = arith.index_cast %add3A_1092 : i32 to index
      %get3A_1094 = tpu.vector_load %arg4[%get3A_1093] {strides = array<i32>} : memref<25600xi32, #tpu.memory_space<vmem>>, vector<16xi32>,
      %mul3A_1095 = arith.constant 256 : i32
      %mul3A_1096 = vector.broadcast %mul3A_1095 : i32 to vector<16xi32>
      %mul3A_1097 = arith.muli %get3A_1094, %mul3A_1096 : vector<16xi32>
      %add3A_1098 = arith.constant 144 : i32
      %add3A_1099 = vector.broadcast %add3A_1098 : i32 to vector<16xi32>
      %add3A_1100 = arith.addi %add3A_1099, %iota3A : vector<16xi32>
      %add3A_1101 = arith.addi %mul3A_1097, %add3A_1100 : vector<16xi32>
      tpu.vector_store_idx %arg5[%add3A_1101], %broadcast_in_dim3A_679 {add = true} : memref<5376xf32, #tpu.memory_space<vmem>>[vector<16xi32>], vector<16xf32>,
      %add3A_1102 = arith.constant 160 : i32
      %add3A_1103 = arith.addi %mul3A_991, %add3A_1102 : i32
      %get3A_1104 = arith.index_cast %add3A_1103 : i32 to index
      %get3A_1105 = tpu.vector_load %arg4[%get3A_1104] {strides = array<i32>} : memref<25600xi32, #tpu.memory_space<vmem>>, vector<16xi32>,
      %mul3A_1106 = arith.constant 256 : i32
      %mul3A_1107 = vector.broadcast %mul3A_1106 : i32 to vector<16xi32>
      %mul3A_1108 = arith.muli %get3A_1105, %mul3A_1107 : vector<16xi32>
      %add3A_1109 = arith.constant 160 : i32
      %add3A_1110 = vector.broadcast %add3A_1109 : i32 to vector<16xi32>
      %add3A_1111 = arith.addi %add3A_1110, %iota3A : vector<16xi32>
      %add3A_1112 = arith.addi %mul3A_1108, %add3A_1111 : vector<16xi32>
      tpu.vector_store_idx %arg5[%add3A_1112], %broadcast_in_dim3A_679 {add = true} : memref<5376xf32, #tpu.memory_space<vmem>>[vector<16xi32>], vector<16xf32>,
      %add3A_1113 = arith.constant 176 : i32
      %add3A_1114 = arith.addi %mul3A_991, %add3A_1113 : i32
      %get3A_1115 = arith.index_cast %add3A_1114 : i32 to index
      %get3A_1116 = tpu.vector_load %arg4[%get3A_1115] {strides = array<i32>} : memref<25600xi32, #tpu.memory_space<vmem>>, vector<16xi32>,
      %mul3A_1117 = arith.constant 256 : i32
      %mul3A_1118 = vector.broadcast %mul3A_1117 : i32 to vector<16xi32>
      %mul3A_1119 = arith.muli %get3A_1116, %mul3A_1118 : vector<16xi32>
      %add3A_1120 = arith.constant 176 : i32
      %add3A_1121 = vector.broadcast %add3A_1120 : i32 to vector<16xi32>
      %add3A_1122 = arith.addi %add3A_1121, %iota3A : vector<16xi32>
      %add3A_1123 = arith.addi %mul3A_1119, %add3A_1122 : vector<16xi32>
      tpu.vector_store_idx %arg5[%add3A_1123], %broadcast_in_dim3A_679 {add = true} : memref<5376xf32, #tpu.memory_space<vmem>>[vector<16xi32>], vector<16xf32>,
      %add3A_1124 = arith.constant 184 : i32
      %add3A_1125 = arith.addi %mul3A_991, %add3A_1124 : i32
      %get3A_1126 = arith.index_cast %add3A_1125 : i32 to index
      %get3A_1127 = tpu.vector_load %arg4[%get3A_1126] {strides = array<i32>} : memref<25600xi32, #tpu.memory_space<vmem>>, vector<16xi32>,
      %mul3A_1128 = arith.constant 256 : i32
      %mul3A_1129 = vector.broadcast %mul3A_1128 : i32 to vector<16xi32>
      %mul3A_1130 = arith.muli %get3A_1127, %mul3A_1129 : vector<16xi32>
      %add3A_1131 = arith.constant 184 : i32
      %add3A_1132 = vector.broadcast %add3A_1131 : i32 to vector<16xi32>
      %add3A_1133 = arith.addi %add3A_1132, %iota3A : vector<16xi32>
      %add3A_1134 = arith.addi %mul3A_1130, %add3A_1133 : vector<16xi32>
      tpu.vector_store_idx %arg5[%add3A_1134], %broadcast_in_dim3A_679 masked %ge3A_681 {add = true} : memref<5376xf32, #tpu.memory_space<vmem>>[vector<16xi32>], vector<16xf32>, vector<16xi1>
      %mul3A_1135 = arith.constant 4 : i32
      %mul3A_1136 = arith.muli %scan3A_688, %mul3A_1135 : i32
      %add3A_1137 = arith.constant 3 : i32
      %add3A_1138 = arith.addi %mul3A_1136, %add3A_1137 : i32
      %mul3A_1139 = arith.constant 200 : i32
      %mul3A_1140 = arith.muli %add3A_1138, %mul3A_1139 : i32
      %add3A_1141 = arith.constant 0 : i32
      %add3A_1142 = arith.addi %mul3A_1140, %add3A_1141 : i32
      %get3A_1143 = arith.index_cast %add3A_1142 : i32 to index
      %get3A_1144 = tpu.vector_load %arg4[%get3A_1143] {strides = array<i32>} : memref<25600xi32, #tpu.memory_space<vmem>>, vector<16xi32>,
      %mul3A_1145 = arith.constant 256 : i32
      %mul3A_1146 = vector.broadcast %mul3A_1145 : i32 to vector<16xi32>
      %mul3A_1147 = arith.muli %get3A_1144, %mul3A_1146 : vector<16xi32>
      %add3A_1148 = arith.constant 0 : i32
      %add3A_1149 = vector.broadcast %add3A_1148 : i32 to vector<16xi32>
      %add3A_1150 = arith.addi %add3A_1149, %iota3A : vector<16xi32>
      %add3A_1151 = arith.addi %mul3A_1147, %add3A_1150 : vector<16xi32>
      tpu.vector_store_idx %arg5[%add3A_1151], %broadcast_in_dim3A_679 {add = true} : memref<5376xf32, #tpu.memory_space<vmem>>[vector<16xi32>], vector<16xf32>,
      %add3A_1152 = arith.constant 16 : i32
      %add3A_1153 = arith.addi %mul3A_1140, %add3A_1152 : i32
      %get3A_1154 = arith.index_cast %add3A_1153 : i32 to index
      %get3A_1155 = tpu.vector_load %arg4[%get3A_1154] {strides = array<i32>} : memref<25600xi32, #tpu.memory_space<vmem>>, vector<16xi32>,
      %mul3A_1156 = arith.constant 256 : i32
      %mul3A_1157 = vector.broadcast %mul3A_1156 : i32 to vector<16xi32>
      %mul3A_1158 = arith.muli %get3A_1155, %mul3A_1157 : vector<16xi32>
      %add3A_1159 = arith.constant 16 : i32
      %add3A_1160 = vector.broadcast %add3A_1159 : i32 to vector<16xi32>
      %add3A_1161 = arith.addi %add3A_1160, %iota3A : vector<16xi32>
      %add3A_1162 = arith.addi %mul3A_1158, %add3A_1161 : vector<16xi32>
      tpu.vector_store_idx %arg5[%add3A_1162], %broadcast_in_dim3A_679 {add = true} : memref<5376xf32, #tpu.memory_space<vmem>>[vector<16xi32>], vector<16xf32>,
      %add3A_1163 = arith.constant 32 : i32
      %add3A_1164 = arith.addi %mul3A_1140, %add3A_1163 : i32
      %get3A_1165 = arith.index_cast %add3A_1164 : i32 to index
      %get3A_1166 = tpu.vector_load %arg4[%get3A_1165] {strides = array<i32>} : memref<25600xi32, #tpu.memory_space<vmem>>, vector<16xi32>,
      %mul3A_1167 = arith.constant 256 : i32
      %mul3A_1168 = vector.broadcast %mul3A_1167 : i32 to vector<16xi32>
      %mul3A_1169 = arith.muli %get3A_1166, %mul3A_1168 : vector<16xi32>
      %add3A_1170 = arith.constant 32 : i32
      %add3A_1171 = vector.broadcast %add3A_1170 : i32 to vector<16xi32>
      %add3A_1172 = arith.addi %add3A_1171, %iota3A : vector<16xi32>
      %add3A_1173 = arith.addi %mul3A_1169, %add3A_1172 : vector<16xi32>
      tpu.vector_store_idx %arg5[%add3A_1173], %broadcast_in_dim3A_679 {add = true} : memref<5376xf32, #tpu.memory_space<vmem>>[vector<16xi32>], vector<16xf32>,
      %add3A_1174 = arith.constant 48 : i32
      %add3A_1175 = arith.addi %mul3A_1140, %add3A_1174 : i32
      %get3A_1176 = arith.index_cast %add3A_1175 : i32 to index
      %get3A_1177 = tpu.vector_load %arg4[%get3A_1176] {strides = array<i32>} : memref<25600xi32, #tpu.memory_space<vmem>>, vector<16xi32>,
      %mul3A_1178 = arith.constant 256 : i32
      %mul3A_1179 = vector.broadcast %mul3A_1178 : i32 to vector<16xi32>
      %mul3A_1180 = arith.muli %get3A_1177, %mul3A_1179 : vector<16xi32>
      %add3A_1181 = arith.constant 48 : i32
      %add3A_1182 = vector.broadcast %add3A_1181 : i32 to vector<16xi32>
      %add3A_1183 = arith.addi %add3A_1182, %iota3A : vector<16xi32>
      %add3A_1184 = arith.addi %mul3A_1180, %add3A_1183 : vector<16xi32>
      tpu.vector_store_idx %arg5[%add3A_1184], %broadcast_in_dim3A_679 {add = true} : memref<5376xf32, #tpu.memory_space<vmem>>[vector<16xi32>], vector<16xf32>,
      %add3A_1185 = arith.constant 64 : i32
      %add3A_1186 = arith.addi %mul3A_1140, %add3A_1185 : i32
      %get3A_1187 = arith.index_cast %add3A_1186 : i32 to index
      %get3A_1188 = tpu.vector_load %arg4[%get3A_1187] {strides = array<i32>} : memref<25600xi32, #tpu.memory_space<vmem>>, vector<16xi32>,
      %mul3A_1189 = arith.constant 256 : i32
      %mul3A_1190 = vector.broadcast %mul3A_1189 : i32 to vector<16xi32>
      %mul3A_1191 = arith.muli %get3A_1188, %mul3A_1190 : vector<16xi32>
      %add3A_1192 = arith.constant 64 : i32
      %add3A_1193 = vector.broadcast %add3A_1192 : i32 to vector<16xi32>
      %add3A_1194 = arith.addi %add3A_1193, %iota3A : vector<16xi32>
      %add3A_1195 = arith.addi %mul3A_1191, %add3A_1194 : vector<16xi32>
      tpu.vector_store_idx %arg5[%add3A_1195], %broadcast_in_dim3A_679 {add = true} : memref<5376xf32, #tpu.memory_space<vmem>>[vector<16xi32>], vector<16xf32>,
      %add3A_1196 = arith.constant 80 : i32
      %add3A_1197 = arith.addi %mul3A_1140, %add3A_1196 : i32
      %get3A_1198 = arith.index_cast %add3A_1197 : i32 to index
      %get3A_1199 = tpu.vector_load %arg4[%get3A_1198] {strides = array<i32>} : memref<25600xi32, #tpu.memory_space<vmem>>, vector<16xi32>,
      %mul3A_1200 = arith.constant 256 : i32
      %mul3A_1201 = vector.broadcast %mul3A_1200 : i32 to vector<16xi32>
      %mul3A_1202 = arith.muli %get3A_1199, %mul3A_1201 : vector<16xi32>
      %add3A_1203 = arith.constant 80 : i32
      %add3A_1204 = vector.broadcast %add3A_1203 : i32 to vector<16xi32>
      %add3A_1205 = arith.addi %add3A_1204, %iota3A : vector<16xi32>
      %add3A_1206 = arith.addi %mul3A_1202, %add3A_1205 : vector<16xi32>
      tpu.vector_store_idx %arg5[%add3A_1206], %broadcast_in_dim3A_679 {add = true} : memref<5376xf32, #tpu.memory_space<vmem>>[vector<16xi32>], vector<16xf32>,
      %add3A_1207 = arith.constant 96 : i32
      %add3A_1208 = arith.addi %mul3A_1140, %add3A_1207 : i32
      %get3A_1209 = arith.index_cast %add3A_1208 : i32 to index
      %get3A_1210 = tpu.vector_load %arg4[%get3A_1209] {strides = array<i32>} : memref<25600xi32, #tpu.memory_space<vmem>>, vector<16xi32>,
      %mul3A_1211 = arith.constant 256 : i32
      %mul3A_1212 = vector.broadcast %mul3A_1211 : i32 to vector<16xi32>
      %mul3A_1213 = arith.muli %get3A_1210, %mul3A_1212 : vector<16xi32>
      %add3A_1214 = arith.constant 96 : i32
      %add3A_1215 = vector.broadcast %add3A_1214 : i32 to vector<16xi32>
      %add3A_1216 = arith.addi %add3A_1215, %iota3A : vector<16xi32>
      %add3A_1217 = arith.addi %mul3A_1213, %add3A_1216 : vector<16xi32>
      tpu.vector_store_idx %arg5[%add3A_1217], %broadcast_in_dim3A_679 {add = true} : memref<5376xf32, #tpu.memory_space<vmem>>[vector<16xi32>], vector<16xf32>,
      %add3A_1218 = arith.constant 112 : i32
      %add3A_1219 = arith.addi %mul3A_1140, %add3A_1218 : i32
      %get3A_1220 = arith.index_cast %add3A_1219 : i32 to index
      %get3A_1221 = tpu.vector_load %arg4[%get3A_1220] {strides = array<i32>} : memref<25600xi32, #tpu.memory_space<vmem>>, vector<16xi32>,
      %mul3A_1222 = arith.constant 256 : i32
      %mul3A_1223 = vector.broadcast %mul3A_1222 : i32 to vector<16xi32>
      %mul3A_1224 = arith.muli %get3A_1221, %mul3A_1223 : vector<16xi32>
      %add3A_1225 = arith.constant 112 : i32
      %add3A_1226 = vector.broadcast %add3A_1225 : i32 to vector<16xi32>
      %add3A_1227 = arith.addi %add3A_1226, %iota3A : vector<16xi32>
      %add3A_1228 = arith.addi %mul3A_1224, %add3A_1227 : vector<16xi32>
      tpu.vector_store_idx %arg5[%add3A_1228], %broadcast_in_dim3A_679 {add = true} : memref<5376xf32, #tpu.memory_space<vmem>>[vector<16xi32>], vector<16xf32>,
      %add3A_1229 = arith.constant 128 : i32
      %add3A_1230 = arith.addi %mul3A_1140, %add3A_1229 : i32
      %get3A_1231 = arith.index_cast %add3A_1230 : i32 to index
      %get3A_1232 = tpu.vector_load %arg4[%get3A_1231] {strides = array<i32>} : memref<25600xi32, #tpu.memory_space<vmem>>, vector<16xi32>,
      %mul3A_1233 = arith.constant 256 : i32
      %mul3A_1234 = vector.broadcast %mul3A_1233 : i32 to vector<16xi32>
      %mul3A_1235 = arith.muli %get3A_1232, %mul3A_1234 : vector<16xi32>
      %add3A_1236 = arith.constant 128 : i32
      %add3A_1237 = vector.broadcast %add3A_1236 : i32 to vector<16xi32>
      %add3A_1238 = arith.addi %add3A_1237, %iota3A : vector<16xi32>
      %add3A_1239 = arith.addi %mul3A_1235, %add3A_1238 : vector<16xi32>
      tpu.vector_store_idx %arg5[%add3A_1239], %broadcast_in_dim3A_679 {add = true} : memref<5376xf32, #tpu.memory_space<vmem>>[vector<16xi32>], vector<16xf32>,
      %add3A_1240 = arith.constant 144 : i32
      %add3A_1241 = arith.addi %mul3A_1140, %add3A_1240 : i32
      %get3A_1242 = arith.index_cast %add3A_1241 : i32 to index
      %get3A_1243 = tpu.vector_load %arg4[%get3A_1242] {strides = array<i32>} : memref<25600xi32, #tpu.memory_space<vmem>>, vector<16xi32>,
      %mul3A_1244 = arith.constant 256 : i32
      %mul3A_1245 = vector.broadcast %mul3A_1244 : i32 to vector<16xi32>
      %mul3A_1246 = arith.muli %get3A_1243, %mul3A_1245 : vector<16xi32>
      %add3A_1247 = arith.constant 144 : i32
      %add3A_1248 = vector.broadcast %add3A_1247 : i32 to vector<16xi32>
      %add3A_1249 = arith.addi %add3A_1248, %iota3A : vector<16xi32>
      %add3A_1250 = arith.addi %mul3A_1246, %add3A_1249 : vector<16xi32>
      tpu.vector_store_idx %arg5[%add3A_1250], %broadcast_in_dim3A_679 {add = true} : memref<5376xf32, #tpu.memory_space<vmem>>[vector<16xi32>], vector<16xf32>,
      %add3A_1251 = arith.constant 160 : i32
      %add3A_1252 = arith.addi %mul3A_1140, %add3A_1251 : i32
      %get3A_1253 = arith.index_cast %add3A_1252 : i32 to index
      %get3A_1254 = tpu.vector_load %arg4[%get3A_1253] {strides = array<i32>} : memref<25600xi32, #tpu.memory_space<vmem>>, vector<16xi32>,
      %mul3A_1255 = arith.constant 256 : i32
      %mul3A_1256 = vector.broadcast %mul3A_1255 : i32 to vector<16xi32>
      %mul3A_1257 = arith.muli %get3A_1254, %mul3A_1256 : vector<16xi32>
      %add3A_1258 = arith.constant 160 : i32
      %add3A_1259 = vector.broadcast %add3A_1258 : i32 to vector<16xi32>
      %add3A_1260 = arith.addi %add3A_1259, %iota3A : vector<16xi32>
      %add3A_1261 = arith.addi %mul3A_1257, %add3A_1260 : vector<16xi32>
      tpu.vector_store_idx %arg5[%add3A_1261], %broadcast_in_dim3A_679 {add = true} : memref<5376xf32, #tpu.memory_space<vmem>>[vector<16xi32>], vector<16xf32>,
      %add3A_1262 = arith.constant 176 : i32
      %add3A_1263 = arith.addi %mul3A_1140, %add3A_1262 : i32
      %get3A_1264 = arith.index_cast %add3A_1263 : i32 to index
      %get3A_1265 = tpu.vector_load %arg4[%get3A_1264] {strides = array<i32>} : memref<25600xi32, #tpu.memory_space<vmem>>, vector<16xi32>,
      %mul3A_1266 = arith.constant 256 : i32
      %mul3A_1267 = vector.broadcast %mul3A_1266 : i32 to vector<16xi32>
      %mul3A_1268 = arith.muli %get3A_1265, %mul3A_1267 : vector<16xi32>
      %add3A_1269 = arith.constant 176 : i32
      %add3A_1270 = vector.broadcast %add3A_1269 : i32 to vector<16xi32>
      %add3A_1271 = arith.addi %add3A_1270, %iota3A : vector<16xi32>
      %add3A_1272 = arith.addi %mul3A_1268, %add3A_1271 : vector<16xi32>
      tpu.vector_store_idx %arg5[%add3A_1272], %broadcast_in_dim3A_679 {add = true} : memref<5376xf32, #tpu.memory_space<vmem>>[vector<16xi32>], vector<16xf32>,
      %add3A_1273 = arith.constant 184 : i32
      %add3A_1274 = arith.addi %mul3A_1140, %add3A_1273 : i32
      %get3A_1275 = arith.index_cast %add3A_1274 : i32 to index
      %get3A_1276 = tpu.vector_load %arg4[%get3A_1275] {strides = array<i32>} : memref<25600xi32, #tpu.memory_space<vmem>>, vector<16xi32>,
      %mul3A_1277 = arith.constant 256 : i32
      %mul3A_1278 = vector.broadcast %mul3A_1277 : i32 to vector<16xi32>
      %mul3A_1279 = arith.muli %get3A_1276, %mul3A_1278 : vector<16xi32>
      %add3A_1280 = arith.constant 184 : i32
      %add3A_1281 = vector.broadcast %add3A_1280 : i32 to vector<16xi32>
      %add3A_1282 = arith.addi %add3A_1281, %iota3A : vector<16xi32>
      %add3A_1283 = arith.addi %mul3A_1279, %add3A_1282 : vector<16xi32>
      tpu.vector_store_idx %arg5[%add3A_1283], %broadcast_in_dim3A_679 masked %ge3A_681 {add = true} : memref<5376xf32, #tpu.memory_space<vmem>>[vector<16xi32>], vector<16xf32>, vector<16xi1>
    }
    %scan3A_687 = arith.constant 32 : i32
    "tpu.region"() ({
      %run_scoped3A = tpu.sem_alloc : memref<!tpu.dma_semaphore, #tpu.memory_space<semaphore_mem>>
      %dma_start3A_688 = arith.constant 0 : i32
      %dma_start3A_689 = tpu.memref_slice %arg3[%add3A, %dma_start3A_688] : memref<32x5376xf32, #tpu.memory_space<hbm>> -> memref<1x5376xf32, #tpu.memory_space<hbm>>
      %dma_start3A_690 = tpu.memref_squeeze %dma_start3A_689 : memref<1x5376xf32, #tpu.memory_space<hbm>> -> memref<5376xf32, #tpu.memory_space<hbm>>
      %dma_start3A_691 = arith.constant 0 : i32
      %dma_start3A_692 = tpu.memref_slice %arg3[%add3A, %dma_start3A_691] : memref<32x5376xf32, #tpu.memory_space<hbm>> -> memref<1x5376xf32, #tpu.memory_space<hbm>>
      %dma_start3A_693 = tpu.memref_squeeze %dma_start3A_692 : memref<1x5376xf32, #tpu.memory_space<hbm>> -> memref<5376xf32, #tpu.memory_space<hbm>>
      tpu.enqueue_dma source(%arg5 : memref<5376xf32, #tpu.memory_space<vmem>>) target(%dma_start3A_693 : memref<5376xf32, #tpu.memory_space<hbm>>) target_semaphore(%run_scoped3A : memref<!tpu.dma_semaphore, #tpu.memory_space<semaphore_mem>>)
      %dma_wait3A_694 = arith.constant 0 : i32
      %dma_wait3A_695 = tpu.memref_slice %arg3[%add3A, %dma_wait3A_694] : memref<32x5376xf32, #tpu.memory_space<hbm>> -> memref<1x5376xf32, #tpu.memory_space<hbm>>
      %dma_wait3A_696 = tpu.memref_squeeze %dma_wait3A_695 : memref<1x5376xf32, #tpu.memory_space<hbm>> -> memref<5376xf32, #tpu.memory_space<hbm>>
      %dma_wait3A_697 = arith.constant 0 : i32
      %dma_wait3A_698 = tpu.memref_slice %arg3[%add3A, %dma_wait3A_697] : memref<32x5376xf32, #tpu.memory_space<hbm>> -> memref<1x5376xf32, #tpu.memory_space<hbm>>
      %dma_wait3A_699 = tpu.memref_squeeze %dma_wait3A_698 : memref<1x5376xf32, #tpu.memory_space<hbm>> -> memref<5376xf32, #tpu.memory_space<hbm>>
      tpu.wait_dma2 semaphore(%run_scoped3A : memref<!tpu.dma_semaphore, #tpu.memory_space<semaphore_mem>>) src(%arg5 : memref<5376xf32, #tpu.memory_space<vmem>>) dst(%dma_wait3A_699 : memref<5376xf32, #tpu.memory_space<hbm>>)
      tpu.yield
    }) : () -> ()
    return
  }
}

module attributes {stable_mosaic.version = 14 : i64} {
  func.func @_dense_body(%arg0: memref<32x21x256xf32, #tpu.memory_space<vmem>>, %arg1: memref<21x128xf32, #tpu.memory_space<vmem>>, %arg2: memref<128x10xf32, #tpu.memory_space<vmem>>, %arg3: memref<1x10xf32, #tpu.memory_space<vmem>>, %arg4: memref<10x128xf32, #tpu.memory_space<vmem>>, %arg5: memref<1x128xf32, #tpu.memory_space<vmem>>, %arg6: memref<200x128xf32, #tpu.memory_space<vmem>>, %arg7: memref<200x128xf32, #tpu.memory_space<vmem>>) attributes {dimension_semantics = [], scalar_prefetch = 0 : i64, scratch_operands = 0 : i64, tpu.core_type = #tpu.core_type<tc>} {
    %get3A = arith.constant 0 : index
    %get3A_0 = arith.constant 0 : index
    %get3A_1 = arith.constant 0 : index
    %get3A_2 = vector.load %arg0[%get3A, %get3A_0, %get3A_1] : memref<32x21x256xf32, #tpu.memory_space<vmem>>, vector<32x21x256xf32>
    %reduce_sum3A = arith.constant dense<0.000000e+00> : vector<21x256xf32>
    %reduce_sum3A_3 = vector.multi_reduction <add>, %get3A_2, %reduce_sum3A [0] : vector<32x21x256xf32> to vector<21x256xf32>
    %slice3A = vector.extract_strided_slice %reduce_sum3A_3 {offsets = [0, 0], sizes = [21, 200], strides = [1, 1]} : vector<21x256xf32> to vector<21x200xf32>
    %iota3A = tpu.iota {dimensions = array<i32: 0>} : vector<21x200xi32>
    %eq3A = arith.constant 0 : i32
    %eq3A_4 = vector.broadcast %eq3A : i32 to vector<21x200xi32>
    %eq3A_5 = arith.cmpi eq, %iota3A, %eq3A_4 : vector<21x200xi32>
    %jit3A = arith.constant 0.000000e+00 : f32
    %broadcast_in_dim3A = vector.broadcast %jit3A : f32 to vector<21x200xf32>
    %select_n3A = arith.select %eq3A_5, %broadcast_in_dim3A, %slice3A : vector<21x200xi1>, vector<21x200xf32>
    %get3A_6 = arith.constant 0 : index
    %get3A_7 = arith.constant 0 : index
    %get3A_8 = vector.load %arg1[%get3A_6, %get3A_7] : memref<21x128xf32, #tpu.memory_space<vmem>>, vector<21x128xf32>
    %dot_general3A = arith.constant dense<0.000000e+00> : vector<200x128xf32>
    %dot_general3A_9 = tpu.matmul %select_n3A, %get3A_8, %dot_general3A {dimension_numbers = #tpu.dot_dimension_numbers<[0], [0], [1], [1], [0, 1, 1, 1], [], []>, transpose_lhs_hint = false} : vector<21x200xf32>, vector<21x128xf32>, vector<200x128xf32> -> vector<200x128xf32>
    %swap3A = arith.constant 0 : index
    %swap3A_10 = arith.constant 0 : index
    %swap3A_11 = vector.load %arg7[%swap3A, %swap3A_10] : memref<200x128xf32, #tpu.memory_space<vmem>>, vector<200x128xf32>
    tpu.vector_store %arg7[%swap3A, %swap3A_10], %dot_general3A_9 {strides = array<i32>} : memref<200x128xf32, #tpu.memory_space<vmem>>, vector<200x128xf32>,
    %get3A_12 = arith.constant 0 : index
    %get3A_13 = arith.constant 0 : index
    %get3A_14 = vector.load %arg2[%get3A_12, %get3A_13] : memref<128x10xf32, #tpu.memory_space<vmem>>, vector<128x10xf32>
    %dot_general3A_15 = arith.constant dense<0.000000e+00> : vector<200x10xf32>
    %dot_general3A_16 = tpu.matmul %dot_general3A_9, %get3A_14, %dot_general3A_15 {dimension_numbers = #tpu.dot_dimension_numbers<[1], [0], [0], [1], [0, 0, 1, 1], [], []>, transpose_lhs_hint = false} : vector<200x128xf32>, vector<128x10xf32>, vector<200x10xf32> -> vector<200x10xf32>
    %get3A_17 = arith.constant 0 : index
    %get3A_18 = arith.constant 0 : index
    %get3A_19 = vector.load %arg3[%get3A_17, %get3A_18] : memref<1x10xf32, #tpu.memory_space<vmem>>, vector<1x10xf32>
    %add3A = vector.broadcast %get3A_19 : vector<1x10xf32> to vector<200x10xf32>
    %add3A_20 = arith.addf %dot_general3A_16, %add3A : vector<200x10xf32>
    %tanh3A = math.tanh %add3A_20 : vector<200x10xf32>
    %get3A_21 = arith.constant 0 : index
    %get3A_22 = arith.constant 0 : index
    %get3A_23 = vector.load %arg4[%get3A_21, %get3A_22] : memref<10x128xf32, #tpu.memory_space<vmem>>, vector<10x128xf32>
    %dot_general3A_24 = arith.constant dense<0.000000e+00> : vector<200x128xf32>
    %dot_general3A_25 = tpu.matmul %tanh3A, %get3A_23, %dot_general3A_24 {dimension_numbers = #tpu.dot_dimension_numbers<[1], [0], [0], [1], [0, 0, 1, 1], [], []>, transpose_lhs_hint = false} : vector<200x10xf32>, vector<10x128xf32>, vector<200x128xf32> -> vector<200x128xf32>
    %get3A_26 = arith.constant 0 : index
    %get3A_27 = arith.constant 0 : index
    %get3A_28 = vector.load %arg5[%get3A_26, %get3A_27] : memref<1x128xf32, #tpu.memory_space<vmem>>, vector<1x128xf32>
    %add3A_29 = vector.broadcast %get3A_28 : vector<1x128xf32> to vector<200x128xf32>
    %add3A_30 = arith.addf %dot_general3A_25, %add3A_29 : vector<200x128xf32>
    %swap3A_31 = arith.constant 0 : index
    %swap3A_32 = arith.constant 0 : index
    %swap3A_33 = vector.load %arg6[%swap3A_31, %swap3A_32] : memref<200x128xf32, #tpu.memory_space<vmem>>, vector<200x128xf32>
    tpu.vector_store %arg6[%swap3A_31, %swap3A_32], %add3A_30 {strides = array<i32>} : memref<200x128xf32, #tpu.memory_space<vmem>>, vector<200x128xf32>,
    return
  }
}

</mosaic_0001>

<sc_bundles>
// kernel: kernel.4.cloned.1.call-start
scs
__scs_entry_jumppad:
0x0: {  	(pc) =	sbr.rel $0x88, $3  }
0x1: {  	(tag) =	ssettag $0x0;
	lr =	simm.s32 $0x1  }
0x2: {  	[smem:$0x3F9B] =	sst lr;
	_ =	strace $0xD0000000  }
0x3: {  	_ = 	snop  }
0x4: {  	_ = 	snop  }
0x5: {  	_ = 	snop  }
0x6: {  	_ = 	snop  }
0x7: {  	_ = 	snop  }
__scs_overlays_trampoline_lowered:
0x8: {  	[smem:$0x3FAA] =	sst s0  }
0x9: {  	[smem:$0x3FAB] =	sst s1  }
0xa: {  	[smem:$0x3FAC] =	sst s2  }
0xb: {  	[smem:$0x3FAD] =	sst s3  }
0xc: {  	[smem:$0x3FAE] =	sst s4  }
0xd: {  	[smem:$0x3FAF] =	sst s5  }
0xe: {  	[smem:$0x3FB0] =	sst s6  }
0xf: {  	[smem:$0x3FB1] =	sst s7  }
0x10: {  	[smem:$0x3FB2] =	sst s8  }
0x11: {  	[smem:$0x3FB3] =	sst s9;
	s0 =	simm.s32 @!p0 $0x0  }
0x12: {  	s1 =	sld [smem:$0x3F99];
	s0 =	simm.s32 @p0 $0x1  }
0x13: {  	[smem:$0x3FB4] =	sst s0;
	s0 =	simm.s32 @!p1 $0x0  }
0x14: {  	s2 =	sld [smem:$0x3F98];
	s0 =	simm.s32 @p1 $0x1  }
0x15: {  	[smem:$0x3FB5] =	sst s0;
	s0 =	simm.s32 @!p2 $0x0  }
0x16: {  	s3 =	sld [smem:$0x3FDB];
	s0 =	simm.s32 @p2 $0x1  }
0x17: {  	s4 =	simm.s32 $0x1BF5;
	[smem:$0x3FB7] =	sst s0  }
0x18: {  	s0 =	sld [smem:$0x3F9A];
	_ =	swait.ge [sflag:s4], $0x0  }
0x19: {  	s7 =	sld [smem:$0x3F9B]  }
0x1a: {  	s8 =	sadd.s32 $0xFFFFE003, lr  }
0x1b: {  	s9 =	sadd.s32 $0xFFFFFEF7, lr;
	s5 =	simm.s32 $0xFFFFFFFF;
	p2 =	slt.u32 s8, $0xFFFFF086  }
0x1c: {  	p1 =	slt.u32 s9, $0xF7A;
	s5 =	simm.s32 @!p2 $0x0  }
0x1d: {  	s5 =	simm.s32 @p1 $0x1;
	p0 =	seq.s32 s7, s2  }
0x1e: {  	s7 =	smul.u32 @!p0 $0xF7A, s2;
	p2 =	seq.s32 @!p0 s5, $0x0  }
0x1f: {  	s9 =	smul.u32 $0xF7A, s1;
	s8 =	simm.s32 @!p0 $0x1BF5;
	p2 =	por !p2, p0  }
0x20: {  	[sflag:s8] =	ssyncset.s32 @!p0 $0xFFFFF086;
	s6 =	sadd.s32 @!p0 s3, s7;
	s7 =	simm.s32 @!p0 $0x108  }
0x21: {  	s3 =	sadd.s32 s3, s9;
	s6 =	sadd.s32 @!p0 $0x88, s6;
	s7 =	simm.s32 @p2 $0x1082  }
0x22: {  	[simem:s7], [sflag:s8] =	dma.local @!p0 [hbm:s6], $0xF7A  }
0x23: {  	s9 =	sor.u32 $0xD0000000, s2;
	s6 =	simm.s32 $0x108;
	_ =	swait.ge @!p0 [sflag:s8], $0x0  }
0x24: {  	s3 =	sadd.s32 $0x88, s3;
	s6 =	simm.s32 @!p1 $0x1082;
	[sflag:s4] =	ssyncset.s32 $0xFFFFF086  }
0x25: {  	[simem:s6], [sflag:s4] =	dma.local [hbm:s3], $0xF7A  }
0x26: {  	[smem:$0x3F9B] =	sst s1;
	(tag) =	ssettag s2;
	_ =	strace s9  }
0x27: {  	s1 =	sld [smem:$0x3FAB]  }
0x28: {  	s2 =	sld [smem:$0x3FAC]  }
0x29: {  	s4 =	sld [smem:$0x3FAE]  }
0x2a: {  	p0 =	seq.s32 s5, $0x0;
	s5 =	sld [smem:$0x3FAF]  }
0x2b: {  	s6 =	sld [smem:$0x3FB0]  }
0x2c: {  	s7 =	sld [smem:$0x3FB1]  }
0x2d: {  	s3 =	simm.s32 $0x108;
	s8 =	sld [smem:$0x3FB2]  }
0x2e: {  	s3 =	simm.s32 @!p0 $0x1082;
	s9 =	sld [smem:$0x3FB3]  }
0x2f: {  	lr =	sadd.s32 s0, s3;
	s0 =	sld [smem:$0x3FAA]  }
0x30: {  	s3 =	sld [smem:$0x3FAD]  }
0x31: {  	[smem:$0x3FB6] =	sst s10  }
0x32: {  	s10 =	sld [smem:$0x3FB4];
	_ =	sdelay $0x3  }
0x33: {  	p0 =	seq.s32 s10, $0x1;
	s10 =	sld [smem:$0x3FB6];
	_ =	sdelay $0x3  }
0x34: {  	[smem:$0x3FB6] =	sst s10  }
0x35: {  	s10 =	sld [smem:$0x3FB5];
	_ =	sdelay $0x3  }
0x36: {  	p1 =	seq.s32 s10, $0x1;
	s10 =	sld [smem:$0x3FB6];
	_ =	sdelay $0x3  }
0x37: {  	[smem:$0x3FB6] =	sst s10  }
0x38: {  	s10 =	sld [smem:$0x3FB7]  }
0x39: {  	_ = 	snop;
	(pc) =	sbr.ind lr, $3  }
0x3a: {  	_ = 	snop  }
0x3b: {  	_ = 	snop  }
0x3c: {  	p2 =	seq.s32 s10, $0x1;
	s10 =	sld [smem:$0x3FB6]  }
0x3d: {  	_ =	shalt  }
0x3e: {  	_ =	shalt  }
0x3f: {  	_ =	shalt  }
0x40: {  	_ =	shalt  }
0x41: {  	_ =	shalt  }
0x42: {  	_ =	shalt  }
0x43: {  	_ =	shalt  }
0x44: {  	_ =	shalt  }
0x45: {  	_ =	shalt  }
0x46: {  	_ =	shalt  }
0x47: {  	_ =	shalt  }
0x48: {  	_ =	shalt  }
0x49: {  	_ =	shalt  }
0x4a: {  	_ =	shalt  }
0x4b: {  	_ =	shalt  }
0x4c: {  	_ =	shalt  }
0x4d: {  	_ =	shalt  }
0x4e: {  	_ =	shalt  }
0x4f: {  	_ =	shalt  }
0x50: {  	_ =	shalt  }
0x51: {  	_ =	shalt  }
0x52: {  	_ =	shalt  }
0x53: {  	_ =	shalt  }
0x54: {  	_ =	shalt  }
0x55: {  	_ =	shalt  }
0x56: {  	_ =	shalt  }
0x57: {  	_ =	shalt  }
0x58: {  	_ =	shalt  }
0x59: {  	_ =	shalt  }
0x5a: {  	_ =	shalt  }
0x5b: {  	_ =	shalt  }
0x5c: {  	_ =	shalt  }
0x5d: {  	_ =	shalt  }
0x5e: {  	_ =	shalt  }
0x5f: {  	_ =	shalt  }
0x60: {  	_ =	shalt  }
0x61: {  	_ =	shalt  }
0x62: {  	_ =	shalt  }
0x63: {  	_ =	shalt  }
0x64: {  	_ =	shalt  }
0x65: {  	_ =	shalt  }
0x66: {  	_ =	shalt  }
0x67: {  	_ =	shalt  }
0x68: {  	_ =	shalt  }
0x69: {  	_ =	shalt  }
0x6a: {  	_ =	shalt  }
0x6b: {  	_ =	shalt  }
0x6c: {  	_ =	shalt  }
0x6d: {  	_ =	shalt  }
0x6e: {  	_ =	shalt  }
0x6f: {  	_ =	shalt  }
0x70: {  	_ =	shalt  }
0x71: {  	_ =	shalt  }
0x72: {  	_ =	shalt  }
0x73: {  	_ =	shalt  }
0x74: {  	_ =	shalt  }
0x75: {  	_ =	shalt  }
0x76: {  	_ =	shalt  }
0x77: {  	_ =	shalt  }
0x78: {  	_ =	shalt  }
0x79: {  	_ =	shalt  }
0x7a: {  	_ =	shalt  }
0x7b: {  	_ =	shalt  }
0x7c: {  	_ =	shalt  }
0x7d: {  	_ =	shalt  }
0x7e: {  	_ =	shalt  }
0x7f: {  	_ =	shalt  }
0x80: {  	_ =	shalt  }
0x81: {  	_ =	shalt  }
0x82: {  	_ =	shalt  }
0x83: {  	_ =	shalt  }
0x84: {  	_ =	shalt  }
0x85: {  	_ =	shalt  }
0x86: {  	_ =	shalt  }
0x87: {  	_ =	shalt  }
.Lfunc_end0:
.L_simem_size_0:
called_computation_lowered:
.L_overlay_start_0:
0x88: {  	s2 =	sld [smem:$0x3FD9]  }
0x89: {  	s3 =	sld [smem:$0x3FFE];
	_ =	sdelay $0x1  }
0x8a: {  	s1 =	srdreg.scid  }
0x8b: {  	s0 =	sand.u32 $0x1, s1  }
0x8c: {  	s16 =	sshll.u32 s0, $0xA;
	s2 =	sadd.s32 s3, s2  }
0x8d: {  	s2 =	sadd.s32 s2, s16  }
0x8e: {  	[smem:$0x3FC2] =	sst s2  }
0x8f: {  	_ = 	snop  }
0x90: {  	(tm) =	ssettm $0x1  }
0x91: {  	s17 =	sld [smem:$0x3FFB];
	_ =	sdelay $0x3  }
0x92: {  	_ =	strace s17  }
0x93: {  	s2 =	sld [smem:$0x3FFC];
	_ =	sdelay $0x3  }
0x94: {  	_ =	strace s2  }
0x95: {  	s2 =	sld [smem:$0x3FFD];
	_ =	sdelay $0x3  }
0x96: {  	_ =	strace s2  }
0x97: {  	_ =	strace $0x8FFFFFFF  }
0x98: {  	s18 =	sld [smem:$0x3FDB];
	_ =	sdelay $0x1  }
0x99: {  	s19 =	simm.s32 $_scs_section_size  }
0x9a: {  	s4 =	simm.s32 $_size__tile_overlayer_lowered;
	s5 =	simm.s32 $_tile_overlayer_lowered  }
0x9b: {  	s22 =	simm.s32 $0x1BFF;
	s21 =	sshll.u32 s5, $0x1;
	s2 =	sadd.s32 s19, s18  }
0x9c: {  	s6 =	simm.s32 $0x0;
	s20 =	sshll.u32 s4, $0x1;
	s4 =	sadd.s32 s21, s2  }
0x9d: {  	[timem:s6], [sflag:s22] =	dma.local [hbm:s4], s20  }
0x9e: {  	_ =	swait.ge [sflag:s22], s20  }
0x9f: {  	s3 =	ssub.s32 $0x0, s20;
	[sflag:s22] =	ssyncset.done $0x0  }
0xa0: {  	[sflag:s22] =	ssyncadd.s32 s3;
	_ =	sdelay $0x1  }
0xa1: {  	s23 =	simm.s32 $0x1B8B  }
0xa2: {  	_ =	swait.ge [sflag:s23], $0x1  }
0xa3: {  	[sflag:s23] =	ssyncset.done $0x0  }
0xa4: {  	s25 =	simm.s32 $0x1B8E;
	s24 =	sld [smem:$0x3FFE];
	[sflag:s23] =	ssyncadd.s32 $0xFFFFFFFF  }
0xa5: {  	s26 =	simm.s32 $execute0_lowered;
	[smem:$0x3FD2] =	sst s25  }
0xa6: {  	s4 =	sshll.u32 s26, $0x1;
	_ =	strace $0x80000046;
	[dreg:$0x1] =	wrdreg $0xFFFFFFFF  }
0xa7: {  	s28 =	simm.s32 $_size_execute0_lowered;
	s2 =	sadd.s32 s2, s4;
	[dreg:$0x0] =	wrdreg $0x0  }
0xa8: {  	s4 =	sshll.u32 s28, $0x1;
	[dreg:$0x2] =	wrdreg s2  }
0xa9: {  	[dreg:$0x3] =	wrdreg s4  }
0xaa: {  	[dreg:$0x4] =	wrdreg $0xC0  }
0xab: {  	_ =	task [dreg:s6], $0x5FFFF  }
0xac: {  	[dreg:$0x1] =	wrdreg $0xFFFFFFFF  }
0xad: {  	[dreg:$0x0] =	wrdreg $0x60  }
0xae: {  	[dreg:$0x2] =	wrdreg s24  }
0xaf: {  	[dreg:$0x3] =	wrdreg $0x9  }
0xb0: {  	_ =	task.clear_ibuf [dreg:s6], $0x4FFFF;
	_ =	strace $0x90000046  }
0xb1: {  	s29 =	simm.s32 $0x9;
	_ =	strace $0x80000048  }
0xb2: {  	_ =	swait.ge [sflag:s29], $0x1  }
0xb3: {  	[sflag:s29] =	ssyncadd.s32 $0xFFFFFFFF  }
0xb4: {  	_ =	strace $0x90000048  }
0xb5: {  	_ =	sfence  }
0xb6: {  	s30 =	sld [smem:$0x0];
	_ =	sdelay $0x2  }
0xb7: {  	s31 =	sshll.u32 s1, $0xD;
	s1 =	sshrl.u32 s1, $0x2  }
0xb8: {  	s3 =	sand.u32 $0x4000, s31;
	s1 =	sadd.s32 s1, s30  }
0xb9: {  	s0 =	sor.u32 s3, s0;
	s1 =	sshll.u32 s1, $0x11  }
0xba: {  	s0 =	sor.u32 s1, s0  }
0xbb: {  	s0 =	sadd.s32 $0x8F2B, s0  }
0xbc: {  	[sflag:s0] =	ssyncadd.remote.s32 $0x1  }
0xbd: {  	_ =	sfence.sel $0xFFFF  }
0xbe: {  	[dreg:$0x0] =	wrdreg $0xFFFFFFFF;
	(pc) =	sbr.abs _section_cstart, $3  }
0xbf: {  	[dreg:$0x1] =	wrdreg $0xFFFFFFFF  }
0xc0: {  	_ =	task.clear_ibuf [dreg:s6], $0x2FFFF;
	_ =	strace $0x9FFFFFFF  }
0xc1: {  	(tm) =	ssettm $0x7FFFFFFF  }
tec
execute0_lowered:
.L_overlay_start_1:
0x0: {  	(tag) =	ssettag $0x1  }
0x1: {  	s1 =	srdreg.scid  }
0x2: {  	s0 =	stileid.u32;
	s3 =	rddreg [dreg:$0x0];
	s8 =	simm.s32 $0x80  }
0x3: {  	s9 =	simm.s32 $0x400;
	s10 =	simm.s32 $0x2;
	s11 =	simm.s32 $0x0  }
0x4: {  	s4 =	sand.u32 $0x1, s1;
	s2 =	sshll.u32 s0, $0x1;
	s1 =	rddreg [dreg:$0x1]  }
0x5: {  	s6 =	sshrl.u32 s0, $0x2;
	s5 =	sor.u32 s4, s2;
	s2 =	simm.s32 $0x0  }
0x6: {  	v0 =	vlaneseq.u32;
	s6 =	smul.u32 $0xA800, s6;
	s4 =	ssub.s32 $0x2, s4;
	s7 =	sshll.u32 s5, $0x7  }
0x7: {  	v1 =	vimm.f32 $0.0e+00;
	v2 =	vimm.f32 $1.000000000e+00;
	vm0 =	vcmask $0x3F20;
	[smem:$0x7FF] =	sst s2;
	s5 =	smul.u32 $0xC80, s5;
	s7 =	sand.u32 $0x380, s7  }
0x8: {  	v3 =	vor.u32 $0x10, v0;
	v4 =	vor.u32 $0x20, v0;
	v5 =	vor.u32 $0x30, v0;
	s31 =	sshrl.u32 s4, $0x1;
	_ =	strace $0x80000047;
	s6 =	sor.u32 s6, s7  }
0x9: {  	v6 =	vor.u32 $0x40, v0;
	v7 =	vor.u32 $0x50, v0;
	v8 =	vor.u32 $0x60, v0;
	s5 =	sadd.s32 s5, s3;
	s7 =	ssub.s32 s4, s31;
	s6 =	sshrl.u32 s6, $0x3  }
0xa: {  	v9 =	vor.u32 $0x70, v0;
	v10 =	vor.u32 $0x80, v0;
	v11 =	vor.u32 $0x90, v0;
	s6 =	sadd.s32 s6, s3;
	s3 =	sadd.s32 $0xE00, s5;
	s5 =	smax.u32 s7, $0x1  }
0xb: {  	v12 =	vor.u32 $0xA0, v0;
	v13 =	vor.u32 $0xB0, v0;
	v14 =	vadd.s32 $0xB8, v0;
	s7 =	simm.s32 $0x6400;
	s4 =	sadd.s32 $0x19E00, s6;
	s6 =	simm.s32 $0x1  }
.LBB2_1:
0xc: {  	[tilespmem:s2], [sflag:$0x1] =	stream.linear.gather [hbm4b:s3+s2], $0x6400, $0x38;
	[tilespmem:$0x7900] =	vst v63  }
0xd: {  	[tilespmem:$0x6400] =	vst v1  }
0xe: {  	[tilespmem:$0x6410] =	vst v1  }
0xf: {  	[tilespmem:$0x6420] =	vst v1  }
0x10: {  	[tilespmem:$0x6430] =	vst v1  }
0x11: {  	[tilespmem:$0x6440] =	vst v1  }
0x12: {  	[tilespmem:$0x6450] =	vst v1  }
0x13: {  	[tilespmem:$0x6460] =	vst v1  }
0x14: {  	[tilespmem:$0x6470] =	vst v1  }
0x15: {  	[tilespmem:$0x6480] =	vst v1  }
0x16: {  	[tilespmem:$0x6490] =	vst v1  }
0x17: {  	[tilespmem:$0x64A0] =	vst v1  }
0x18: {  	[tilespmem:$0x64B0] =	vst v1  }
0x19: {  	[tilespmem:$0x64C0] =	vst v1  }
0x1a: {  	[tilespmem:$0x64D0] =	vst v1  }
0x1b: {  	[tilespmem:$0x64E0] =	vst v1  }
0x1c: {  	[tilespmem:$0x64F0] =	vst v1  }
0x1d: {  	[tilespmem:$0x6500] =	vst v1  }
0x1e: {  	[tilespmem:$0x6510] =	vst v1  }
0x1f: {  	[tilespmem:$0x6520] =	vst v1  }
0x20: {  	[tilespmem:$0x6530] =	vst v1  }
0x21: {  	[tilespmem:$0x6540] =	vst v1  }
0x22: {  	[tilespmem:$0x6550] =	vst v1  }
0x23: {  	[tilespmem:$0x6560] =	vst v1  }
0x24: {  	[tilespmem:$0x6570] =	vst v1  }
0x25: {  	[tilespmem:$0x6580] =	vst v1  }
0x26: {  	[tilespmem:$0x6590] =	vst v1  }
0x27: {  	[tilespmem:$0x65A0] =	vst v1  }
0x28: {  	[tilespmem:$0x65B0] =	vst v1  }
0x29: {  	[tilespmem:$0x65C0] =	vst v1  }
0x2a: {  	[tilespmem:$0x65D0] =	vst v1  }
0x2b: {  	[tilespmem:$0x65E0] =	vst v1  }
0x2c: {  	[tilespmem:$0x65F0] =	vst v1  }
0x2d: {  	[tilespmem:$0x6600] =	vst v1  }
0x2e: {  	[tilespmem:$0x6610] =	vst v1  }
0x2f: {  	[tilespmem:$0x6620] =	vst v1  }
0x30: {  	[tilespmem:$0x6630] =	vst v1  }
0x31: {  	[tilespmem:$0x6640] =	vst v1  }
0x32: {  	[tilespmem:$0x6650] =	vst v1  }
0x33: {  	[tilespmem:$0x6660] =	vst v1  }
0x34: {  	[tilespmem:$0x6670] =	vst v1  }
0x35: {  	[tilespmem:$0x6680] =	vst v1  }
0x36: {  	[tilespmem:$0x6690] =	vst v1  }
0x37: {  	[tilespmem:$0x66A0] =	vst v1  }
0x38: {  	[tilespmem:$0x66B0] =	vst v1  }
0x39: {  	[tilespmem:$0x66C0] =	vst v1  }
0x3a: {  	[tilespmem:$0x66D0] =	vst v1  }
0x3b: {  	[tilespmem:$0x66E0] =	vst v1  }
0x3c: {  	[tilespmem:$0x66F0] =	vst v1  }
0x3d: {  	[tilespmem:$0x6700] =	vst v1  }
0x3e: {  	[tilespmem:$0x6710] =	vst v1  }
0x3f: {  	[tilespmem:$0x6720] =	vst v1  }
0x40: {  	[tilespmem:$0x6730] =	vst v1  }
0x41: {  	[tilespmem:$0x6740] =	vst v1  }
0x42: {  	[tilespmem:$0x6750] =	vst v1  }
0x43: {  	[tilespmem:$0x6760] =	vst v1  }
0x44: {  	[tilespmem:$0x6770] =	vst v1  }
0x45: {  	[tilespmem:$0x6780] =	vst v1  }
0x46: {  	[tilespmem:$0x6790] =	vst v1  }
0x47: {  	[tilespmem:$0x67A0] =	vst v1  }
0x48: {  	[tilespmem:$0x67B0] =	vst v1  }
0x49: {  	[tilespmem:$0x67C0] =	vst v1  }
0x4a: {  	[tilespmem:$0x67D0] =	vst v1  }
0x4b: {  	[tilespmem:$0x67E0] =	vst v1  }
0x4c: {  	[tilespmem:$0x67F0] =	vst v1  }
0x4d: {  	[tilespmem:$0x6800] =	vst v1  }
0x4e: {  	[tilespmem:$0x6810] =	vst v1  }
0x4f: {  	[tilespmem:$0x6820] =	vst v1  }
0x50: {  	[tilespmem:$0x6830] =	vst v1  }
0x51: {  	[tilespmem:$0x6840] =	vst v1  }
0x52: {  	[tilespmem:$0x6850] =	vst v1  }
0x53: {  	[tilespmem:$0x6860] =	vst v1  }
0x54: {  	[tilespmem:$0x6870] =	vst v1  }
0x55: {  	[tilespmem:$0x6880] =	vst v1  }
0x56: {  	[tilespmem:$0x6890] =	vst v1  }
0x57: {  	[tilespmem:$0x68A0] =	vst v1  }
0x58: {  	[tilespmem:$0x68B0] =	vst v1  }
0x59: {  	[tilespmem:$0x68C0] =	vst v1  }
0x5a: {  	[tilespmem:$0x68D0] =	vst v1  }
0x5b: {  	[tilespmem:$0x68E0] =	vst v1  }
0x5c: {  	[tilespmem:$0x68F0] =	vst v1  }
0x5d: {  	[tilespmem:$0x6900] =	vst v1  }
0x5e: {  	[tilespmem:$0x6910] =	vst v1  }
0x5f: {  	[tilespmem:$0x6920] =	vst v1  }
0x60: {  	[tilespmem:$0x6930] =	vst v1  }
0x61: {  	[tilespmem:$0x6940] =	vst v1  }
0x62: {  	[tilespmem:$0x6950] =	vst v1  }
0x63: {  	[tilespmem:$0x6960] =	vst v1  }
0x64: {  	[tilespmem:$0x6970] =	vst v1  }
0x65: {  	[tilespmem:$0x6980] =	vst v1  }
0x66: {  	[tilespmem:$0x6990] =	vst v1  }
0x67: {  	[tilespmem:$0x69A0] =	vst v1  }
0x68: {  	[tilespmem:$0x69B0] =	vst v1  }
0x69: {  	[tilespmem:$0x69C0] =	vst v1  }
0x6a: {  	[tilespmem:$0x69D0] =	vst v1  }
0x6b: {  	[tilespmem:$0x69E0] =	vst v1  }
0x6c: {  	[tilespmem:$0x69F0] =	vst v1  }
0x6d: {  	[tilespmem:$0x6A00] =	vst v1  }
0x6e: {  	[tilespmem:$0x6A10] =	vst v1  }
0x6f: {  	[tilespmem:$0x6A20] =	vst v1  }
0x70: {  	[tilespmem:$0x6A30] =	vst v1  }
0x71: {  	[tilespmem:$0x6A40] =	vst v1  }
0x72: {  	[tilespmem:$0x6A50] =	vst v1  }
0x73: {  	[tilespmem:$0x6A60] =	vst v1  }
0x74: {  	[tilespmem:$0x6A70] =	vst v1  }
0x75: {  	[tilespmem:$0x6A80] =	vst v1  }
0x76: {  	[tilespmem:$0x6A90] =	vst v1  }
0x77: {  	[tilespmem:$0x6AA0] =	vst v1  }
0x78: {  	[tilespmem:$0x6AB0] =	vst v1  }
0x79: {  	[tilespmem:$0x6AC0] =	vst v1  }
0x7a: {  	[tilespmem:$0x6AD0] =	vst v1  }
0x7b: {  	[tilespmem:$0x6AE0] =	vst v1  }
0x7c: {  	[tilespmem:$0x6AF0] =	vst v1  }
0x7d: {  	[tilespmem:$0x6B00] =	vst v1  }
0x7e: {  	[tilespmem:$0x6B10] =	vst v1  }
0x7f: {  	[tilespmem:$0x6B20] =	vst v1  }
0x80: {  	[tilespmem:$0x6B30] =	vst v1  }
0x81: {  	[tilespmem:$0x6B40] =	vst v1  }
0x82: {  	[tilespmem:$0x6B50] =	vst v1  }
0x83: {  	[tilespmem:$0x6B60] =	vst v1  }
0x84: {  	[tilespmem:$0x6B70] =	vst v1  }
0x85: {  	[tilespmem:$0x6B80] =	vst v1  }
0x86: {  	[tilespmem:$0x6B90] =	vst v1  }
0x87: {  	[tilespmem:$0x6BA0] =	vst v1  }
0x88: {  	[tilespmem:$0x6BB0] =	vst v1  }
0x89: {  	[tilespmem:$0x6BC0] =	vst v1  }
0x8a: {  	[tilespmem:$0x6BD0] =	vst v1  }
0x8b: {  	[tilespmem:$0x6BE0] =	vst v1  }
0x8c: {  	[tilespmem:$0x6BF0] =	vst v1  }
0x8d: {  	[tilespmem:$0x6C00] =	vst v1  }
0x8e: {  	[tilespmem:$0x6C10] =	vst v1  }
0x8f: {  	[tilespmem:$0x6C20] =	vst v1  }
0x90: {  	[tilespmem:$0x6C30] =	vst v1  }
0x91: {  	[tilespmem:$0x6C40] =	vst v1  }
0x92: {  	[tilespmem:$0x6C50] =	vst v1  }
0x93: {  	[tilespmem:$0x6C60] =	vst v1  }
0x94: {  	[tilespmem:$0x6C70] =	vst v1  }
0x95: {  	[tilespmem:$0x6C80] =	vst v1  }
0x96: {  	[tilespmem:$0x6C90] =	vst v1  }
0x97: {  	[tilespmem:$0x6CA0] =	vst v1  }
0x98: {  	[tilespmem:$0x6CB0] =	vst v1  }
0x99: {  	[tilespmem:$0x6CC0] =	vst v1  }
0x9a: {  	[tilespmem:$0x6CD0] =	vst v1  }
0x9b: {  	[tilespmem:$0x6CE0] =	vst v1  }
0x9c: {  	[tilespmem:$0x6CF0] =	vst v1  }
0x9d: {  	[tilespmem:$0x6D00] =	vst v1  }
0x9e: {  	[tilespmem:$0x6D10] =	vst v1  }
0x9f: {  	[tilespmem:$0x6D20] =	vst v1  }
0xa0: {  	[tilespmem:$0x6D30] =	vst v1  }
0xa1: {  	[tilespmem:$0x6D40] =	vst v1  }
0xa2: {  	[tilespmem:$0x6D50] =	vst v1  }
0xa3: {  	[tilespmem:$0x6D60] =	vst v1  }
0xa4: {  	[tilespmem:$0x6D70] =	vst v1  }
0xa5: {  	[tilespmem:$0x6D80] =	vst v1  }
0xa6: {  	[tilespmem:$0x6D90] =	vst v1  }
0xa7: {  	[tilespmem:$0x6DA0] =	vst v1  }
0xa8: {  	[tilespmem:$0x6DB0] =	vst v1  }
0xa9: {  	[tilespmem:$0x6DC0] =	vst v1  }
0xaa: {  	[tilespmem:$0x6DD0] =	vst v1  }
0xab: {  	[tilespmem:$0x6DE0] =	vst v1  }
0xac: {  	[tilespmem:$0x6DF0] =	vst v1  }
0xad: {  	[tilespmem:$0x6E00] =	vst v1  }
0xae: {  	[tilespmem:$0x6E10] =	vst v1  }
0xaf: {  	[tilespmem:$0x6E20] =	vst v1  }
0xb0: {  	[tilespmem:$0x6E30] =	vst v1  }
0xb1: {  	[tilespmem:$0x6E40] =	vst v1  }
0xb2: {  	[tilespmem:$0x6E50] =	vst v1  }
0xb3: {  	[tilespmem:$0x6E60] =	vst v1  }
0xb4: {  	[tilespmem:$0x6E70] =	vst v1  }
0xb5: {  	[tilespmem:$0x6E80] =	vst v1  }
0xb6: {  	[tilespmem:$0x6E90] =	vst v1  }
0xb7: {  	[tilespmem:$0x6EA0] =	vst v1  }
0xb8: {  	[tilespmem:$0x6EB0] =	vst v1  }
0xb9: {  	[tilespmem:$0x6EC0] =	vst v1  }
0xba: {  	[tilespmem:$0x6ED0] =	vst v1  }
0xbb: {  	[tilespmem:$0x6EE0] =	vst v1  }
0xbc: {  	[tilespmem:$0x6EF0] =	vst v1  }
0xbd: {  	[tilespmem:$0x6F00] =	vst v1  }
0xbe: {  	[tilespmem:$0x6F10] =	vst v1  }
0xbf: {  	[tilespmem:$0x6F20] =	vst v1  }
0xc0: {  	[tilespmem:$0x6F30] =	vst v1  }
0xc1: {  	[tilespmem:$0x6F40] =	vst v1  }
0xc2: {  	[tilespmem:$0x6F50] =	vst v1  }
0xc3: {  	[tilespmem:$0x6F60] =	vst v1  }
0xc4: {  	[tilespmem:$0x6F70] =	vst v1  }
0xc5: {  	[tilespmem:$0x6F80] =	vst v1  }
0xc6: {  	[tilespmem:$0x6F90] =	vst v1  }
0xc7: {  	[tilespmem:$0x6FA0] =	vst v1  }
0xc8: {  	[tilespmem:$0x6FB0] =	vst v1  }
0xc9: {  	[tilespmem:$0x6FC0] =	vst v1  }
0xca: {  	[tilespmem:$0x6FD0] =	vst v1  }
0xcb: {  	[tilespmem:$0x6FE0] =	vst v1  }
0xcc: {  	[tilespmem:$0x6FF0] =	vst v1  }
0xcd: {  	[tilespmem:$0x7000] =	vst v1  }
0xce: {  	[tilespmem:$0x7010] =	vst v1  }
0xcf: {  	[tilespmem:$0x7020] =	vst v1  }
0xd0: {  	[tilespmem:$0x7030] =	vst v1  }
0xd1: {  	[tilespmem:$0x7040] =	vst v1  }
0xd2: {  	[tilespmem:$0x7050] =	vst v1  }
0xd3: {  	[tilespmem:$0x7060] =	vst v1  }
0xd4: {  	[tilespmem:$0x7070] =	vst v1  }
0xd5: {  	[tilespmem:$0x7080] =	vst v1  }
0xd6: {  	[tilespmem:$0x7090] =	vst v1  }
0xd7: {  	[tilespmem:$0x70A0] =	vst v1  }
0xd8: {  	[tilespmem:$0x70B0] =	vst v1  }
0xd9: {  	[tilespmem:$0x70C0] =	vst v1  }
0xda: {  	[tilespmem:$0x70D0] =	vst v1  }
0xdb: {  	[tilespmem:$0x70E0] =	vst v1  }
0xdc: {  	[tilespmem:$0x70F0] =	vst v1  }
0xdd: {  	[tilespmem:$0x7100] =	vst v1  }
0xde: {  	[tilespmem:$0x7110] =	vst v1  }
0xdf: {  	[tilespmem:$0x7120] =	vst v1  }
0xe0: {  	[tilespmem:$0x7130] =	vst v1  }
0xe1: {  	[tilespmem:$0x7140] =	vst v1  }
0xe2: {  	[tilespmem:$0x7150] =	vst v1  }
0xe3: {  	[tilespmem:$0x7160] =	vst v1  }
0xe4: {  	[tilespmem:$0x7170] =	vst v1  }
0xe5: {  	[tilespmem:$0x7180] =	vst v1  }
0xe6: {  	[tilespmem:$0x7190] =	vst v1  }
0xe7: {  	[tilespmem:$0x71A0] =	vst v1  }
0xe8: {  	[tilespmem:$0x71B0] =	vst v1  }
0xe9: {  	[tilespmem:$0x71C0] =	vst v1  }
0xea: {  	[tilespmem:$0x71D0] =	vst v1  }
0xeb: {  	[tilespmem:$0x71E0] =	vst v1  }
0xec: {  	[tilespmem:$0x71F0] =	vst v1  }
0xed: {  	[tilespmem:$0x7200] =	vst v1  }
0xee: {  	[tilespmem:$0x7210] =	vst v1  }
0xef: {  	[tilespmem:$0x7220] =	vst v1  }
0xf0: {  	[tilespmem:$0x7230] =	vst v1  }
0xf1: {  	[tilespmem:$0x7240] =	vst v1  }
0xf2: {  	[tilespmem:$0x7250] =	vst v1  }
0xf3: {  	[tilespmem:$0x7260] =	vst v1  }
0xf4: {  	[tilespmem:$0x7270] =	vst v1  }
0xf5: {  	[tilespmem:$0x7280] =	vst v1  }
0xf6: {  	[tilespmem:$0x7290] =	vst v1  }
0xf7: {  	[tilespmem:$0x72A0] =	vst v1  }
0xf8: {  	[tilespmem:$0x72B0] =	vst v1  }
0xf9: {  	[tilespmem:$0x72C0] =	vst v1  }
0xfa: {  	[tilespmem:$0x72D0] =	vst v1  }
0xfb: {  	[tilespmem:$0x72E0] =	vst v1  }
0xfc: {  	[tilespmem:$0x72F0] =	vst v1  }
0xfd: {  	[tilespmem:$0x7300] =	vst v1  }
0xfe: {  	[tilespmem:$0x7310] =	vst v1  }
0xff: {  	[tilespmem:$0x7320] =	vst v1  }
0x100: {  	[tilespmem:$0x7330] =	vst v1  }
0x101: {  	[tilespmem:$0x7340] =	vst v1  }
0x102: {  	[tilespmem:$0x7350] =	vst v1  }
0x103: {  	[tilespmem:$0x7360] =	vst v1  }
0x104: {  	[tilespmem:$0x7370] =	vst v1  }
0x105: {  	[tilespmem:$0x7380] =	vst v1  }
0x106: {  	[tilespmem:$0x7390] =	vst v1  }
0x107: {  	[tilespmem:$0x73A0] =	vst v1  }
0x108: {  	[tilespmem:$0x73B0] =	vst v1  }
0x109: {  	[tilespmem:$0x73C0] =	vst v1  }
0x10a: {  	[tilespmem:$0x73D0] =	vst v1  }
0x10b: {  	[tilespmem:$0x73E0] =	vst v1  }
0x10c: {  	[tilespmem:$0x73F0] =	vst v1  }
0x10d: {  	[tilespmem:$0x7400] =	vst v1  }
0x10e: {  	[tilespmem:$0x7410] =	vst v1  }
0x10f: {  	[tilespmem:$0x7420] =	vst v1  }
0x110: {  	[tilespmem:$0x7430] =	vst v1  }
0x111: {  	[tilespmem:$0x7440] =	vst v1  }
0x112: {  	[tilespmem:$0x7450] =	vst v1  }
0x113: {  	[tilespmem:$0x7460] =	vst v1  }
0x114: {  	[tilespmem:$0x7470] =	vst v1  }
0x115: {  	[tilespmem:$0x7480] =	vst v1  }
0x116: {  	[tilespmem:$0x7490] =	vst v1  }
0x117: {  	[tilespmem:$0x74A0] =	vst v1  }
0x118: {  	[tilespmem:$0x74B0] =	vst v1  }
0x119: {  	[tilespmem:$0x74C0] =	vst v1  }
0x11a: {  	[tilespmem:$0x74D0] =	vst v1  }
0x11b: {  	[tilespmem:$0x74E0] =	vst v1  }
0x11c: {  	[tilespmem:$0x74F0] =	vst v1  }
0x11d: {  	[tilespmem:$0x7500] =	vst v1  }
0x11e: {  	[tilespmem:$0x7510] =	vst v1  }
0x11f: {  	[tilespmem:$0x7520] =	vst v1  }
0x120: {  	[tilespmem:$0x7530] =	vst v1  }
0x121: {  	[tilespmem:$0x7540] =	vst v1  }
0x122: {  	[tilespmem:$0x7550] =	vst v1  }
0x123: {  	[tilespmem:$0x7560] =	vst v1  }
0x124: {  	[tilespmem:$0x7570] =	vst v1  }
0x125: {  	[tilespmem:$0x7580] =	vst v1  }
0x126: {  	[tilespmem:$0x7590] =	vst v1  }
0x127: {  	[tilespmem:$0x75A0] =	vst v1  }
0x128: {  	[tilespmem:$0x75B0] =	vst v1  }
0x129: {  	[tilespmem:$0x75C0] =	vst v1  }
0x12a: {  	[tilespmem:$0x75D0] =	vst v1  }
0x12b: {  	[tilespmem:$0x75E0] =	vst v1  }
0x12c: {  	[tilespmem:$0x75F0] =	vst v1  }
0x12d: {  	[tilespmem:$0x7600] =	vst v1  }
0x12e: {  	[tilespmem:$0x7610] =	vst v1  }
0x12f: {  	[tilespmem:$0x7620] =	vst v1  }
0x130: {  	[tilespmem:$0x7630] =	vst v1  }
0x131: {  	[tilespmem:$0x7640] =	vst v1  }
0x132: {  	[tilespmem:$0x7650] =	vst v1  }
0x133: {  	[tilespmem:$0x7660] =	vst v1  }
0x134: {  	[tilespmem:$0x7670] =	vst v1  }
0x135: {  	[tilespmem:$0x7680] =	vst v1  }
0x136: {  	[tilespmem:$0x7690] =	vst v1  }
0x137: {  	[tilespmem:$0x76A0] =	vst v1  }
0x138: {  	[tilespmem:$0x76B0] =	vst v1  }
0x139: {  	[tilespmem:$0x76C0] =	vst v1  }
0x13a: {  	[tilespmem:$0x76D0] =	vst v1  }
0x13b: {  	[tilespmem:$0x76E0] =	vst v1  }
0x13c: {  	[tilespmem:$0x76F0] =	vst v1  }
0x13d: {  	[tilespmem:$0x7700] =	vst v1  }
0x13e: {  	[tilespmem:$0x7710] =	vst v1  }
0x13f: {  	[tilespmem:$0x7720] =	vst v1  }
0x140: {  	[tilespmem:$0x7730] =	vst v1  }
0x141: {  	[tilespmem:$0x7740] =	vst v1  }
0x142: {  	[tilespmem:$0x7750] =	vst v1  }
0x143: {  	[tilespmem:$0x7760] =	vst v1  }
0x144: {  	[tilespmem:$0x7770] =	vst v1  }
0x145: {  	[tilespmem:$0x7780] =	vst v1  }
0x146: {  	[tilespmem:$0x7790] =	vst v1  }
0x147: {  	[tilespmem:$0x77A0] =	vst v1  }
0x148: {  	[tilespmem:$0x77B0] =	vst v1  }
0x149: {  	[tilespmem:$0x77C0] =	vst v1  }
0x14a: {  	[tilespmem:$0x77D0] =	vst v1  }
0x14b: {  	[tilespmem:$0x77E0] =	vst v1  }
0x14c: {  	[tilespmem:$0x77F0] =	vst v1  }
0x14d: {  	[tilespmem:$0x7800] =	vst v1  }
0x14e: {  	[tilespmem:$0x7810] =	vst v1  }
0x14f: {  	[tilespmem:$0x7820] =	vst v1  }
0x150: {  	[tilespmem:$0x7830] =	vst v1  }
0x151: {  	[tilespmem:$0x7840] =	vst v1  }
0x152: {  	[tilespmem:$0x7850] =	vst v1  }
0x153: {  	[tilespmem:$0x7860] =	vst v1  }
0x154: {  	[tilespmem:$0x7870] =	vst v1  }
0x155: {  	[tilespmem:$0x7880] =	vst v1  }
0x156: {  	[tilespmem:$0x7890] =	vst v1  }
0x157: {  	[tilespmem:$0x78A0] =	vst v1  }
0x158: {  	[tilespmem:$0x78B0] =	vst v1  }
0x159: {  	[tilespmem:$0x78C0] =	vst v1  }
0x15a: {  	[tilespmem:$0x78D0] =	vst v1  }
0x15b: {  	[tilespmem:$0x78E0] =	vst v1  }
0x15c: {  	[tilespmem:$0x78F0] =	vst v1  }
0x15d: {  	_ =	swait.ge [sflag:s6], $0x6400  }
0x15e: {  	[sflag:s6] =	ssyncset.done $0x0  }
0x15f: {  	s12 =	simm.s32 $0x190;
	s13 =	simm.s32 $0x0;
	[sflag:s6] =	ssyncadd.s32 $0xFFFF9C00  }
.LBB2_2:
0x160: {  	v15 =	vld [tilespmem:s12+$0xFFFFFE70];
	_ =	sdelay $0x4  }
0x161: {  	v15 =	vshll.u32 v15, $0x8  }
0x162: {  	v15 =	vor.u32 v0, v15;
	_ =	sdelay $0x4  }
0x163: {  	[tilespmem:v15+s7+$0x0] =	vst.idx.add.f32.msk $0xffff, v2  }
0x164: {  	v15 =	vld [tilespmem:s12+$0xFFFFFE80];
	_ =	sdelay $0x4  }
0x165: {  	v15 =	vshll.u32 v15, $0x8  }
0x166: {  	v15 =	vor.u32 v3, v15;
	_ =	sdelay $0x4  }
0x167: {  	[tilespmem:v15+s7+$0x0] =	vst.idx.add.f32.msk $0xffff, v2  }
0x168: {  	v15 =	vld [tilespmem:s12+$0xFFFFFE90];
	_ =	sdelay $0x4  }
0x169: {  	v15 =	vshll.u32 v15, $0x8  }
0x16a: {  	v15 =	vor.u32 v4, v15;
	_ =	sdelay $0x4  }
0x16b: {  	[tilespmem:v15+s7+$0x0] =	vst.idx.add.f32.msk $0xffff, v2  }
0x16c: {  	v15 =	vld [tilespmem:s12+$0xFFFFFEA0];
	_ =	sdelay $0x4  }
0x16d: {  	v15 =	vshll.u32 v15, $0x8  }
0x16e: {  	v15 =	vor.u32 v5, v15;
	_ =	sdelay $0x4  }
0x16f: {  	[tilespmem:v15+s7+$0x0] =	vst.idx.add.f32.msk $0xffff, v2  }
0x170: {  	v15 =	vld [tilespmem:s12+$0xFFFFFEB0];
	_ =	sdelay $0x4  }
0x171: {  	v15 =	vshll.u32 v15, $0x8  }
0x172: {  	v15 =	vor.u32 v6, v15;
	_ =	sdelay $0x4  }
0x173: {  	[tilespmem:v15+s7+$0x0] =	vst.idx.add.f32.msk $0xffff, v2  }
0x174: {  	v15 =	vld [tilespmem:s12+$0xFFFFFEC0];
	_ =	sdelay $0x4  }
0x175: {  	v15 =	vshll.u32 v15, $0x8  }
0x176: {  	v15 =	vor.u32 v7, v15;
	_ =	sdelay $0x4  }
0x177: {  	[tilespmem:v15+s7+$0x0] =	vst.idx.add.f32.msk $0xffff, v2  }
0x178: {  	v15 =	vld [tilespmem:s12+$0xFFFFFED0];
	_ =	sdelay $0x4  }
0x179: {  	v15 =	vshll.u32 v15, $0x8  }
0x17a: {  	v15 =	vor.u32 v8, v15;
	_ =	sdelay $0x4  }
0x17b: {  	[tilespmem:v15+s7+$0x0] =	vst.idx.add.f32.msk $0xffff, v2  }
0x17c: {  	v15 =	vld [tilespmem:s12+$0xFFFFFEE0];
	_ =	sdelay $0x4  }
0x17d: {  	v15 =	vshll.u32 v15, $0x8  }
0x17e: {  	v15 =	vor.u32 v9, v15;
	_ =	sdelay $0x4  }
0x17f: {  	s14 =	sand.u32 $0x7FE0, s13;
	[tilespmem:v15+s7+$0x0] =	vst.idx.add.f32.msk $0xffff, v2  }
0x180: {  	v15 =	vld [tilespmem:s14+$0x80];
	_ =	sdelay $0x4  }
0x181: {  	v15 =	vshll.u32 v15, $0x8  }
0x182: {  	v15 =	vor.u32 v10, v15;
	_ =	sdelay $0x4  }
0x183: {  	[tilespmem:v15+s7+$0x0] =	vst.idx.add.f32.msk $0xffff, v2  }
0x184: {  	v15 =	vld [tilespmem:s12+$0xFFFFFF00];
	_ =	sdelay $0x4  }
0x185: {  	v15 =	vshll.u32 v15, $0x8  }
0x186: {  	v15 =	vor.u32 v11, v15;
	_ =	sdelay $0x4  }
0x187: {  	[tilespmem:v15+s7+$0x0] =	vst.idx.add.f32.msk $0xffff, v2  }
0x188: {  	v15 =	vld [tilespmem:s12+$0xFFFFFF10];
	_ =	sdelay $0x4  }
0x189: {  	v15 =	vshll.u32 v15, $0x8  }
0x18a: {  	v15 =	vor.u32 v12, v15;
	_ =	sdelay $0x4  }
0x18b: {  	[tilespmem:v15+s7+$0x0] =	vst.idx.add.f32.msk $0xffff, v2  }
0x18c: {  	v15 =	vld [tilespmem:s12+$0xFFFFFF20];
	_ =	sdelay $0x4  }
0x18d: {  	v15 =	vshll.u32 v15, $0x8  }
0x18e: {  	v15 =	vor.u32 v13, v15;
	_ =	sdelay $0x4  }
0x18f: {  	[tilespmem:v15+s7+$0x0] =	vst.idx.add.f32.msk $0xffff, v2  }
0x190: {  	v15 =	vld [tilespmem:s12+$0xFFFFFF28];
	_ =	sdelay $0x4  }
0x191: {  	v15 =	vshll.u32 v15, $0x8  }
0x192: {  	v15 =	vor.u32 v14, v15;
	_ =	sdelay $0x4  }
0x193: {  	[tilespmem:v15+s7+$0x0] =	vst.idx.add.f32.msk vm0, v2  }
0x194: {  	v15 =	vld [tilespmem:s12+$0xFFFFFF38];
	_ =	sdelay $0x4  }
0x195: {  	v15 =	vshll.u32 v15, $0x8  }
0x196: {  	v15 =	vor.u32 v0, v15;
	_ =	sdelay $0x4  }
0x197: {  	[tilespmem:v15+s7+$0x0] =	vst.idx.add.f32.msk $0xffff, v2  }
0x198: {  	v15 =	vld [tilespmem:s12+$0xFFFFFF48];
	_ =	sdelay $0x4  }
0x199: {  	v15 =	vshll.u32 v15, $0x8  }
0x19a: {  	v15 =	vor.u32 v3, v15;
	_ =	sdelay $0x4  }
0x19b: {  	[tilespmem:v15+s7+$0x0] =	vst.idx.add.f32.msk $0xffff, v2  }
0x19c: {  	v15 =	vld [tilespmem:s12+$0xFFFFFF58];
	_ =	sdelay $0x4  }
0x19d: {  	v15 =	vshll.u32 v15, $0x8  }
0x19e: {  	v15 =	vor.u32 v4, v15;
	_ =	sdelay $0x4  }
0x19f: {  	[tilespmem:v15+s7+$0x0] =	vst.idx.add.f32.msk $0xffff, v2  }
0x1a0: {  	v15 =	vld [tilespmem:s12+$0xFFFFFF68];
	_ =	sdelay $0x4  }
0x1a1: {  	v15 =	vshll.u32 v15, $0x8  }
0x1a2: {  	v15 =	vor.u32 v5, v15;
	_ =	sdelay $0x4  }
0x1a3: {  	[tilespmem:v15+s7+$0x0] =	vst.idx.add.f32.msk $0xffff, v2  }
0x1a4: {  	v15 =	vld [tilespmem:s12+$0xFFFFFF78];
	_ =	sdelay $0x4  }
0x1a5: {  	v15 =	vshll.u32 v15, $0x8  }
0x1a6: {  	v15 =	vor.u32 v6, v15;
	_ =	sdelay $0x4  }
0x1a7: {  	[tilespmem:v15+s7+$0x0] =	vst.idx.add.f32.msk $0xffff, v2  }
0x1a8: {  	v15 =	vld [tilespmem:s12+$0xFFFFFF88];
	_ =	sdelay $0x4  }
0x1a9: {  	v15 =	vshll.u32 v15, $0x8  }
0x1aa: {  	v15 =	vor.u32 v7, v15;
	_ =	sdelay $0x4  }
0x1ab: {  	[tilespmem:v15+s7+$0x0] =	vst.idx.add.f32.msk $0xffff, v2  }
0x1ac: {  	v15 =	vld [tilespmem:s12+$0xFFFFFF98];
	_ =	sdelay $0x4  }
0x1ad: {  	v15 =	vshll.u32 v15, $0x8  }
0x1ae: {  	v15 =	vor.u32 v8, v15;
	_ =	sdelay $0x4  }
0x1af: {  	[tilespmem:v15+s7+$0x0] =	vst.idx.add.f32.msk $0xffff, v2  }
0x1b0: {  	v15 =	vld [tilespmem:s12+$0xFFFFFFA8];
	_ =	sdelay $0x4  }
0x1b1: {  	v15 =	vshll.u32 v15, $0x8  }
0x1b2: {  	v15 =	vor.u32 v9, v15;
	_ =	sdelay $0x4  }
0x1b3: {  	[tilespmem:v15+s7+$0x0] =	vst.idx.add.f32.msk $0xffff, v2  }
0x1b4: {  	v15 =	vld [tilespmem:s12+$0xFFFFFFB8];
	_ =	sdelay $0x4  }
0x1b5: {  	v15 =	vshll.u32 v15, $0x8  }
0x1b6: {  	v15 =	vor.u32 v10, v15;
	_ =	sdelay $0x4  }
0x1b7: {  	[tilespmem:v15+s7+$0x0] =	vst.idx.add.f32.msk $0xffff, v2  }
0x1b8: {  	v15 =	vld [tilespmem:s12+$0xFFFFFFC8];
	_ =	sdelay $0x4  }
0x1b9: {  	v15 =	vshll.u32 v15, $0x8  }
0x1ba: {  	v15 =	vor.u32 v11, v15;
	_ =	sdelay $0x4  }
0x1bb: {  	[tilespmem:v15+s7+$0x0] =	vst.idx.add.f32.msk $0xffff, v2  }
0x1bc: {  	v15 =	vld [tilespmem:s12+$0xFFFFFFD8];
	_ =	sdelay $0x4  }
0x1bd: {  	v15 =	vshll.u32 v15, $0x8  }
0x1be: {  	v15 =	vor.u32 v12, v15;
	_ =	sdelay $0x4  }
0x1bf: {  	[tilespmem:v15+s7+$0x0] =	vst.idx.add.f32.msk $0xffff, v2  }
0x1c0: {  	v15 =	vld [tilespmem:s12+$0xFFFFFFE8];
	_ =	sdelay $0x4  }
0x1c1: {  	v15 =	vshll.u32 v15, $0x8  }
0x1c2: {  	v15 =	vor.u32 v13, v15;
	_ =	sdelay $0x4  }
0x1c3: {  	[tilespmem:v15+s7+$0x0] =	vst.idx.add.f32.msk $0xffff, v2  }
0x1c4: {  	v15 =	vld [tilespmem:s14+$0x180];
	_ =	sdelay $0x4  }
0x1c5: {  	v15 =	vshll.u32 v15, $0x8  }
0x1c6: {  	v15 =	vor.u32 v14, v15;
	_ =	sdelay $0x4  }
0x1c7: {  	[tilespmem:v15+s7+$0x0] =	vst.idx.add.f32.msk vm0, v2  }
0x1c8: {  	v15 =	vld [tilespmem:s12+$0x0];
	_ =	sdelay $0x4  }
0x1c9: {  	v15 =	vshll.u32 v15, $0x8  }
0x1ca: {  	v15 =	vor.u32 v0, v15;
	_ =	sdelay $0x4  }
0x1cb: {  	[tilespmem:v15+s7+$0x0] =	vst.idx.add.f32.msk $0xffff, v2  }
0x1cc: {  	v15 =	vld [tilespmem:s12+$0x10];
	_ =	sdelay $0x4  }
0x1cd: {  	v15 =	vshll.u32 v15, $0x8  }
0x1ce: {  	v15 =	vor.u32 v3, v15;
	_ =	sdelay $0x4  }
0x1cf: {  	[tilespmem:v15+s7+$0x0] =	vst.idx.add.f32.msk $0xffff, v2  }
0x1d0: {  	v15 =	vld [tilespmem:s12+$0x20];
	_ =	sdelay $0x4  }
0x1d1: {  	v15 =	vshll.u32 v15, $0x8  }
0x1d2: {  	v15 =	vor.u32 v4, v15;
	_ =	sdelay $0x4  }
0x1d3: {  	[tilespmem:v15+s7+$0x0] =	vst.idx.add.f32.msk $0xffff, v2  }
0x1d4: {  	v15 =	vld [tilespmem:s12+$0x30];
	_ =	sdelay $0x4  }
0x1d5: {  	v15 =	vshll.u32 v15, $0x8  }
0x1d6: {  	v15 =	vor.u32 v5, v15;
	_ =	sdelay $0x4  }
0x1d7: {  	[tilespmem:v15+s7+$0x0] =	vst.idx.add.f32.msk $0xffff, v2  }
0x1d8: {  	v15 =	vld [tilespmem:s12+$0x40];
	_ =	sdelay $0x4  }
0x1d9: {  	v15 =	vshll.u32 v15, $0x8  }
0x1da: {  	v15 =	vor.u32 v6, v15;
	_ =	sdelay $0x4  }
0x1db: {  	[tilespmem:v15+s7+$0x0] =	vst.idx.add.f32.msk $0xffff, v2  }
0x1dc: {  	v15 =	vld [tilespmem:s12+$0x50];
	_ =	sdelay $0x4  }
0x1dd: {  	v15 =	vshll.u32 v15, $0x8  }
0x1de: {  	v15 =	vor.u32 v7, v15;
	_ =	sdelay $0x4  }
0x1df: {  	[tilespmem:v15+s7+$0x0] =	vst.idx.add.f32.msk $0xffff, v2  }
0x1e0: {  	v15 =	vld [tilespmem:s12+$0x60];
	_ =	sdelay $0x4  }
0x1e1: {  	v15 =	vshll.u32 v15, $0x8  }
0x1e2: {  	v15 =	vor.u32 v8, v15;
	_ =	sdelay $0x4  }
0x1e3: {  	[tilespmem:v15+s7+$0x0] =	vst.idx.add.f32.msk $0xffff, v2  }
0x1e4: {  	v15 =	vld [tilespmem:s14+$0x200];
	_ =	sdelay $0x4  }
0x1e5: {  	v15 =	vshll.u32 v15, $0x8  }
0x1e6: {  	v15 =	vor.u32 v9, v15;
	_ =	sdelay $0x4  }
0x1e7: {  	[tilespmem:v15+s7+$0x0] =	vst.idx.add.f32.msk $0xffff, v2  }
0x1e8: {  	v15 =	vld [tilespmem:s12+$0x80];
	_ =	sdelay $0x4  }
0x1e9: {  	v15 =	vshll.u32 v15, $0x8  }
0x1ea: {  	v15 =	vor.u32 v10, v15;
	_ =	sdelay $0x4  }
0x1eb: {  	[tilespmem:v15+s7+$0x0] =	vst.idx.add.f32.msk $0xffff, v2  }
0x1ec: {  	v15 =	vld [tilespmem:s12+$0x90];
	_ =	sdelay $0x4  }
0x1ed: {  	v15 =	vshll.u32 v15, $0x8  }
0x1ee: {  	v15 =	vor.u32 v11, v15;
	_ =	sdelay $0x4  }
0x1ef: {  	[tilespmem:v15+s7+$0x0] =	vst.idx.add.f32.msk $0xffff, v2  }
0x1f0: {  	v15 =	vld [tilespmem:s12+$0xA0];
	_ =	sdelay $0x4  }
0x1f1: {  	v15 =	vshll.u32 v15, $0x8  }
0x1f2: {  	v15 =	vor.u32 v12, v15;
	_ =	sdelay $0x4  }
0x1f3: {  	[tilespmem:v15+s7+$0x0] =	vst.idx.add.f32.msk $0xffff, v2  }
0x1f4: {  	v15 =	vld [tilespmem:s12+$0xB0];
	_ =	sdelay $0x4  }
0x1f5: {  	v15 =	vshll.u32 v15, $0x8  }
0x1f6: {  	v15 =	vor.u32 v13, v15;
	_ =	sdelay $0x4  }
0x1f7: {  	[tilespmem:v15+s7+$0x0] =	vst.idx.add.f32.msk $0xffff, v2  }
0x1f8: {  	v15 =	vld [tilespmem:s12+$0xB8];
	_ =	sdelay $0x4  }
0x1f9: {  	v15 =	vshll.u32 v15, $0x8  }
0x1fa: {  	v15 =	vor.u32 v14, v15;
	_ =	sdelay $0x4  }
0x1fb: {  	[tilespmem:v15+s7+$0x0] =	vst.idx.add.f32.msk vm0, v2  }
0x1fc: {  	v15 =	vld [tilespmem:s12+$0xC8];
	_ =	sdelay $0x4  }
0x1fd: {  	v15 =	vshll.u32 v15, $0x8  }
0x1fe: {  	v15 =	vor.u32 v0, v15;
	_ =	sdelay $0x4  }
0x1ff: {  	[tilespmem:v15+s7+$0x0] =	vst.idx.add.f32.msk $0xffff, v2  }
0x200: {  	v15 =	vld [tilespmem:s12+$0xD8];
	_ =	sdelay $0x4  }
0x201: {  	v15 =	vshll.u32 v15, $0x8  }
0x202: {  	v15 =	vor.u32 v3, v15;
	_ =	sdelay $0x4  }
0x203: {  	[tilespmem:v15+s7+$0x0] =	vst.idx.add.f32.msk $0xffff, v2  }
0x204: {  	v15 =	vld [tilespmem:s12+$0xE8];
	_ =	sdelay $0x4  }
0x205: {  	v15 =	vshll.u32 v15, $0x8  }
0x206: {  	v15 =	vor.u32 v4, v15;
	_ =	sdelay $0x4  }
0x207: {  	[tilespmem:v15+s7+$0x0] =	vst.idx.add.f32.msk $0xffff, v2  }
0x208: {  	v15 =	vld [tilespmem:s12+$0xF8];
	_ =	sdelay $0x4  }
0x209: {  	v15 =	vshll.u32 v15, $0x8  }
0x20a: {  	v15 =	vor.u32 v5, v15;
	_ =	sdelay $0x4  }
0x20b: {  	[tilespmem:v15+s7+$0x0] =	vst.idx.add.f32.msk $0xffff, v2  }
0x20c: {  	v15 =	vld [tilespmem:s12+$0x108];
	_ =	sdelay $0x4  }
0x20d: {  	v15 =	vshll.u32 v15, $0x8  }
0x20e: {  	v15 =	vor.u32 v6, v15;
	_ =	sdelay $0x4  }
0x20f: {  	[tilespmem:v15+s7+$0x0] =	vst.idx.add.f32.msk $0xffff, v2  }
0x210: {  	v15 =	vld [tilespmem:s12+$0x118];
	_ =	sdelay $0x4  }
0x211: {  	v15 =	vshll.u32 v15, $0x8  }
0x212: {  	v15 =	vor.u32 v7, v15;
	_ =	sdelay $0x4  }
0x213: {  	[tilespmem:v15+s7+$0x0] =	vst.idx.add.f32.msk $0xffff, v2  }
0x214: {  	v15 =	vld [tilespmem:s12+$0x128];
	_ =	sdelay $0x4  }
0x215: {  	v15 =	vshll.u32 v15, $0x8  }
0x216: {  	v15 =	vor.u32 v8, v15;
	_ =	sdelay $0x4  }
0x217: {  	[tilespmem:v15+s7+$0x0] =	vst.idx.add.f32.msk $0xffff, v2  }
0x218: {  	v15 =	vld [tilespmem:s12+$0x138];
	_ =	sdelay $0x4  }
0x219: {  	v15 =	vshll.u32 v15, $0x8  }
0x21a: {  	v15 =	vor.u32 v9, v15;
	_ =	sdelay $0x4  }
0x21b: {  	[tilespmem:v15+s7+$0x0] =	vst.idx.add.f32.msk $0xffff, v2  }
0x21c: {  	v15 =	vld [tilespmem:s12+$0x148];
	_ =	sdelay $0x4  }
0x21d: {  	v15 =	vshll.u32 v15, $0x8  }
0x21e: {  	v15 =	vor.u32 v10, v15;
	_ =	sdelay $0x4  }
0x21f: {  	[tilespmem:v15+s7+$0x0] =	vst.idx.add.f32.msk $0xffff, v2  }
0x220: {  	v15 =	vld [tilespmem:s12+$0x158];
	_ =	sdelay $0x4  }
0x221: {  	v15 =	vshll.u32 v15, $0x8  }
0x222: {  	v15 =	vor.u32 v11, v15;
	_ =	sdelay $0x4  }
0x223: {  	[tilespmem:v15+s7+$0x0] =	vst.idx.add.f32.msk $0xffff, v2  }
0x224: {  	v15 =	vld [tilespmem:s12+$0x168];
	_ =	sdelay $0x4  }
0x225: {  	v15 =	vshll.u32 v15, $0x8  }
0x226: {  	v15 =	vor.u32 v12, v15;
	_ =	sdelay $0x4  }
0x227: {  	[tilespmem:v15+s7+$0x0] =	vst.idx.add.f32.msk $0xffff, v2  }
0x228: {  	v15 =	vld [tilespmem:s12+$0x178];
	_ =	sdelay $0x4  }
0x229: {  	v15 =	vshll.u32 v15, $0x8  }
0x22a: {  	v15 =	vor.u32 v13, v15;
	_ =	sdelay $0x4  }
0x22b: {  	[tilespmem:v15+s7+$0x0] =	vst.idx.add.f32.msk $0xffff, v2  }
0x22c: {  	v15 =	vld [tilespmem:s12+$0x180];
	_ =	sdelay $0x4  }
0x22d: {  	v15 =	vshll.u32 v15, $0x8  }
0x22e: {  	p0 =	sne.s32 s13, $0x60E0;
	v15 =	vor.u32 v14, v15  }
.Ltmp0:
0x22f: {  	_ = 	snop;
	(pc) =	sbr.rel @p0 .LBB2_2-.Ltmp0, $2  }
0x230: {  	_ =	sdelay $0x2  }
0x231: {  	s13 =	sadd.s32 $0x320, s13;
	s12 =	sadd.s32 $0x320, s12;
	[tilespmem:v15+s7+$0x0] =	vst.idx.add.f32.msk vm0, v2  }
0x232: {  	s11 =	sadd.s32 $0x1, s11  }
0x233: {  	p0 =	sne.s32 s11, s5  }
.Ltmp1:
0x234: {  	_ = 	snop;
	(pc) =	sbr.rel @p0 .LBB2_1-.Ltmp1, $4  }
0x235: {  	[hbm4b:s4+s8] =	stream.strided.scatter [tilespmem:s7], [sflag:$0x2], $0x1500, s9, s8, $0x38;
	[tilespmem:$0x7900] =	vst v63  }
0x236: {  	_ =	swait.ge [sflag:s10], $0x1500  }
0x237: {  	[sflag:s10] =	ssyncset.done $0x0  }
0x238: {  	[sflag:s10] =	ssyncadd.s32 $0xFFFFEB00  }
0x239: {  	_ =	sfence.sel $0x180000  }
0x23a: {  	[bflag:$0x0] =	sbarrier.arrive $0xFFFF  }
0x23b: {  	p0 =	sne.s32 s0, $0x0;
	_ =	strace $0x90000047  }
0x23c: {  	s0 =	sadd.s32 @!p0 $0x100000, s1;
	[bflag:$0x2] =	sbarrier.arrive $0xFFFF  }
0x23d: {  	[sflag:s0] =	ssyncadd.tile.s32 @!p0 $0x1;
	_ =	shalt  }
.Lfunc_end2:
_tile_overlayer_lowered:
.L_overlay_start_2:
0x23e: {  	(tag) =	ssettag $0x2  }
0x23f: {  	s0 =	rddreg [dreg:$0x0];
	s2 =	stileid.u32  }
0x240: {  	s1 =	rddreg [dreg:$0x1];
	p0 =	sne.s32 s2, $0x0  }
0x241: {  	s3 =	rddreg [dreg:$0x2];
	[bflag:$0x3] =	sbarrier.arrive $0xFFFF;
	s2 =	simm.s32 @!p0 $0x1C02  }
0x242: {  	[timem:s3], [sflag:s2] =	dma.local @!p0 [hbm:s0], s1  }
0x243: {  	s0 =	simm.s32 @!p0 $0x2  }
0x244: {  	_ =	swait.ge @!p0 [sflag:s0], s1  }
0x245: {  	s1 =	ssub.s32 @!p0 $0x0, s1;
	[sflag:s0] =	ssyncset.done @!p0 $0x0  }
0x246: {  	[sflag:s0] =	ssyncadd.s32 @!p0 s1  }
0x247: {  	[bflag:$0x3] =	sbarrier.arrive $0xFFFF  }
0x248: {  	_ =	shalt  }

</sc_bundles>
